<compile_context>
chip_gen: v7x
topology: tpu7x:2x2x1
jax: 0.10.2.dev20260603
libtpu: 0.0.44.dev20260713+nightly
codegen_flags: <defaults>
</compile_context>

<pallas_src>
import functools

import jax
import jax.numpy as jnp
from jax import lax
from jax.experimental import pallas as pl
from jax.experimental.pallas import tpu as pltpu
from jax.experimental.pallas import tpu_sc as plsc

_INTERPRET = False

_NC = 2
_NS = 16
_NW = _NC * _NS
_CH = 128
_LCHUNK = 64


def _round_up(x, m):
    return (x + m - 1) // m * m


def _pick_blk(n, target):
    b = min(n, target)
    while b > 8 and (n % b != 0 or b % 8 != 0):
        b -= 8 if b % 8 == 0 else b % 8
    return b


@functools.lru_cache(maxsize=None)
def _sc_gather(n_idx, width):
    cw = _round_up(-(-n_idx // _NW), _CH)
    nit = cw // _CH
    mesh = plsc.VectorSubcoreMesh(core_axis_name="c", subcore_axis_name="s")

    def body(table_h, idx_h, out_h, idx_v, rows_v, sem):
        w = lax.axis_index("s") * _NC + lax.axis_index("c")
        base = jnp.minimum(w * cw, n_idx - cw)

        def it(i, carry):
            b = base + i * _CH
            pltpu.sync_copy(idx_h.at[pl.ds(b, _CH)], idx_v)
            pltpu.async_copy(table_h.at[idx_v], rows_v, sem).wait()
            pltpu.sync_copy(rows_v, out_h.at[pl.ds(b, _CH)])
            return carry

        lax.fori_loop(0, nit, it, 0)

    def call(table, idx):
        return pl.kernel(
            body,
            out_type=jax.ShapeDtypeStruct((n_idx, width), jnp.float32),
            mesh=mesh,
            scratch_types=[
                pltpu.VMEM((_CH,), jnp.int32),
                pltpu.VMEM((_CH, width), jnp.float32),
                pltpu.SemaphoreType.DMA,
            ],
            interpret=_INTERPRET,
        )(table, idx)

    return call


@functools.lru_cache(maxsize=None)
def _sc_scatter2(n_edges, width, n_x_rows):
    cw = _round_up(-(-n_edges // _NW), _CH)
    nit = cw // _CH
    mesh = plsc.VectorSubcoreMesh(core_axis_name="c", subcore_axis_name="s")

    def body(ds_h, do_h, rs_h, ro_h, x_h, idx_v, rows_v, sem):
        w = lax.axis_index("s") * _NC + lax.axis_index("c")
        base = jnp.minimum(w * cw, n_edges - cw)

        def it(i, carry):
            b = base + i * _CH
            pltpu.sync_copy(rs_h.at[pl.ds(b, _CH)], idx_v)
            pltpu.sync_copy(ds_h.at[pl.ds(b, _CH)], rows_v)
            pltpu.async_copy(rows_v, x_h.at[idx_v], sem).wait()
            pltpu.sync_copy(ro_h.at[pl.ds(b, _CH)], idx_v)
            pltpu.sync_copy(do_h.at[pl.ds(b, _CH)], rows_v)
            pltpu.async_copy(rows_v, x_h.at[idx_v], sem).wait()
            return carry

        lax.fori_loop(0, nit, it, 0)

    def call(data_s, data_o, rows_s, rows_o):
        return pl.kernel(
            body,
            out_type=jax.ShapeDtypeStruct((n_x_rows, width), jnp.float32),
            mesh=mesh,
            scratch_types=[
                pltpu.VMEM((_CH,), jnp.int32),
                pltpu.VMEM((_CH, width), jnp.float32),
                pltpu.SemaphoreType.DMA,
            ],
            interpret=_INTERPRET,
        )(data_s, data_o, rows_s, rows_o)

    return call


def _a0_body(obj_ref, w_ref, b_ref, a_ref, bb_ref, p_ref, *, Hh):
    r = jnp.dot(obj_ref[...], w_ref[...], preferred_element_type=jnp.float32)
    r = r + b_ref[0:1, :]
    a_ref[...] = r[:, :Hh]
    bb_ref[...] = r[:, Hh:2 * Hh]
    p_ref[...] = r[:, 2 * Hh:]


def _h0_body(b_ref, h0_ref, c0_ref, *, Hh):
    g = b_ref[...]
    i = jax.nn.sigmoid(g[:, :Hh])
    gg = jnp.tanh(g[:, 2 * Hh:3 * Hh])
    o = jax.nn.sigmoid(g[:, 3 * Hh:])
    c0 = i * gg
    h0_ref[...] = o * jnp.tanh(c0)
    c0_ref[...] = c0


def _mlp_body(pred_ref, as_ref, bo_ref, w1m_ref, b1_ref, w2_ref, b2_ref,
              ns_ref, np_ref, no_ref, *, Hh, Dout):
    p = jnp.dot(pred_ref[...], w1m_ref[...], preferred_element_type=jnp.float32)
    h1 = jnp.maximum(p + as_ref[...] + bo_ref[...] + b1_ref[0:1, :], 0.0)
    nt = jnp.dot(h1, w2_ref[...], preferred_element_type=jnp.float32)
    nt = jnp.maximum(nt + b2_ref[0:1, :], 0.0)
    ns_ref[...] = nt[:, :Hh]
    np_ref[...] = nt[:, Hh:Hh + Dout]
    no_ref[...] = nt[:, Hh + Dout:]


def _lstm_body(scal_ref, x_ref, hin_ref, cin_ref, w_ref, b_ref,
               hout_ref, cout_ref, *, Hh, nblk, blk):
    t = pl.program_id(0)

    @pl.when(t == 0)
    def _():
        hout_ref[...] = hin_ref[...]
        cout_ref[...] = cin_ref[...]

    k_t = scal_ref[t]

    for b in range(nblk):
        @pl.when(k_t > b * blk)
        def _(b=b):
            sl = pl.ds(b * blk, blk)
            x = x_ref[sl, :]
            h = hout_ref[sl, :]
            c = cout_ref[sl, :]
            xh = jnp.concatenate([x, h], axis=1)
            g = jnp.dot(xh, w_ref[...], preferred_element_type=jnp.float32)
            g = g + b_ref[0:1, :]
            ig = jax.nn.sigmoid(g[:, :Hh])
            fg = jax.nn.sigmoid(g[:, Hh:2 * Hh])
            gg = jnp.tanh(g[:, 2 * Hh:3 * Hh])
            og = jax.nn.sigmoid(g[:, 3 * Hh:])
            cn = fg * c + ig * gg
            hn = og * jnp.tanh(cn)
            row = lax.broadcasted_iota(jnp.int32, (blk, 1), 0) + b * blk
            m = row < k_t
            hout_ref[sl, :] = jnp.where(m, hn, h)
            cout_ref[sl, :] = jnp.where(m, cn, c)


def _fin_body(h_ref, p_ref, w_ref, b_ref, out_ref):
    hp = jnp.concatenate([h_ref[...], p_ref[...]], axis=1)
    out_ref[...] = jnp.dot(hp, w_ref[...], preferred_element_type=jnp.float32) + b_ref[0:1, :]


def _const(shape):
    return pl.BlockSpec(shape, lambda t: tuple(0 for _ in shape))


def kernel(obj_vecs, pred_vecs, edges, W1, b1, W2, b2, W_ih, W_hh, b_ih, b_hh,
           W_proj, b_proj, W_out, b_out):
    f32 = jnp.float32
    O, D = obj_vecs.shape
    T = pred_vecs.shape[0]
    H = W_ih.shape[0]
    DOUT = W_out.shape[1]
    blk = _pick_blk(O, 2000)
    nblk = O // blk
    bt = _pick_blk(T, 2000)

    s_idx = edges[:, 0]
    o_idx = edges[:, 1]
    out_deg = jnp.bincount(s_idx, length=O).astype(jnp.int32)
    in_deg = jnp.bincount(o_idx, length=O).astype(jnp.int32)
    deg = out_deg + in_deg

    def group_rank(idx, counts):
        order = jnp.argsort(idx)
        starts = jnp.cumsum(counts) - counts
        pos_sorted = (jnp.arange(T, dtype=jnp.int32)
                      - starts[idx[order]].astype(jnp.int32))
        return jnp.zeros((T,), jnp.int32).at[order].set(pos_sorted)

    rank_s = group_rank(s_idx, out_deg)
    rank_o = group_rank(o_idx, in_deg)

    perm = jnp.argsort(-deg)
    pos_of = jnp.zeros((O,), jnp.int32).at[perm].set(jnp.arange(O, dtype=jnp.int32))
    deg_sorted = deg[perm]
    n_steps = deg_sorted[0]

    slot_s = rank_s
    slot_o = out_deg[o_idx].astype(jnp.int32) + rank_o
    col_s = pos_of[s_idx]
    col_o = pos_of[o_idx]

    w_cat = jnp.concatenate([W1[:D], W1[2 * D:], W_proj], axis=1)
    b_cat = jnp.concatenate([jnp.zeros((2 * H,), f32), b_proj])
    b_cat8 = jnp.broadcast_to(b_cat[None, :], (8, 3 * H))
    a_tab, b_tab, prev_tab = pl.pallas_call(
        functools.partial(_a0_body, Hh=H),
        grid=(O // blk,),
        in_specs=[
            pl.BlockSpec((blk, D), lambda t: (t, 0)),
            _const((D, 3 * H)),
            _const((8, 3 * H)),
        ],
        out_specs=[pl.BlockSpec((blk, H), lambda t: (t, 0))] * 3,
        out_shape=[jax.ShapeDtypeStruct((O, H), f32)] * 3,
        interpret=_INTERPRET,
    )(obj_vecs, w_cat, b_cat8)

    gat_t = _sc_gather(T, H)
    a_s = gat_t(a_tab, s_idx)
    b_o = gat_t(b_tab, o_idx)
    prev_sorted = _sc_gather(O, H)(prev_tab, perm)

    b1_8 = jnp.broadcast_to(b1[None, :], (8, H))
    b2_8 = jnp.broadcast_to(b2[None, :], (8, 2 * H + DOUT))
    new_s, new_p, new_o = pl.pallas_call(
        functools.partial(_mlp_body, Hh=H, Dout=DOUT),
        grid=(T // bt,),
        in_specs=[
            pl.BlockSpec((bt, D), lambda t: (t, 0)),
            pl.BlockSpec((bt, H), lambda t: (t, 0)),
            pl.BlockSpec((bt, H), lambda t: (t, 0)),
            _const((D, H)),
            _const((8, H)),
            _const((H, 2 * H + DOUT)),
            _const((8, 2 * H + DOUT)),
        ],
        out_specs=[
            pl.BlockSpec((bt, H), lambda t: (t, 0)),
            pl.BlockSpec((bt, DOUT), lambda t: (t, 0)),
            pl.BlockSpec((bt, H), lambda t: (t, 0)),
        ],
        out_shape=[
            jax.ShapeDtypeStruct((T, H), f32),
            jax.ShapeDtypeStruct((T, DOUT), f32),
            jax.ShapeDtypeStruct((T, H), f32),
        ],
        interpret=_INTERPRET,
    )(pred_vecs, a_s, b_o, W1[D:2 * D], b1_8, W2, b2_8)

    w_g = jnp.concatenate([W_ih, W_hh], axis=0)
    bias4 = jnp.broadcast_to((b_ih + b_hh)[None, :], (8, 4 * H))
    h0, c0 = pl.pallas_call(
        functools.partial(_h0_body, Hh=H),
        out_shape=[jax.ShapeDtypeStruct((8, H), f32)] * 2,
        interpret=_INTERPRET,
    )(bias4)
    h_init = jnp.broadcast_to(h0[0:1, :], (O, H))
    c_init = jnp.broadcast_to(c0[0:1, :], (O, H))

    trash = _LCHUNK * O
    n_x_rows = (_LCHUNK + 1) * O
    scat = _sc_scatter2(T, H, n_x_rows)

    lstm_call = pl.pallas_call(
        functools.partial(_lstm_body, Hh=H, nblk=nblk, blk=blk),
        grid=(_LCHUNK,),
        in_specs=[
            pl.BlockSpec(memory_space=pltpu.SMEM),
            pl.BlockSpec((O, H), lambda t: (t, 0)),
            _const((O, H)),
            _const((O, H)),
            _const((2 * H, 4 * H)),
            _const((8, 4 * H)),
        ],
        out_specs=[_const((O, H)), _const((O, H))],
        out_shape=[jax.ShapeDtypeStruct((O, H), f32)] * 2,
        input_output_aliases={2: 0, 3: 1},
        interpret=_INTERPRET,
    )

    steps_iota = jnp.arange(_LCHUNK, dtype=jnp.int32)

    def chunk_body(state):
        c, h, cc = state
        c0s = c * _LCHUNK
        win_s = (slot_s >= c0s) & (slot_s < c0s + _LCHUNK)
        rows_s = jnp.where(win_s, (slot_s - c0s) * O + col_s, trash)
        win_o = (slot_o >= c0s) & (slot_o < c0s + _LCHUNK)
        rows_o = jnp.where(win_o, (slot_o - c0s) * O + col_o, trash)
        x = scat(new_s, new_o, rows_s, rows_o)
        k_arr = jnp.sum(deg_sorted[None, :] > (c0s + steps_iota)[:, None],
                        axis=1, dtype=jnp.int32)
        h, cc = lstm_call(k_arr, x, h, cc, w_g, bias4)
        return (c + 1, h, cc)

    _, h_fin, _ = lax.while_loop(
        lambda st: st[0] * _LCHUNK < n_steps,
        chunk_body,
        (jnp.int32(0), h_init, c_init),
    )

    bo_8 = jnp.broadcast_to(b_out[None, :], (8, DOUT))
    out_sorted = pl.pallas_call(
        _fin_body,
        grid=(O // blk,),
        in_specs=[
            pl.BlockSpec((blk, H), lambda t: (t, 0)),
            pl.BlockSpec((blk, H), lambda t: (t, 0)),
            _const((2 * H, DOUT)),
            _const((8, DOUT)),
        ],
        out_specs=pl.BlockSpec((blk, DOUT), lambda t: (t, 0)),
        out_shape=jax.ShapeDtypeStruct((O, DOUT), f32),
        interpret=_INTERPRET,
    )(h_fin, prev_sorted, W_out, bo_8)
    new_obj = _sc_gather(O, DOUT)(out_sorted, pos_of)

    return (new_obj, new_p)

# --- scband reference (transcript-rebuilt; emitter-appended) ---
"""Pipeline reference for scband-graph-sage-lstmconv-80865644249293 (READ-ONLY COPY).

The authoritative reference and input builder live on the scoring server;
editing this copy changes nothing except your own understanding.
"""

import jax, jax.numpy as jnp
import numpy as np

O = 10000
T = 160000
D = 128
H = 128
DOUT = 128


def _init(key, shape, fan_in):
    return jax.random.normal(key, shape, jnp.float32) * np.sqrt(2.0 / fan_in)


def setup_inputs(seed: int = 0):
    key = jax.random.key(seed)
    ks = jax.random.split(key, 16)
    inp = {}
    inp["obj_vecs"] = jax.random.normal(ks[0], (O, D), jnp.float32)
    inp["pred_vecs"] = jax.random.normal(ks[1], (T, D), jnp.float32)
    inp["edges"] = jax.random.randint(ks[2], (T, 2), 0, O, dtype=jnp.int32)
    inp["W1"] = _init(ks[3], (3 * D, H), 3 * D)
    inp["b1"] = jnp.zeros((H,), jnp.float32)
    inp["W2"] = _init(ks[4], (H, 2 * H + DOUT), H)
    inp["b2"] = jnp.zeros((2 * H + DOUT,), jnp.float32)
    inp["W_ih"] = _init(ks[5], (H, 4 * H), H)
    inp["W_hh"] = _init(ks[6], (H, 4 * H), H)
    inp["b_ih"] = jnp.zeros((4 * H,), jnp.float32)
    inp["b_hh"] = jnp.zeros((4 * H,), jnp.float32)
    inp["W_proj"] = _init(ks[7], (D, H), D)
    inp["b_proj"] = jnp.zeros((H,), jnp.float32)
    inp["W_out"] = _init(ks[8], (2 * H, DOUT), 2 * H)
    inp["b_out"] = jnp.zeros((DOUT,), jnp.float32)
    return inp


def _group_ranks(idx, n):
    # rank of each element within its group (stable, in original edge order)
    order = jnp.argsort(idx)
    sorted_idx = idx[order]
    counts = jnp.bincount(idx, length=n)
    starts = jnp.cumsum(counts) - counts
    pos_sorted = jnp.arange(idx.shape[0], dtype=idx.dtype) - starts[sorted_idx].astype(idx.dtype)
    return jnp.zeros_like(idx).at[order].set(pos_sorted)


def reference(obj_vecs, pred_vecs, edges, W1, b1, W2, b2, W_ih, W_hh, b_ih, b_hh, W_proj, b_proj, W_out, b_out):
    s_idx = edges[:, 0]
    o_idx = edges[:, 1]
    out_deg = jnp.bincount(s_idx, length=O)
    in_deg = jnp.bincount(o_idx, length=O)
    lengths = 1 + out_deg + in_deg  # leading zero vector + s-contribs + o-contribs
    L_max = jnp.max(lengths)
    n_edges = s_idx.shape[0]
    order_s = jnp.argsort(s_idx)
    order_o = jnp.argsort(o_idx)
    starts_s = jnp.cumsum(out_deg) - out_deg
    starts_o = jnp.cumsum(in_deg) - in_deg

    # net1 MLP (sg2im-style build_mlp: Linear->ReLU->Linear->ReLU, no norm)
    cur_t = jnp.concatenate([obj_vecs[s_idx], pred_vecs, obj_vecs[o_idx]], axis=1)
    h1 = jax.nn.relu(cur_t @ W1 + b1)
    new_t = jax.nn.relu(h1 @ W2 + b2)
    new_s = new_t[:, :H]
    new_p = new_t[:, H:H + DOUT]
    new_o = new_t[:, H + DOUT:]

    # Per-node sequence: slot 0 is the zeros row the torch code prepends,
    # then this node's s-messages then o-messages in edge order (deterministic order
    # replacing torch.randperm). The time-t input row for each node is gathered
    # on the fly instead of materializing the padded tensor.
    bias = b_ih + b_hh

    def step(t, carry):
        h, c = carry
        idx_s = jnp.clip(starts_s + (t - 1), 0, n_edges - 1)
        idx_o = jnp.clip(starts_o + (t - 1) - out_deg, 0, n_edges - 1)
        x_s = new_s[order_s[idx_s]]
        x_o = new_o[order_o[idx_o]]
        use_s = (t >= 1) & (t <= out_deg)
        use_o = (t > out_deg) & (t < lengths)
        x_t = jnp.where(use_s[:, None], x_s,
                        jnp.where(use_o[:, None], x_o, jnp.zeros_like(x_s)))
        gates = x_t @ W_ih + h @ W_hh + bias
        i_g = jax.nn.sigmoid(gates[:, :H])
        f_g = jax.nn.sigmoid(gates[:, H:2 * H])
        g_g = jnp.tanh(gates[:, 2 * H:3 * H])
        o_g = jax.nn.sigmoid(gates[:, 3 * H:])
        c_new = f_g * c + i_g * g_g
        h_new = o_g * jnp.tanh(c_new)
        mask = (t < lengths)[:, None]
        return (jnp.where(mask, h_new, h), jnp.where(mask, c_new, c))

    init = (jnp.zeros((O, H), jnp.float32), jnp.zeros((O, H), jnp.float32))
    h_fin, _c_fin = jax.lax.fori_loop(0, L_max, step, init)
    pooled_obj_vecs = h_fin  # h_n per node

    prev_obj_vecs = obj_vecs @ W_proj + b_proj
    new_obj_vecs = jnp.concatenate([pooled_obj_vecs, prev_obj_vecs], axis=1) @ W_out + b_out
    return (new_obj_vecs, new_p)

if __name__ == "__main__":
    import jax
    _d = setup_inputs()
    print(jax.jit(kernel)(*tuple(_d.values())))

</pallas_src>

<mosaic_0001>
#map = affine_map<(d0, d1) -> (0, 0)>
#map1 = affine_map<(d0, d1) -> (0)>
module attributes {stable_mosaic.version = 14 : i64} {
  func.func @body(%arg0: i32, %arg1: i32, %arg2: memref<10000x128xf32, #tpu.memory_space<hbm>>, %arg3: memref<160000xi32, #tpu.memory_space<hbm>>, %arg4: memref<160000x128xf32, #tpu.memory_space<hbm>>, %arg5: memref<128xi32, #tpu.memory_space<vmem>>, %arg6: memref<128x128xf32, #tpu.memory_space<vmem>>, %arg7: memref<!tpu.dma_semaphore, #tpu.memory_space<semaphore_mem>>) attributes {dimension_semantics = [#tpu.dimension_semantics<core_parallel>, #tpu.dimension_semantics<subcore_parallel>], iteration_bounds = array<i64: 2, 16>, scalar_prefetch = 0 : i64, scratch_operands = 3 : i64, tpu.core_type = #tpu.core_type<sc_vector_subcore>, window_params = [{transform_indices = #map}, {transform_indices = #map1}, {transform_indices = #map}]} {
    %mul3A = arith.constant 2 : i32
    %mul3A_0 = arith.muli %arg1, %mul3A : i32
    %add3A = arith.addi %mul3A_0, %arg0 : i32
    %mul3A_1 = arith.constant 5120 : i32
    %mul3A_2 = arith.muli %add3A, %mul3A_1 : i32
    %min3A = arith.constant 154880 : i32
    %min3A_3 = arith.minsi %mul3A_2, %min3A : i32
    %scan3A = arith.constant 0 : i32
    %scan3A_4 = arith.constant 0 : i32
    %scan3A_5 = arith.constant 40 : i32
    %scan3A_6 = arith.addi %scan3A_4, %scan3A_5 : i32
    %scan3A_7 = arith.constant 1 : i32
    scf.for %scan3A_9 = %scan3A_4 to %scan3A_6 step %scan3A_7  : i32 {
      %mul3A_10 = arith.constant 128 : i32
      %mul3A_11 = arith.muli %scan3A_9, %mul3A_10 : i32
      %add3A_12 = arith.addi %min3A_3, %mul3A_11 : i32
      "tpu.region"() ({
        %run_scoped3A = tpu.sem_alloc : memref<!tpu.dma_semaphore, #tpu.memory_space<semaphore_mem>>
        %dma_start3A_17 = tpu.memref_slice %arg3[%add3A_12] : memref<160000xi32, #tpu.memory_space<hbm>> -> memref<128xi32, #tpu.memory_space<hbm>>
        %dma_start3A_18 = tpu.memref_slice %arg3[%add3A_12] : memref<160000xi32, #tpu.memory_space<hbm>> -> memref<128xi32, #tpu.memory_space<hbm>>
        tpu.enqueue_dma source(%dma_start3A_18 : memref<128xi32, #tpu.memory_space<hbm>>) target(%arg5 : memref<128xi32, #tpu.memory_space<vmem>>) target_semaphore(%run_scoped3A : memref<!tpu.dma_semaphore, #tpu.memory_space<semaphore_mem>>)
        %dma_wait3A_19 = tpu.memref_slice %arg3[%add3A_12] : memref<160000xi32, #tpu.memory_space<hbm>> -> memref<128xi32, #tpu.memory_space<hbm>>
        %dma_wait3A_20 = tpu.memref_slice %arg3[%add3A_12] : memref<160000xi32, #tpu.memory_space<hbm>> -> memref<128xi32, #tpu.memory_space<hbm>>
        tpu.wait_dma2 semaphore(%run_scoped3A : memref<!tpu.dma_semaphore, #tpu.memory_space<semaphore_mem>>) src(%dma_wait3A_20 : memref<128xi32, #tpu.memory_space<hbm>>) dst(%arg5 : memref<128xi32, #tpu.memory_space<vmem>>)
        tpu.yield
      }) : () -> ()
      %dma_start3A = arith.constant 0 : i32
      %dma_start3A_13 = arith.constant 0 : i32
      %dma_start3A_14 = tpu.memref_slice %arg2[%dma_start3A, %dma_start3A_13] : memref<10000x128xf32, #tpu.memory_space<hbm>> -> memref<10000x128xf32, #tpu.memory_space<hbm>>
      tpu.enqueue_indirect_dma source(%dma_start3A_14 : memref<10000x128xf32, #tpu.memory_space<hbm>>) target(%arg6 : memref<128x128xf32, #tpu.memory_space<vmem>>) offsets(%arg5 : memref<128xi32, #tpu.memory_space<vmem>>) semaphore(%arg7 : memref<!tpu.dma_semaphore, #tpu.memory_space<semaphore_mem>>)
      %dma_wait3A = arith.constant 0 : i32
      %dma_wait3A_15 = arith.constant 0 : i32
      %dma_wait3A_16 = tpu.memref_slice %arg2[%dma_wait3A, %dma_wait3A_15] : memref<10000x128xf32, #tpu.memory_space<hbm>> -> memref<10000x128xf32, #tpu.memory_space<hbm>>
      tpu.wait_indirect_dma semaphore(%arg7 : memref<!tpu.dma_semaphore, #tpu.memory_space<semaphore_mem>>) src(%dma_wait3A_16 : memref<10000x128xf32, #tpu.memory_space<hbm>>) dst(%arg6 : memref<128x128xf32, #tpu.memory_space<vmem>>)
      "tpu.region"() ({
        %run_scoped3A = tpu.sem_alloc : memref<!tpu.dma_semaphore, #tpu.memory_space<semaphore_mem>>
        %dma_start3A_17 = arith.constant 0 : i32
        %dma_start3A_18 = tpu.memref_slice %arg4[%add3A_12, %dma_start3A_17] : memref<160000x128xf32, #tpu.memory_space<hbm>> -> memref<128x128xf32, #tpu.memory_space<hbm>>
        %dma_start3A_19 = arith.constant 0 : i32
        %dma_start3A_20 = tpu.memref_slice %arg4[%add3A_12, %dma_start3A_19] : memref<160000x128xf32, #tpu.memory_space<hbm>> -> memref<128x128xf32, #tpu.memory_space<hbm>>
        tpu.enqueue_dma source(%arg6 : memref<128x128xf32, #tpu.memory_space<vmem>>) target(%dma_start3A_20 : memref<128x128xf32, #tpu.memory_space<hbm>>) target_semaphore(%run_scoped3A : memref<!tpu.dma_semaphore, #tpu.memory_space<semaphore_mem>>)
        %dma_wait3A_21 = arith.constant 0 : i32
        %dma_wait3A_22 = tpu.memref_slice %arg4[%add3A_12, %dma_wait3A_21] : memref<160000x128xf32, #tpu.memory_space<hbm>> -> memref<128x128xf32, #tpu.memory_space<hbm>>
        %dma_wait3A_23 = arith.constant 0 : i32
        %dma_wait3A_24 = tpu.memref_slice %arg4[%add3A_12, %dma_wait3A_23] : memref<160000x128xf32, #tpu.memory_space<hbm>> -> memref<128x128xf32, #tpu.memory_space<hbm>>
        tpu.wait_dma2 semaphore(%run_scoped3A : memref<!tpu.dma_semaphore, #tpu.memory_space<semaphore_mem>>) src(%arg6 : memref<128x128xf32, #tpu.memory_space<vmem>>) dst(%dma_wait3A_24 : memref<128x128xf32, #tpu.memory_space<hbm>>)
        tpu.yield
      }) : () -> ()
    }
    %scan3A_8 = arith.constant 40 : i32
    return
  }
}

#map = affine_map<(d0, d1) -> (0, 0)>
#map1 = affine_map<(d0, d1) -> (0)>
module attributes {stable_mosaic.version = 14 : i64} {
  func.func @body(%arg0: i32, %arg1: i32, %arg2: memref<10000x128xf32, #tpu.memory_space<hbm>>, %arg3: memref<160000xi32, #tpu.memory_space<hbm>>, %arg4: memref<160000x128xf32, #tpu.memory_space<hbm>>, %arg5: memref<128xi32, #tpu.memory_space<vmem>>, %arg6: memref<128x128xf32, #tpu.memory_space<vmem>>, %arg7: memref<!tpu.dma_semaphore, #tpu.memory_space<semaphore_mem>>) attributes {dimension_semantics = [#tpu.dimension_semantics<core_parallel>, #tpu.dimension_semantics<subcore_parallel>], iteration_bounds = array<i64: 2, 16>, scalar_prefetch = 0 : i64, scratch_operands = 3 : i64, tpu.core_type = #tpu.core_type<sc_vector_subcore>, window_params = [{transform_indices = #map}, {transform_indices = #map1}, {transform_indices = #map}]} {
    %mul3A = arith.constant 2 : i32
    %mul3A_0 = arith.muli %arg1, %mul3A : i32
    %add3A = arith.addi %mul3A_0, %arg0 : i32
    %mul3A_1 = arith.constant 5120 : i32
    %mul3A_2 = arith.muli %add3A, %mul3A_1 : i32
    %min3A = arith.constant 154880 : i32
    %min3A_3 = arith.minsi %mul3A_2, %min3A : i32
    %scan3A = arith.constant 0 : i32
    %scan3A_4 = arith.constant 0 : i32
    %scan3A_5 = arith.constant 40 : i32
    %scan3A_6 = arith.addi %scan3A_4, %scan3A_5 : i32
    %scan3A_7 = arith.constant 1 : i32
    scf.for %scan3A_9 = %scan3A_4 to %scan3A_6 step %scan3A_7  : i32 {
      %mul3A_10 = arith.constant 128 : i32
      %mul3A_11 = arith.muli %scan3A_9, %mul3A_10 : i32
      %add3A_12 = arith.addi %min3A_3, %mul3A_11 : i32
      "tpu.region"() ({
        %run_scoped3A = tpu.sem_alloc : memref<!tpu.dma_semaphore, #tpu.memory_space<semaphore_mem>>
        %dma_start3A_17 = tpu.memref_slice %arg3[%add3A_12] : memref<160000xi32, #tpu.memory_space<hbm>> -> memref<128xi32, #tpu.memory_space<hbm>>
        %dma_start3A_18 = tpu.memref_slice %arg3[%add3A_12] : memref<160000xi32, #tpu.memory_space<hbm>> -> memref<128xi32, #tpu.memory_space<hbm>>
        tpu.enqueue_dma source(%dma_start3A_18 : memref<128xi32, #tpu.memory_space<hbm>>) target(%arg5 : memref<128xi32, #tpu.memory_space<vmem>>) target_semaphore(%run_scoped3A : memref<!tpu.dma_semaphore, #tpu.memory_space<semaphore_mem>>)
        %dma_wait3A_19 = tpu.memref_slice %arg3[%add3A_12] : memref<160000xi32, #tpu.memory_space<hbm>> -> memref<128xi32, #tpu.memory_space<hbm>>
        %dma_wait3A_20 = tpu.memref_slice %arg3[%add3A_12] : memref<160000xi32, #tpu.memory_space<hbm>> -> memref<128xi32, #tpu.memory_space<hbm>>
        tpu.wait_dma2 semaphore(%run_scoped3A : memref<!tpu.dma_semaphore, #tpu.memory_space<semaphore_mem>>) src(%dma_wait3A_20 : memref<128xi32, #tpu.memory_space<hbm>>) dst(%arg5 : memref<128xi32, #tpu.memory_space<vmem>>)
        tpu.yield
      }) : () -> ()
      %dma_start3A = arith.constant 0 : i32
      %dma_start3A_13 = arith.constant 0 : i32
      %dma_start3A_14 = tpu.memref_slice %arg2[%dma_start3A, %dma_start3A_13] : memref<10000x128xf32, #tpu.memory_space<hbm>> -> memref<10000x128xf32, #tpu.memory_space<hbm>>
      tpu.enqueue_indirect_dma source(%dma_start3A_14 : memref<10000x128xf32, #tpu.memory_space<hbm>>) target(%arg6 : memref<128x128xf32, #tpu.memory_space<vmem>>) offsets(%arg5 : memref<128xi32, #tpu.memory_space<vmem>>) semaphore(%arg7 : memref<!tpu.dma_semaphore, #tpu.memory_space<semaphore_mem>>)
      %dma_wait3A = arith.constant 0 : i32
      %dma_wait3A_15 = arith.constant 0 : i32
      %dma_wait3A_16 = tpu.memref_slice %arg2[%dma_wait3A, %dma_wait3A_15] : memref<10000x128xf32, #tpu.memory_space<hbm>> -> memref<10000x128xf32, #tpu.memory_space<hbm>>
      tpu.wait_indirect_dma semaphore(%arg7 : memref<!tpu.dma_semaphore, #tpu.memory_space<semaphore_mem>>) src(%dma_wait3A_16 : memref<10000x128xf32, #tpu.memory_space<hbm>>) dst(%arg6 : memref<128x128xf32, #tpu.memory_space<vmem>>)
      "tpu.region"() ({
        %run_scoped3A = tpu.sem_alloc : memref<!tpu.dma_semaphore, #tpu.memory_space<semaphore_mem>>
        %dma_start3A_17 = arith.constant 0 : i32
        %dma_start3A_18 = tpu.memref_slice %arg4[%add3A_12, %dma_start3A_17] : memref<160000x128xf32, #tpu.memory_space<hbm>> -> memref<128x128xf32, #tpu.memory_space<hbm>>
        %dma_start3A_19 = arith.constant 0 : i32
        %dma_start3A_20 = tpu.memref_slice %arg4[%add3A_12, %dma_start3A_19] : memref<160000x128xf32, #tpu.memory_space<hbm>> -> memref<128x128xf32, #tpu.memory_space<hbm>>
        tpu.enqueue_dma source(%arg6 : memref<128x128xf32, #tpu.memory_space<vmem>>) target(%dma_start3A_20 : memref<128x128xf32, #tpu.memory_space<hbm>>) target_semaphore(%run_scoped3A : memref<!tpu.dma_semaphore, #tpu.memory_space<semaphore_mem>>)
        %dma_wait3A_21 = arith.constant 0 : i32
        %dma_wait3A_22 = tpu.memref_slice %arg4[%add3A_12, %dma_wait3A_21] : memref<160000x128xf32, #tpu.memory_space<hbm>> -> memref<128x128xf32, #tpu.memory_space<hbm>>
        %dma_wait3A_23 = arith.constant 0 : i32
        %dma_wait3A_24 = tpu.memref_slice %arg4[%add3A_12, %dma_wait3A_23] : memref<160000x128xf32, #tpu.memory_space<hbm>> -> memref<128x128xf32, #tpu.memory_space<hbm>>
        tpu.wait_dma2 semaphore(%run_scoped3A : memref<!tpu.dma_semaphore, #tpu.memory_space<semaphore_mem>>) src(%arg6 : memref<128x128xf32, #tpu.memory_space<vmem>>) dst(%dma_wait3A_24 : memref<128x128xf32, #tpu.memory_space<hbm>>)
        tpu.yield
      }) : () -> ()
    }
    %scan3A_8 = arith.constant 40 : i32
    return
  }
}

#map = affine_map<(d0, d1) -> (0, 0)>
#map1 = affine_map<(d0, d1) -> (0)>
module attributes {stable_mosaic.version = 14 : i64} {
  func.func @body(%arg0: i32, %arg1: i32, %arg2: memref<10000x128xf32, #tpu.memory_space<hbm>>, %arg3: memref<10000xi32, #tpu.memory_space<hbm>>, %arg4: memref<10000x128xf32, #tpu.memory_space<hbm>>, %arg5: memref<128xi32, #tpu.memory_space<vmem>>, %arg6: memref<128x128xf32, #tpu.memory_space<vmem>>, %arg7: memref<!tpu.dma_semaphore, #tpu.memory_space<semaphore_mem>>) attributes {dimension_semantics = [#tpu.dimension_semantics<core_parallel>, #tpu.dimension_semantics<subcore_parallel>], iteration_bounds = array<i64: 2, 16>, scalar_prefetch = 0 : i64, scratch_operands = 3 : i64, tpu.core_type = #tpu.core_type<sc_vector_subcore>, window_params = [{transform_indices = #map}, {transform_indices = #map1}, {transform_indices = #map}]} {
    %mul3A = arith.constant 2 : i32
    %mul3A_0 = arith.muli %arg1, %mul3A : i32
    %add3A = arith.addi %mul3A_0, %arg0 : i32
    %mul3A_1 = arith.constant 384 : i32
    %mul3A_2 = arith.muli %add3A, %mul3A_1 : i32
    %min3A = arith.constant 9616 : i32
    %min3A_3 = arith.minsi %mul3A_2, %min3A : i32
    %scan3A = arith.constant 0 : i32
    %scan3A_4 = arith.constant 0 : i32
    %scan3A_5 = arith.constant 3 : i32
    %scan3A_6 = arith.addi %scan3A_4, %scan3A_5 : i32
    %scan3A_7 = arith.constant 1 : i32
    scf.for %scan3A_9 = %scan3A_4 to %scan3A_6 step %scan3A_7  : i32 {
      %mul3A_10 = arith.constant 128 : i32
      %mul3A_11 = arith.muli %scan3A_9, %mul3A_10 : i32
      %add3A_12 = arith.addi %min3A_3, %mul3A_11 : i32
      "tpu.region"() ({
        %run_scoped3A = tpu.sem_alloc : memref<!tpu.dma_semaphore, #tpu.memory_space<semaphore_mem>>
        %dma_start3A_17 = tpu.memref_slice %arg3[%add3A_12] : memref<10000xi32, #tpu.memory_space<hbm>> -> memref<128xi32, #tpu.memory_space<hbm>>
        %dma_start3A_18 = tpu.memref_slice %arg3[%add3A_12] : memref<10000xi32, #tpu.memory_space<hbm>> -> memref<128xi32, #tpu.memory_space<hbm>>
        tpu.enqueue_dma source(%dma_start3A_18 : memref<128xi32, #tpu.memory_space<hbm>>) target(%arg5 : memref<128xi32, #tpu.memory_space<vmem>>) target_semaphore(%run_scoped3A : memref<!tpu.dma_semaphore, #tpu.memory_space<semaphore_mem>>)
        %dma_wait3A_19 = tpu.memref_slice %arg3[%add3A_12] : memref<10000xi32, #tpu.memory_space<hbm>> -> memref<128xi32, #tpu.memory_space<hbm>>
        %dma_wait3A_20 = tpu.memref_slice %arg3[%add3A_12] : memref<10000xi32, #tpu.memory_space<hbm>> -> memref<128xi32, #tpu.memory_space<hbm>>
        tpu.wait_dma2 semaphore(%run_scoped3A : memref<!tpu.dma_semaphore, #tpu.memory_space<semaphore_mem>>) src(%dma_wait3A_20 : memref<128xi32, #tpu.memory_space<hbm>>) dst(%arg5 : memref<128xi32, #tpu.memory_space<vmem>>)
        tpu.yield
      }) : () -> ()
      %dma_start3A = arith.constant 0 : i32
      %dma_start3A_13 = arith.constant 0 : i32
      %dma_start3A_14 = tpu.memref_slice %arg2[%dma_start3A, %dma_start3A_13] : memref<10000x128xf32, #tpu.memory_space<hbm>> -> memref<10000x128xf32, #tpu.memory_space<hbm>>
      tpu.enqueue_indirect_dma source(%dma_start3A_14 : memref<10000x128xf32, #tpu.memory_space<hbm>>) target(%arg6 : memref<128x128xf32, #tpu.memory_space<vmem>>) offsets(%arg5 : memref<128xi32, #tpu.memory_space<vmem>>) semaphore(%arg7 : memref<!tpu.dma_semaphore, #tpu.memory_space<semaphore_mem>>)
      %dma_wait3A = arith.constant 0 : i32
      %dma_wait3A_15 = arith.constant 0 : i32
      %dma_wait3A_16 = tpu.memref_slice %arg2[%dma_wait3A, %dma_wait3A_15] : memref<10000x128xf32, #tpu.memory_space<hbm>> -> memref<10000x128xf32, #tpu.memory_space<hbm>>
      tpu.wait_indirect_dma semaphore(%arg7 : memref<!tpu.dma_semaphore, #tpu.memory_space<semaphore_mem>>) src(%dma_wait3A_16 : memref<10000x128xf32, #tpu.memory_space<hbm>>) dst(%arg6 : memref<128x128xf32, #tpu.memory_space<vmem>>)
      "tpu.region"() ({
        %run_scoped3A = tpu.sem_alloc : memref<!tpu.dma_semaphore, #tpu.memory_space<semaphore_mem>>
        %dma_start3A_17 = arith.constant 0 : i32
        %dma_start3A_18 = tpu.memref_slice %arg4[%add3A_12, %dma_start3A_17] : memref<10000x128xf32, #tpu.memory_space<hbm>> -> memref<128x128xf32, #tpu.memory_space<hbm>>
        %dma_start3A_19 = arith.constant 0 : i32
        %dma_start3A_20 = tpu.memref_slice %arg4[%add3A_12, %dma_start3A_19] : memref<10000x128xf32, #tpu.memory_space<hbm>> -> memref<128x128xf32, #tpu.memory_space<hbm>>
        tpu.enqueue_dma source(%arg6 : memref<128x128xf32, #tpu.memory_space<vmem>>) target(%dma_start3A_20 : memref<128x128xf32, #tpu.memory_space<hbm>>) target_semaphore(%run_scoped3A : memref<!tpu.dma_semaphore, #tpu.memory_space<semaphore_mem>>)
        %dma_wait3A_21 = arith.constant 0 : i32
        %dma_wait3A_22 = tpu.memref_slice %arg4[%add3A_12, %dma_wait3A_21] : memref<10000x128xf32, #tpu.memory_space<hbm>> -> memref<128x128xf32, #tpu.memory_space<hbm>>
        %dma_wait3A_23 = arith.constant 0 : i32
        %dma_wait3A_24 = tpu.memref_slice %arg4[%add3A_12, %dma_wait3A_23] : memref<10000x128xf32, #tpu.memory_space<hbm>> -> memref<128x128xf32, #tpu.memory_space<hbm>>
        tpu.wait_dma2 semaphore(%run_scoped3A : memref<!tpu.dma_semaphore, #tpu.memory_space<semaphore_mem>>) src(%arg6 : memref<128x128xf32, #tpu.memory_space<vmem>>) dst(%dma_wait3A_24 : memref<128x128xf32, #tpu.memory_space<hbm>>)
        tpu.yield
      }) : () -> ()
    }
    %scan3A_8 = arith.constant 3 : i32
    return
  }
}

#map = affine_map<(d0, d1) -> (0, 0)>
#map1 = affine_map<(d0, d1) -> (0)>
module attributes {stable_mosaic.version = 14 : i64} {
  func.func @body(%arg0: i32, %arg1: i32, %arg2: memref<10000x128xf32, #tpu.memory_space<hbm>>, %arg3: memref<10000xi32, #tpu.memory_space<hbm>>, %arg4: memref<10000x128xf32, #tpu.memory_space<hbm>>, %arg5: memref<128xi32, #tpu.memory_space<vmem>>, %arg6: memref<128x128xf32, #tpu.memory_space<vmem>>, %arg7: memref<!tpu.dma_semaphore, #tpu.memory_space<semaphore_mem>>) attributes {dimension_semantics = [#tpu.dimension_semantics<core_parallel>, #tpu.dimension_semantics<subcore_parallel>], iteration_bounds = array<i64: 2, 16>, scalar_prefetch = 0 : i64, scratch_operands = 3 : i64, tpu.core_type = #tpu.core_type<sc_vector_subcore>, window_params = [{transform_indices = #map}, {transform_indices = #map1}, {transform_indices = #map}]} {
    %mul3A = arith.constant 2 : i32
    %mul3A_0 = arith.muli %arg1, %mul3A : i32
    %add3A = arith.addi %mul3A_0, %arg0 : i32
    %mul3A_1 = arith.constant 384 : i32
    %mul3A_2 = arith.muli %add3A, %mul3A_1 : i32
    %min3A = arith.constant 9616 : i32
    %min3A_3 = arith.minsi %mul3A_2, %min3A : i32
    %scan3A = arith.constant 0 : i32
    %scan3A_4 = arith.constant 0 : i32
    %scan3A_5 = arith.constant 3 : i32
    %scan3A_6 = arith.addi %scan3A_4, %scan3A_5 : i32
    %scan3A_7 = arith.constant 1 : i32
    scf.for %scan3A_9 = %scan3A_4 to %scan3A_6 step %scan3A_7  : i32 {
      %mul3A_10 = arith.constant 128 : i32
      %mul3A_11 = arith.muli %scan3A_9, %mul3A_10 : i32
      %add3A_12 = arith.addi %min3A_3, %mul3A_11 : i32
      "tpu.region"() ({
        %run_scoped3A = tpu.sem_alloc : memref<!tpu.dma_semaphore, #tpu.memory_space<semaphore_mem>>
        %dma_start3A_17 = tpu.memref_slice %arg3[%add3A_12] : memref<10000xi32, #tpu.memory_space<hbm>> -> memref<128xi32, #tpu.memory_space<hbm>>
        %dma_start3A_18 = tpu.memref_slice %arg3[%add3A_12] : memref<10000xi32, #tpu.memory_space<hbm>> -> memref<128xi32, #tpu.memory_space<hbm>>
        tpu.enqueue_dma source(%dma_start3A_18 : memref<128xi32, #tpu.memory_space<hbm>>) target(%arg5 : memref<128xi32, #tpu.memory_space<vmem>>) target_semaphore(%run_scoped3A : memref<!tpu.dma_semaphore, #tpu.memory_space<semaphore_mem>>)
        %dma_wait3A_19 = tpu.memref_slice %arg3[%add3A_12] : memref<10000xi32, #tpu.memory_space<hbm>> -> memref<128xi32, #tpu.memory_space<hbm>>
        %dma_wait3A_20 = tpu.memref_slice %arg3[%add3A_12] : memref<10000xi32, #tpu.memory_space<hbm>> -> memref<128xi32, #tpu.memory_space<hbm>>
        tpu.wait_dma2 semaphore(%run_scoped3A : memref<!tpu.dma_semaphore, #tpu.memory_space<semaphore_mem>>) src(%dma_wait3A_20 : memref<128xi32, #tpu.memory_space<hbm>>) dst(%arg5 : memref<128xi32, #tpu.memory_space<vmem>>)
        tpu.yield
      }) : () -> ()
      %dma_start3A = arith.constant 0 : i32
      %dma_start3A_13 = arith.constant 0 : i32
      %dma_start3A_14 = tpu.memref_slice %arg2[%dma_start3A, %dma_start3A_13] : memref<10000x128xf32, #tpu.memory_space<hbm>> -> memref<10000x128xf32, #tpu.memory_space<hbm>>
      tpu.enqueue_indirect_dma source(%dma_start3A_14 : memref<10000x128xf32, #tpu.memory_space<hbm>>) target(%arg6 : memref<128x128xf32, #tpu.memory_space<vmem>>) offsets(%arg5 : memref<128xi32, #tpu.memory_space<vmem>>) semaphore(%arg7 : memref<!tpu.dma_semaphore, #tpu.memory_space<semaphore_mem>>)
      %dma_wait3A = arith.constant 0 : i32
      %dma_wait3A_15 = arith.constant 0 : i32
      %dma_wait3A_16 = tpu.memref_slice %arg2[%dma_wait3A, %dma_wait3A_15] : memref<10000x128xf32, #tpu.memory_space<hbm>> -> memref<10000x128xf32, #tpu.memory_space<hbm>>
      tpu.wait_indirect_dma semaphore(%arg7 : memref<!tpu.dma_semaphore, #tpu.memory_space<semaphore_mem>>) src(%dma_wait3A_16 : memref<10000x128xf32, #tpu.memory_space<hbm>>) dst(%arg6 : memref<128x128xf32, #tpu.memory_space<vmem>>)
      "tpu.region"() ({
        %run_scoped3A = tpu.sem_alloc : memref<!tpu.dma_semaphore, #tpu.memory_space<semaphore_mem>>
        %dma_start3A_17 = arith.constant 0 : i32
        %dma_start3A_18 = tpu.memref_slice %arg4[%add3A_12, %dma_start3A_17] : memref<10000x128xf32, #tpu.memory_space<hbm>> -> memref<128x128xf32, #tpu.memory_space<hbm>>
        %dma_start3A_19 = arith.constant 0 : i32
        %dma_start3A_20 = tpu.memref_slice %arg4[%add3A_12, %dma_start3A_19] : memref<10000x128xf32, #tpu.memory_space<hbm>> -> memref<128x128xf32, #tpu.memory_space<hbm>>
        tpu.enqueue_dma source(%arg6 : memref<128x128xf32, #tpu.memory_space<vmem>>) target(%dma_start3A_20 : memref<128x128xf32, #tpu.memory_space<hbm>>) target_semaphore(%run_scoped3A : memref<!tpu.dma_semaphore, #tpu.memory_space<semaphore_mem>>)
        %dma_wait3A_21 = arith.constant 0 : i32
        %dma_wait3A_22 = tpu.memref_slice %arg4[%add3A_12, %dma_wait3A_21] : memref<10000x128xf32, #tpu.memory_space<hbm>> -> memref<128x128xf32, #tpu.memory_space<hbm>>
        %dma_wait3A_23 = arith.constant 0 : i32
        %dma_wait3A_24 = tpu.memref_slice %arg4[%add3A_12, %dma_wait3A_23] : memref<10000x128xf32, #tpu.memory_space<hbm>> -> memref<128x128xf32, #tpu.memory_space<hbm>>
        tpu.wait_dma2 semaphore(%run_scoped3A : memref<!tpu.dma_semaphore, #tpu.memory_space<semaphore_mem>>) src(%arg6 : memref<128x128xf32, #tpu.memory_space<vmem>>) dst(%dma_wait3A_24 : memref<128x128xf32, #tpu.memory_space<hbm>>)
        tpu.yield
      }) : () -> ()
    }
    %scan3A_8 = arith.constant 3 : i32
    return
  }
}

#map = affine_map<(d0, d1) -> (0, 0)>
#map1 = affine_map<(d0, d1) -> (0)>
module attributes {stable_mosaic.version = 14 : i64} {
  func.func @body(%arg0: i32, %arg1: i32, %arg2: memref<160000x128xf32, #tpu.memory_space<hbm>>, %arg3: memref<160000x128xf32, #tpu.memory_space<hbm>>, %arg4: memref<160000xi32, #tpu.memory_space<hbm>>, %arg5: memref<160000xi32, #tpu.memory_space<hbm>>, %arg6: memref<650000x128xf32, #tpu.memory_space<hbm>>, %arg7: memref<128xi32, #tpu.memory_space<vmem>>, %arg8: memref<128x128xf32, #tpu.memory_space<vmem>>, %arg9: memref<!tpu.dma_semaphore, #tpu.memory_space<semaphore_mem>>) attributes {dimension_semantics = [#tpu.dimension_semantics<core_parallel>, #tpu.dimension_semantics<subcore_parallel>], iteration_bounds = array<i64: 2, 16>, scalar_prefetch = 0 : i64, scratch_operands = 3 : i64, tpu.core_type = #tpu.core_type<sc_vector_subcore>, window_params = [{transform_indices = #map}, {transform_indices = #map}, {transform_indices = #map1}, {transform_indices = #map1}, {transform_indices = #map}]} {
    %mul3A = arith.constant 2 : i32
    %mul3A_0 = arith.muli %arg1, %mul3A : i32
    %add3A = arith.addi %mul3A_0, %arg0 : i32
    %mul3A_1 = arith.constant 5120 : i32
    %mul3A_2 = arith.muli %add3A, %mul3A_1 : i32
    %min3A = arith.constant 154880 : i32
    %min3A_3 = arith.minsi %mul3A_2, %min3A : i32
    %scan3A = arith.constant 0 : i32
    %scan3A_4 = arith.constant 0 : i32
    %scan3A_5 = arith.constant 40 : i32
    %scan3A_6 = arith.addi %scan3A_4, %scan3A_5 : i32
    %scan3A_7 = arith.constant 1 : i32
    scf.for %scan3A_9 = %scan3A_4 to %scan3A_6 step %scan3A_7  : i32 {
      %mul3A_10 = arith.constant 128 : i32
      %mul3A_11 = arith.muli %scan3A_9, %mul3A_10 : i32
      %add3A_12 = arith.addi %min3A_3, %mul3A_11 : i32
      "tpu.region"() ({
        %run_scoped3A = tpu.sem_alloc : memref<!tpu.dma_semaphore, #tpu.memory_space<semaphore_mem>>
        %dma_start3A_23 = tpu.memref_slice %arg4[%add3A_12] : memref<160000xi32, #tpu.memory_space<hbm>> -> memref<128xi32, #tpu.memory_space<hbm>>
        %dma_start3A_24 = tpu.memref_slice %arg4[%add3A_12] : memref<160000xi32, #tpu.memory_space<hbm>> -> memref<128xi32, #tpu.memory_space<hbm>>
        tpu.enqueue_dma source(%dma_start3A_24 : memref<128xi32, #tpu.memory_space<hbm>>) target(%arg7 : memref<128xi32, #tpu.memory_space<vmem>>) target_semaphore(%run_scoped3A : memref<!tpu.dma_semaphore, #tpu.memory_space<semaphore_mem>>)
        %dma_wait3A_25 = tpu.memref_slice %arg4[%add3A_12] : memref<160000xi32, #tpu.memory_space<hbm>> -> memref<128xi32, #tpu.memory_space<hbm>>
        %dma_wait3A_26 = tpu.memref_slice %arg4[%add3A_12] : memref<160000xi32, #tpu.memory_space<hbm>> -> memref<128xi32, #tpu.memory_space<hbm>>
        tpu.wait_dma2 semaphore(%run_scoped3A : memref<!tpu.dma_semaphore, #tpu.memory_space<semaphore_mem>>) src(%dma_wait3A_26 : memref<128xi32, #tpu.memory_space<hbm>>) dst(%arg7 : memref<128xi32, #tpu.memory_space<vmem>>)
        tpu.yield
      }) : () -> ()
      "tpu.region"() ({
        %run_scoped3A = tpu.sem_alloc : memref<!tpu.dma_semaphore, #tpu.memory_space<semaphore_mem>>
        %dma_start3A_23 = arith.constant 0 : i32
        %dma_start3A_24 = tpu.memref_slice %arg2[%add3A_12, %dma_start3A_23] : memref<160000x128xf32, #tpu.memory_space<hbm>> -> memref<128x128xf32, #tpu.memory_space<hbm>>
        %dma_start3A_25 = arith.constant 0 : i32
        %dma_start3A_26 = tpu.memref_slice %arg2[%add3A_12, %dma_start3A_25] : memref<160000x128xf32, #tpu.memory_space<hbm>> -> memref<128x128xf32, #tpu.memory_space<hbm>>
        tpu.enqueue_dma source(%dma_start3A_26 : memref<128x128xf32, #tpu.memory_space<hbm>>) target(%arg8 : memref<128x128xf32, #tpu.memory_space<vmem>>) target_semaphore(%run_scoped3A : memref<!tpu.dma_semaphore, #tpu.memory_space<semaphore_mem>>)
        %dma_wait3A_27 = arith.constant 0 : i32
        %dma_wait3A_28 = tpu.memref_slice %arg2[%add3A_12, %dma_wait3A_27] : memref<160000x128xf32, #tpu.memory_space<hbm>> -> memref<128x128xf32, #tpu.memory_space<hbm>>
        %dma_wait3A_29 = arith.constant 0 : i32
        %dma_wait3A_30 = tpu.memref_slice %arg2[%add3A_12, %dma_wait3A_29] : memref<160000x128xf32, #tpu.memory_space<hbm>> -> memref<128x128xf32, #tpu.memory_space<hbm>>
        tpu.wait_dma2 semaphore(%run_scoped3A : memref<!tpu.dma_semaphore, #tpu.memory_space<semaphore_mem>>) src(%dma_wait3A_30 : memref<128x128xf32, #tpu.memory_space<hbm>>) dst(%arg8 : memref<128x128xf32, #tpu.memory_space<vmem>>)
        tpu.yield
      }) : () -> ()
      %dma_start3A = arith.constant 0 : i32
      %dma_start3A_13 = arith.constant 0 : i32
      %dma_start3A_14 = tpu.memref_slice %arg6[%dma_start3A, %dma_start3A_13] : memref<650000x128xf32, #tpu.memory_space<hbm>> -> memref<650000x128xf32, #tpu.memory_space<hbm>>
      tpu.enqueue_indirect_dma source(%arg8 : memref<128x128xf32, #tpu.memory_space<vmem>>) target(%dma_start3A_14 : memref<650000x128xf32, #tpu.memory_space<hbm>>) offsets(%arg7 : memref<128xi32, #tpu.memory_space<vmem>>) semaphore(%arg9 : memref<!tpu.dma_semaphore, #tpu.memory_space<semaphore_mem>>)
      %dma_wait3A = arith.constant 0 : i32
      %dma_wait3A_15 = arith.constant 0 : i32
      %dma_wait3A_16 = tpu.memref_slice %arg6[%dma_wait3A, %dma_wait3A_15] : memref<650000x128xf32, #tpu.memory_space<hbm>> -> memref<650000x128xf32, #tpu.memory_space<hbm>>
      tpu.wait_indirect_dma semaphore(%arg9 : memref<!tpu.dma_semaphore, #tpu.memory_space<semaphore_mem>>) src(%arg8 : memref<128x128xf32, #tpu.memory_space<vmem>>) dst(%dma_wait3A_16 : memref<650000x128xf32, #tpu.memory_space<hbm>>)
      "tpu.region"() ({
        %run_scoped3A = tpu.sem_alloc : memref<!tpu.dma_semaphore, #tpu.memory_space<semaphore_mem>>
        %dma_start3A_23 = tpu.memref_slice %arg5[%add3A_12] : memref<160000xi32, #tpu.memory_space<hbm>> -> memref<128xi32, #tpu.memory_space<hbm>>
        %dma_start3A_24 = tpu.memref_slice %arg5[%add3A_12] : memref<160000xi32, #tpu.memory_space<hbm>> -> memref<128xi32, #tpu.memory_space<hbm>>
        tpu.enqueue_dma source(%dma_start3A_24 : memref<128xi32, #tpu.memory_space<hbm>>) target(%arg7 : memref<128xi32, #tpu.memory_space<vmem>>) target_semaphore(%run_scoped3A : memref<!tpu.dma_semaphore, #tpu.memory_space<semaphore_mem>>)
        %dma_wait3A_25 = tpu.memref_slice %arg5[%add3A_12] : memref<160000xi32, #tpu.memory_space<hbm>> -> memref<128xi32, #tpu.memory_space<hbm>>
        %dma_wait3A_26 = tpu.memref_slice %arg5[%add3A_12] : memref<160000xi32, #tpu.memory_space<hbm>> -> memref<128xi32, #tpu.memory_space<hbm>>
        tpu.wait_dma2 semaphore(%run_scoped3A : memref<!tpu.dma_semaphore, #tpu.memory_space<semaphore_mem>>) src(%dma_wait3A_26 : memref<128xi32, #tpu.memory_space<hbm>>) dst(%arg7 : memref<128xi32, #tpu.memory_space<vmem>>)
        tpu.yield
      }) : () -> ()
      "tpu.region"() ({
        %run_scoped3A = tpu.sem_alloc : memref<!tpu.dma_semaphore, #tpu.memory_space<semaphore_mem>>
        %dma_start3A_23 = arith.constant 0 : i32
        %dma_start3A_24 = tpu.memref_slice %arg3[%add3A_12, %dma_start3A_23] : memref<160000x128xf32, #tpu.memory_space<hbm>> -> memref<128x128xf32, #tpu.memory_space<hbm>>
        %dma_start3A_25 = arith.constant 0 : i32
        %dma_start3A_26 = tpu.memref_slice %arg3[%add3A_12, %dma_start3A_25] : memref<160000x128xf32, #tpu.memory_space<hbm>> -> memref<128x128xf32, #tpu.memory_space<hbm>>
        tpu.enqueue_dma source(%dma_start3A_26 : memref<128x128xf32, #tpu.memory_space<hbm>>) target(%arg8 : memref<128x128xf32, #tpu.memory_space<vmem>>) target_semaphore(%run_scoped3A : memref<!tpu.dma_semaphore, #tpu.memory_space<semaphore_mem>>)
        %dma_wait3A_27 = arith.constant 0 : i32
        %dma_wait3A_28 = tpu.memref_slice %arg3[%add3A_12, %dma_wait3A_27] : memref<160000x128xf32, #tpu.memory_space<hbm>> -> memref<128x128xf32, #tpu.memory_space<hbm>>
        %dma_wait3A_29 = arith.constant 0 : i32
        %dma_wait3A_30 = tpu.memref_slice %arg3[%add3A_12, %dma_wait3A_29] : memref<160000x128xf32, #tpu.memory_space<hbm>> -> memref<128x128xf32, #tpu.memory_space<hbm>>
        tpu.wait_dma2 semaphore(%run_scoped3A : memref<!tpu.dma_semaphore, #tpu.memory_space<semaphore_mem>>) src(%dma_wait3A_30 : memref<128x128xf32, #tpu.memory_space<hbm>>) dst(%arg8 : memref<128x128xf32, #tpu.memory_space<vmem>>)
        tpu.yield
      }) : () -> ()
      %dma_start3A_17 = arith.constant 0 : i32
      %dma_start3A_18 = arith.constant 0 : i32
      %dma_start3A_19 = tpu.memref_slice %arg6[%dma_start3A_17, %dma_start3A_18] : memref<650000x128xf32, #tpu.memory_space<hbm>> -> memref<650000x128xf32, #tpu.memory_space<hbm>>
      tpu.enqueue_indirect_dma source(%arg8 : memref<128x128xf32, #tpu.memory_space<vmem>>) target(%dma_start3A_19 : memref<650000x128xf32, #tpu.memory_space<hbm>>) offsets(%arg7 : memref<128xi32, #tpu.memory_space<vmem>>) semaphore(%arg9 : memref<!tpu.dma_semaphore, #tpu.memory_space<semaphore_mem>>)
      %dma_wait3A_20 = arith.constant 0 : i32
      %dma_wait3A_21 = arith.constant 0 : i32
      %dma_wait3A_22 = tpu.memref_slice %arg6[%dma_wait3A_20, %dma_wait3A_21] : memref<650000x128xf32, #tpu.memory_space<hbm>> -> memref<650000x128xf32, #tpu.memory_space<hbm>>
      tpu.wait_indirect_dma semaphore(%arg9 : memref<!tpu.dma_semaphore, #tpu.memory_space<semaphore_mem>>) src(%arg8 : memref<128x128xf32, #tpu.memory_space<vmem>>) dst(%dma_wait3A_22 : memref<650000x128xf32, #tpu.memory_space<hbm>>)
    }
    %scan3A_8 = arith.constant 40 : i32
    return
  }
}

module attributes {stable_mosaic.version = 14 : i64} {
  func.func @_a0_body(%arg0: i32, %arg1: memref<2000x128xf32, #tpu.memory_space<vmem>>, %arg2: memref<128x384xf32, #tpu.memory_space<vmem>>, %arg3: memref<8x384xf32, #tpu.memory_space<vmem>>, %arg4: memref<2000x128xf32, #tpu.memory_space<vmem>>, %arg5: memref<2000x128xf32, #tpu.memory_space<vmem>>, %arg6: memref<2000x128xf32, #tpu.memory_space<vmem>>) attributes {dimension_semantics = [#tpu.dimension_semantics<arbitrary>], iteration_bounds = array<i64: 5>, scalar_prefetch = 0 : i64, scratch_operands = 0 : i64, tpu.core_type = #tpu.core_type<tc>, window_params = [{transform_indices = @transform_0, window_bounds = array<i64: 2000, 128>}, {pipeline_mode = #tpu.pipeline_mode<synchronous>, transform_indices = @transform_1, window_bounds = array<i64: 128, 384>}, {pipeline_mode = #tpu.pipeline_mode<synchronous>, transform_indices = @transform_2, window_bounds = array<i64: 8, 384>}, {transform_indices = @transform_3, window_bounds = array<i64: 2000, 128>}, {transform_indices = @transform_4, window_bounds = array<i64: 2000, 128>}, {transform_indices = @transform_5, window_bounds = array<i64: 2000, 128>}]} {
    %get3A = arith.constant 0 : index
    %get3A_0 = arith.constant 0 : index
    %get3A_1 = vector.load %arg1[%get3A, %get3A_0] : memref<2000x128xf32, #tpu.memory_space<vmem>>, vector<2000x128xf32>
    %get3A_2 = arith.constant 0 : index
    %get3A_3 = arith.constant 0 : index
    %get3A_4 = vector.load %arg2[%get3A_2, %get3A_3] : memref<128x384xf32, #tpu.memory_space<vmem>>, vector<128x384xf32>
    %dot_general3A = arith.constant dense<0.000000e+00> : vector<2000x384xf32>
    %dot_general3A_5 = tpu.matmul %get3A_1, %get3A_4, %dot_general3A {dimension_numbers = #tpu.dot_dimension_numbers<[1], [0], [0], [1], [0, 0, 1, 1], [], []>, transpose_lhs_hint = false} : vector<2000x128xf32>, vector<128x384xf32>, vector<2000x384xf32> -> vector<2000x384xf32>
    %get3A_6 = arith.constant 0 : index
    %get3A_7 = arith.constant 0 : index
    %get3A_8 = vector.load %arg3[%get3A_6, %get3A_7] : memref<8x384xf32, #tpu.memory_space<vmem>>, vector<1x384xf32>
    %add3A = vector.broadcast %get3A_8 : vector<1x384xf32> to vector<2000x384xf32>
    %add3A_9 = arith.addf %dot_general3A_5, %add3A : vector<2000x384xf32>
    %slice3A = vector.extract_strided_slice %add3A_9 {offsets = [0, 0], sizes = [2000, 128], strides = [1, 1]} : vector<2000x384xf32> to vector<2000x128xf32>
    %swap3A = arith.constant 0 : index
    %swap3A_10 = arith.constant 0 : index
    %swap3A_11 = vector.load %arg4[%swap3A, %swap3A_10] : memref<2000x128xf32, #tpu.memory_space<vmem>>, vector<2000x128xf32>
    tpu.vector_store %arg4[%swap3A, %swap3A_10], %slice3A {strides = array<i32>} : memref<2000x128xf32, #tpu.memory_space<vmem>>, vector<2000x128xf32>,
    %slice3A_12 = vector.extract_strided_slice %add3A_9 {offsets = [0, 128], sizes = [2000, 128], strides = [1, 1]} : vector<2000x384xf32> to vector<2000x128xf32>
    %swap3A_13 = arith.constant 0 : index
    %swap3A_14 = arith.constant 0 : index
    %swap3A_15 = vector.load %arg5[%swap3A_13, %swap3A_14] : memref<2000x128xf32, #tpu.memory_space<vmem>>, vector<2000x128xf32>
    tpu.vector_store %arg5[%swap3A_13, %swap3A_14], %slice3A_12 {strides = array<i32>} : memref<2000x128xf32, #tpu.memory_space<vmem>>, vector<2000x128xf32>,
    %slice3A_16 = vector.extract_strided_slice %add3A_9 {offsets = [0, 256], sizes = [2000, 128], strides = [1, 1]} : vector<2000x384xf32> to vector<2000x128xf32>
    %swap3A_17 = arith.constant 0 : index
    %swap3A_18 = arith.constant 0 : index
    %swap3A_19 = vector.load %arg6[%swap3A_17, %swap3A_18] : memref<2000x128xf32, #tpu.memory_space<vmem>>, vector<2000x128xf32>
    tpu.vector_store %arg6[%swap3A_17, %swap3A_18], %slice3A_16 {strides = array<i32>} : memref<2000x128xf32, #tpu.memory_space<vmem>>, vector<2000x128xf32>,
    return
  }
  func.func @transform_0(%arg0: i32) -> (i32, i32) {
    %c0_i32 = arith.constant 0 : i32
    %c0_i32_0 = arith.constant 0 : i32
    return %arg0, %c0_i32 : i32, i32
  }
  func.func @transform_1(%arg0: i32) -> (i32, i32) {
    %c0_i32 = arith.constant 0 : i32
    %c0_i32_0 = arith.constant 0 : i32
    %c0_i32_1 = arith.constant 0 : i32
    return %c0_i32, %c0_i32_0 : i32, i32
  }
  func.func @transform_2(%arg0: i32) -> (i32, i32) {
    %c0_i32 = arith.constant 0 : i32
    %c0_i32_0 = arith.constant 0 : i32
    %c0_i32_1 = arith.constant 0 : i32
    return %c0_i32, %c0_i32_0 : i32, i32
  }
  func.func @transform_3(%arg0: i32) -> (i32, i32) {
    %c0_i32 = arith.constant 0 : i32
    %c0_i32_0 = arith.constant 0 : i32
    return %arg0, %c0_i32 : i32, i32
  }
  func.func @transform_4(%arg0: i32) -> (i32, i32) {
    %c0_i32 = arith.constant 0 : i32
    %c0_i32_0 = arith.constant 0 : i32
    return %arg0, %c0_i32 : i32, i32
  }
  func.func @transform_5(%arg0: i32) -> (i32, i32) {
    %c0_i32 = arith.constant 0 : i32
    %c0_i32_0 = arith.constant 0 : i32
    return %arg0, %c0_i32 : i32, i32
  }
}

module attributes {stable_mosaic.version = 14 : i64} {
  func.func @_h0_body(%arg0: memref<8x512xf32, #tpu.memory_space<vmem>>, %arg1: memref<8x128xf32, #tpu.memory_space<vmem>>, %arg2: memref<8x128xf32, #tpu.memory_space<vmem>>) attributes {dimension_semantics = [], scalar_prefetch = 0 : i64, scratch_operands = 0 : i64, tpu.core_type = #tpu.core_type<tc>} {
    %get3A = arith.constant 0 : index
    %get3A_0 = arith.constant 0 : index
    %get3A_1 = vector.load %arg0[%get3A, %get3A_0] : memref<8x512xf32, #tpu.memory_space<vmem>>, vector<8x512xf32>
    %slice3A = vector.extract_strided_slice %get3A_1 {offsets = [0, 0], sizes = [8, 128], strides = [1, 1]} : vector<8x512xf32> to vector<8x128xf32>
    %logistic3A = arith.negf %slice3A : vector<8x128xf32>
    %logistic3A_2 = math.exp %logistic3A : vector<8x128xf32>
    %logistic3A_3 = arith.constant 1.000000e+00 : f32
    %logistic3A_4 = vector.broadcast %logistic3A_3 : f32 to vector<8x128xf32>
    %logistic3A_5 = arith.addf %logistic3A_4, %logistic3A_2 : vector<8x128xf32>
    %logistic3A_6 = arith.divf %logistic3A_4, %logistic3A_5 : vector<8x128xf32>
    %slice3A_7 = vector.extract_strided_slice %get3A_1 {offsets = [0, 256], sizes = [8, 128], strides = [1, 1]} : vector<8x512xf32> to vector<8x128xf32>
    %tanh3A = math.tanh %slice3A_7 : vector<8x128xf32>
    %slice3A_8 = vector.extract_strided_slice %get3A_1 {offsets = [0, 384], sizes = [8, 128], strides = [1, 1]} : vector<8x512xf32> to vector<8x128xf32>
    %logistic3A_9 = arith.negf %slice3A_8 : vector<8x128xf32>
    %logistic3A_10 = math.exp %logistic3A_9 : vector<8x128xf32>
    %logistic3A_11 = arith.constant 1.000000e+00 : f32
    %logistic3A_12 = vector.broadcast %logistic3A_11 : f32 to vector<8x128xf32>
    %logistic3A_13 = arith.addf %logistic3A_12, %logistic3A_10 : vector<8x128xf32>
    %logistic3A_14 = arith.divf %logistic3A_12, %logistic3A_13 : vector<8x128xf32>
    %mul3A = arith.mulf %logistic3A_6, %tanh3A : vector<8x128xf32>
    %tanh3A_15 = math.tanh %mul3A : vector<8x128xf32>
    %mul3A_16 = arith.mulf %logistic3A_14, %tanh3A_15 : vector<8x128xf32>
    %swap3A = arith.constant 0 : index
    %swap3A_17 = arith.constant 0 : index
    %swap3A_18 = vector.load %arg1[%swap3A, %swap3A_17] : memref<8x128xf32, #tpu.memory_space<vmem>>, vector<8x128xf32>
    tpu.vector_store %arg1[%swap3A, %swap3A_17], %mul3A_16 {strides = array<i32>} : memref<8x128xf32, #tpu.memory_space<vmem>>, vector<8x128xf32>,
    %swap3A_19 = arith.constant 0 : index
    %swap3A_20 = arith.constant 0 : index
    %swap3A_21 = vector.load %arg2[%swap3A_19, %swap3A_20] : memref<8x128xf32, #tpu.memory_space<vmem>>, vector<8x128xf32>
    tpu.vector_store %arg2[%swap3A_19, %swap3A_20], %mul3A {strides = array<i32>} : memref<8x128xf32, #tpu.memory_space<vmem>>, vector<8x128xf32>,
    return
  }
}

module attributes {stable_mosaic.version = 14 : i64} {
  func.func @_mlp_body(%arg0: i32, %arg1: memref<2000x128xf32, #tpu.memory_space<vmem>>, %arg2: memref<2000x128xf32, #tpu.memory_space<vmem>>, %arg3: memref<2000x128xf32, #tpu.memory_space<vmem>>, %arg4: memref<128x128xf32, #tpu.memory_space<vmem>>, %arg5: memref<8x128xf32, #tpu.memory_space<vmem>>, %arg6: memref<128x384xf32, #tpu.memory_space<vmem>>, %arg7: memref<8x384xf32, #tpu.memory_space<vmem>>, %arg8: memref<2000x128xf32, #tpu.memory_space<vmem>>, %arg9: memref<2000x128xf32, #tpu.memory_space<vmem>>, %arg10: memref<2000x128xf32, #tpu.memory_space<vmem>>) attributes {dimension_semantics = [#tpu.dimension_semantics<arbitrary>], iteration_bounds = array<i64: 80>, scalar_prefetch = 0 : i64, scratch_operands = 0 : i64, tpu.core_type = #tpu.core_type<tc>, window_params = [{transform_indices = @transform_0, window_bounds = array<i64: 2000, 128>}, {transform_indices = @transform_1, window_bounds = array<i64: 2000, 128>}, {transform_indices = @transform_2, window_bounds = array<i64: 2000, 128>}, {pipeline_mode = #tpu.pipeline_mode<synchronous>, transform_indices = @transform_3, window_bounds = array<i64: 128, 128>}, {pipeline_mode = #tpu.pipeline_mode<synchronous>, transform_indices = @transform_4, window_bounds = array<i64: 8, 128>}, {pipeline_mode = #tpu.pipeline_mode<synchronous>, transform_indices = @transform_5, window_bounds = array<i64: 128, 384>}, {pipeline_mode = #tpu.pipeline_mode<synchronous>, transform_indices = @transform_6, window_bounds = array<i64: 8, 384>}, {transform_indices = @transform_7, window_bounds = array<i64: 2000, 128>}, {transform_indices = @transform_8, window_bounds = array<i64: 2000, 128>}, {transform_indices = @transform_9, window_bounds = array<i64: 2000, 128>}]} {
    %get3A = arith.constant 0 : index
    %get3A_0 = arith.constant 0 : index
    %get3A_1 = vector.load %arg1[%get3A, %get3A_0] : memref<2000x128xf32, #tpu.memory_space<vmem>>, vector<2000x128xf32>
    %get3A_2 = arith.constant 0 : index
    %get3A_3 = arith.constant 0 : index
    %get3A_4 = vector.load %arg4[%get3A_2, %get3A_3] : memref<128x128xf32, #tpu.memory_space<vmem>>, vector<128x128xf32>
    %dot_general3A = arith.constant dense<0.000000e+00> : vector<2000x128xf32>
    %dot_general3A_5 = tpu.matmul %get3A_1, %get3A_4, %dot_general3A {dimension_numbers = #tpu.dot_dimension_numbers<[1], [0], [0], [1], [0, 0, 1, 1], [], []>, transpose_lhs_hint = false} : vector<2000x128xf32>, vector<128x128xf32>, vector<2000x128xf32> -> vector<2000x128xf32>
    %get3A_6 = arith.constant 0 : index
    %get3A_7 = arith.constant 0 : index
    %get3A_8 = vector.load %arg2[%get3A_6, %get3A_7] : memref<2000x128xf32, #tpu.memory_space<vmem>>, vector<2000x128xf32>
    %add3A = arith.addf %dot_general3A_5, %get3A_8 : vector<2000x128xf32>
    %get3A_9 = arith.constant 0 : index
    %get3A_10 = arith.constant 0 : index
    %get3A_11 = vector.load %arg3[%get3A_9, %get3A_10] : memref<2000x128xf32, #tpu.memory_space<vmem>>, vector<2000x128xf32>
    %add3A_12 = arith.addf %add3A, %get3A_11 : vector<2000x128xf32>
    %get3A_13 = arith.constant 0 : index
    %get3A_14 = arith.constant 0 : index
    %get3A_15 = vector.load %arg5[%get3A_13, %get3A_14] : memref<8x128xf32, #tpu.memory_space<vmem>>, vector<1x128xf32>
    %add3A_16 = vector.broadcast %get3A_15 : vector<1x128xf32> to vector<2000x128xf32>
    %add3A_17 = arith.addf %add3A_12, %add3A_16 : vector<2000x128xf32>
    %max3A = arith.constant 0.000000e+00 : f32
    %max3A_18 = vector.broadcast %max3A : f32 to vector<2000x128xf32>
    %max3A_19 = arith.maximumf %add3A_17, %max3A_18 : vector<2000x128xf32>
    %get3A_20 = arith.constant 0 : index
    %get3A_21 = arith.constant 0 : index
    %get3A_22 = vector.load %arg6[%get3A_20, %get3A_21] : memref<128x384xf32, #tpu.memory_space<vmem>>, vector<128x384xf32>
    %dot_general3A_23 = arith.constant dense<0.000000e+00> : vector<2000x384xf32>
    %dot_general3A_24 = tpu.matmul %max3A_19, %get3A_22, %dot_general3A_23 {dimension_numbers = #tpu.dot_dimension_numbers<[1], [0], [0], [1], [0, 0, 1, 1], [], []>, transpose_lhs_hint = false} : vector<2000x128xf32>, vector<128x384xf32>, vector<2000x384xf32> -> vector<2000x384xf32>
    %get3A_25 = arith.constant 0 : index
    %get3A_26 = arith.constant 0 : index
    %get3A_27 = vector.load %arg7[%get3A_25, %get3A_26] : memref<8x384xf32, #tpu.memory_space<vmem>>, vector<1x384xf32>
    %add3A_28 = vector.broadcast %get3A_27 : vector<1x384xf32> to vector<2000x384xf32>
    %add3A_29 = arith.addf %dot_general3A_24, %add3A_28 : vector<2000x384xf32>
    %max3A_30 = arith.constant 0.000000e+00 : f32
    %max3A_31 = vector.broadcast %max3A_30 : f32 to vector<2000x384xf32>
    %max3A_32 = arith.maximumf %add3A_29, %max3A_31 : vector<2000x384xf32>
    %slice3A = vector.extract_strided_slice %max3A_32 {offsets = [0, 0], sizes = [2000, 128], strides = [1, 1]} : vector<2000x384xf32> to vector<2000x128xf32>
    %swap3A = arith.constant 0 : index
    %swap3A_33 = arith.constant 0 : index
    %swap3A_34 = vector.load %arg8[%swap3A, %swap3A_33] : memref<2000x128xf32, #tpu.memory_space<vmem>>, vector<2000x128xf32>
    tpu.vector_store %arg8[%swap3A, %swap3A_33], %slice3A {strides = array<i32>} : memref<2000x128xf32, #tpu.memory_space<vmem>>, vector<2000x128xf32>,
    %slice3A_35 = vector.extract_strided_slice %max3A_32 {offsets = [0, 128], sizes = [2000, 128], strides = [1, 1]} : vector<2000x384xf32> to vector<2000x128xf32>
    %swap3A_36 = arith.constant 0 : index
    %swap3A_37 = arith.constant 0 : index
    %swap3A_38 = vector.load %arg9[%swap3A_36, %swap3A_37] : memref<2000x128xf32, #tpu.memory_space<vmem>>, vector<2000x128xf32>
    tpu.vector_store %arg9[%swap3A_36, %swap3A_37], %slice3A_35 {strides = array<i32>} : memref<2000x128xf32, #tpu.memory_space<vmem>>, vector<2000x128xf32>,
    %slice3A_39 = vector.extract_strided_slice %max3A_32 {offsets = [0, 256], sizes = [2000, 128], strides = [1, 1]} : vector<2000x384xf32> to vector<2000x128xf32>
    %swap3A_40 = arith.constant 0 : index
    %swap3A_41 = arith.constant 0 : index
    %swap3A_42 = vector.load %arg10[%swap3A_40, %swap3A_41] : memref<2000x128xf32, #tpu.memory_space<vmem>>, vector<2000x128xf32>
    tpu.vector_store %arg10[%swap3A_40, %swap3A_41], %slice3A_39 {strides = array<i32>} : memref<2000x128xf32, #tpu.memory_space<vmem>>, vector<2000x128xf32>,
    return
  }
  func.func @transform_0(%arg0: i32) -> (i32, i32) {
    %c0_i32 = arith.constant 0 : i32
    %c0_i32_0 = arith.constant 0 : i32
    return %arg0, %c0_i32 : i32, i32
  }
  func.func @transform_1(%arg0: i32) -> (i32, i32) {
    %c0_i32 = arith.constant 0 : i32
    %c0_i32_0 = arith.constant 0 : i32
    return %arg0, %c0_i32 : i32, i32
  }
  func.func @transform_2(%arg0: i32) -> (i32, i32) {
    %c0_i32 = arith.constant 0 : i32
    %c0_i32_0 = arith.constant 0 : i32
    return %arg0, %c0_i32 : i32, i32
  }
  func.func @transform_3(%arg0: i32) -> (i32, i32) {
    %c0_i32 = arith.constant 0 : i32
    %c0_i32_0 = arith.constant 0 : i32
    %c0_i32_1 = arith.constant 0 : i32
    return %c0_i32, %c0_i32_0 : i32, i32
  }
  func.func @transform_4(%arg0: i32) -> (i32, i32) {
    %c0_i32 = arith.constant 0 : i32
    %c0_i32_0 = arith.constant 0 : i32
    %c0_i32_1 = arith.constant 0 : i32
    return %c0_i32, %c0_i32_0 : i32, i32
  }
  func.func @transform_5(%arg0: i32) -> (i32, i32) {
    %c0_i32 = arith.constant 0 : i32
    %c0_i32_0 = arith.constant 0 : i32
    %c0_i32_1 = arith.constant 0 : i32
    return %c0_i32, %c0_i32_0 : i32, i32
  }
  func.func @transform_6(%arg0: i32) -> (i32, i32) {
    %c0_i32 = arith.constant 0 : i32
    %c0_i32_0 = arith.constant 0 : i32
    %c0_i32_1 = arith.constant 0 : i32
    return %c0_i32, %c0_i32_0 : i32, i32
  }
  func.func @transform_7(%arg0: i32) -> (i32, i32) {
    %c0_i32 = arith.constant 0 : i32
    %c0_i32_0 = arith.constant 0 : i32
    return %arg0, %c0_i32 : i32, i32
  }
  func.func @transform_8(%arg0: i32) -> (i32, i32) {
    %c0_i32 = arith.constant 0 : i32
    %c0_i32_0 = arith.constant 0 : i32
    return %arg0, %c0_i32 : i32, i32
  }
  func.func @transform_9(%arg0: i32) -> (i32, i32) {
    %c0_i32 = arith.constant 0 : i32
    %c0_i32_0 = arith.constant 0 : i32
    return %arg0, %c0_i32 : i32, i32
  }
}

module attributes {stable_mosaic.version = 14 : i64} {
  func.func @_lstm_body(%arg0: i32, %arg1: memref<64xi32, #tpu.memory_space<smem>>, %arg2: memref<10000x128xf32, #tpu.memory_space<vmem>>, %arg3: memref<10000x128xf32, #tpu.memory_space<vmem>>, %arg4: memref<10000x128xf32, #tpu.memory_space<vmem>>, %arg5: memref<256x512xf32, #tpu.memory_space<vmem>>, %arg6: memref<8x512xf32, #tpu.memory_space<vmem>>, %arg7: memref<10000x128xf32, #tpu.memory_space<vmem>>, %arg8: memref<10000x128xf32, #tpu.memory_space<vmem>>) attributes {dimension_semantics = [#tpu.dimension_semantics<arbitrary>], iteration_bounds = array<i64: 64>, scalar_prefetch = 0 : i64, scratch_operands = 0 : i64, tpu.core_type = #tpu.core_type<tc>, window_params = [{transform_indices = @transform_0, window_bounds = array<i64: 64>}, {transform_indices = @transform_1, window_bounds = array<i64: 10000, 128>}, {pipeline_mode = #tpu.pipeline_mode<synchronous>, transform_indices = @transform_2, window_bounds = array<i64: 10000, 128>}, {pipeline_mode = #tpu.pipeline_mode<synchronous>, transform_indices = @transform_3, window_bounds = array<i64: 10000, 128>}, {pipeline_mode = #tpu.pipeline_mode<synchronous>, transform_indices = @transform_4, window_bounds = array<i64: 256, 512>}, {pipeline_mode = #tpu.pipeline_mode<synchronous>, transform_indices = @transform_5, window_bounds = array<i64: 8, 512>}, {pipeline_mode = #tpu.pipeline_mode<synchronous>, transform_indices = @transform_6, window_bounds = array<i64: 10000, 128>}, {pipeline_mode = #tpu.pipeline_mode<synchronous>, transform_indices = @transform_7, window_bounds = array<i64: 10000, 128>}]} {
    %eq3A = arith.constant 0 : i32
    %eq3A_0 = arith.cmpi eq, %arg0, %eq3A : i32
    %convert_element_type3A = arith.extui %eq3A_0 : i1 to i32
    %cond3A = arith.constant 0 : i32
    %cond3A_1 = arith.cmpi ne, %convert_element_type3A, %cond3A : i32
    scf.if %cond3A_1 {
      %get3A_27 = arith.constant 0 : index
      %get3A_28 = arith.constant 0 : index
      %get3A_29 = vector.load %arg3[%get3A_27, %get3A_28] : memref<10000x128xf32, #tpu.memory_space<vmem>>, vector<10000x128xf32>
      %swap3A = arith.constant 0 : index
      %swap3A_30 = arith.constant 0 : index
      %swap3A_31 = vector.load %arg7[%swap3A, %swap3A_30] : memref<10000x128xf32, #tpu.memory_space<vmem>>, vector<10000x128xf32>
      tpu.vector_store %arg7[%swap3A, %swap3A_30], %get3A_29 {strides = array<i32>} : memref<10000x128xf32, #tpu.memory_space<vmem>>, vector<10000x128xf32>,
      %get3A_32 = arith.constant 0 : index
      %get3A_33 = arith.constant 0 : index
      %get3A_34 = vector.load %arg4[%get3A_32, %get3A_33] : memref<10000x128xf32, #tpu.memory_space<vmem>>, vector<10000x128xf32>
      %swap3A_35 = arith.constant 0 : index
      %swap3A_36 = arith.constant 0 : index
      %swap3A_37 = vector.load %arg8[%swap3A_35, %swap3A_36] : memref<10000x128xf32, #tpu.memory_space<vmem>>, vector<10000x128xf32>
      tpu.vector_store %arg8[%swap3A_35, %swap3A_36], %get3A_34 {strides = array<i32>} : memref<10000x128xf32, #tpu.memory_space<vmem>>, vector<10000x128xf32>,
    } else {
    }
    %get3A = arith.index_cast %arg0 : i32 to index
    %get3A_2 = memref.load %arg1[%get3A] : memref<64xi32, #tpu.memory_space<smem>>
    %gt3A = arith.constant 0 : i32
    %gt3A_3 = arith.cmpi sgt, %get3A_2, %gt3A : i32
    %convert_element_type3A_4 = arith.extui %gt3A_3 : i1 to i32
    %cond3A_5 = arith.constant 0 : i32
    %cond3A_6 = arith.cmpi ne, %convert_element_type3A_4, %cond3A_5 : i32
    scf.if %cond3A_6 {
      %get3A_27 = arith.constant 0 : index
      %get3A_28 = arith.constant 0 : index
      %get3A_29 = vector.load %arg2[%get3A_27, %get3A_28] : memref<10000x128xf32, #tpu.memory_space<vmem>>, vector<2000x128xf32>
      %get3A_30 = arith.constant 0 : index
      %get3A_31 = arith.constant 0 : index
      %get3A_32 = vector.load %arg7[%get3A_30, %get3A_31] : memref<10000x128xf32, #tpu.memory_space<vmem>>, vector<2000x128xf32>
      %get3A_33 = arith.constant 0 : index
      %get3A_34 = arith.constant 0 : index
      %get3A_35 = vector.load %arg8[%get3A_33, %get3A_34] : memref<10000x128xf32, #tpu.memory_space<vmem>>, vector<2000x128xf32>
      %concatenate3A = tpu.concatenate %get3A_29, %get3A_32 in 1 : vector<2000x128xf32>, vector<2000x128xf32> -> vector<2000x256xf32>
      %get3A_36 = arith.constant 0 : index
      %get3A_37 = arith.constant 0 : index
      %get3A_38 = vector.load %arg5[%get3A_36, %get3A_37] : memref<256x512xf32, #tpu.memory_space<vmem>>, vector<256x512xf32>
      %dot_general3A = arith.constant dense<0.000000e+00> : vector<2000x512xf32>
      %dot_general3A_39 = tpu.matmul %concatenate3A, %get3A_38, %dot_general3A {dimension_numbers = #tpu.dot_dimension_numbers<[1], [0], [0], [1], [0, 0, 1, 1], [], []>, transpose_lhs_hint = false} : vector<2000x256xf32>, vector<256x512xf32>, vector<2000x512xf32> -> vector<2000x512xf32>
      %get3A_40 = arith.constant 0 : index
      %get3A_41 = arith.constant 0 : index
      %get3A_42 = vector.load %arg6[%get3A_40, %get3A_41] : memref<8x512xf32, #tpu.memory_space<vmem>>, vector<1x512xf32>
      %add3A = vector.broadcast %get3A_42 : vector<1x512xf32> to vector<2000x512xf32>
      %add3A_43 = arith.addf %dot_general3A_39, %add3A : vector<2000x512xf32>
      %slice3A = vector.extract_strided_slice %add3A_43 {offsets = [0, 0], sizes = [2000, 128], strides = [1, 1]} : vector<2000x512xf32> to vector<2000x128xf32>
      %logistic3A = arith.negf %slice3A : vector<2000x128xf32>
      %logistic3A_44 = math.exp %logistic3A : vector<2000x128xf32>
      %logistic3A_45 = arith.constant 1.000000e+00 : f32
      %logistic3A_46 = vector.broadcast %logistic3A_45 : f32 to vector<2000x128xf32>
      %logistic3A_47 = arith.addf %logistic3A_46, %logistic3A_44 : vector<2000x128xf32>
      %logistic3A_48 = arith.divf %logistic3A_46, %logistic3A_47 : vector<2000x128xf32>
      %slice3A_49 = vector.extract_strided_slice %add3A_43 {offsets = [0, 128], sizes = [2000, 128], strides = [1, 1]} : vector<2000x512xf32> to vector<2000x128xf32>
      %logistic3A_50 = arith.negf %slice3A_49 : vector<2000x128xf32>
      %logistic3A_51 = math.exp %logistic3A_50 : vector<2000x128xf32>
      %logistic3A_52 = arith.constant 1.000000e+00 : f32
      %logistic3A_53 = vector.broadcast %logistic3A_52 : f32 to vector<2000x128xf32>
      %logistic3A_54 = arith.addf %logistic3A_53, %logistic3A_51 : vector<2000x128xf32>
      %logistic3A_55 = arith.divf %logistic3A_53, %logistic3A_54 : vector<2000x128xf32>
      %slice3A_56 = vector.extract_strided_slice %add3A_43 {offsets = [0, 256], sizes = [2000, 128], strides = [1, 1]} : vector<2000x512xf32> to vector<2000x128xf32>
      %tanh3A = math.tanh %slice3A_56 : vector<2000x128xf32>
      %slice3A_57 = vector.extract_strided_slice %add3A_43 {offsets = [0, 384], sizes = [2000, 128], strides = [1, 1]} : vector<2000x512xf32> to vector<2000x128xf32>
      %logistic3A_58 = arith.negf %slice3A_57 : vector<2000x128xf32>
      %logistic3A_59 = math.exp %logistic3A_58 : vector<2000x128xf32>
      %logistic3A_60 = arith.constant 1.000000e+00 : f32
      %logistic3A_61 = vector.broadcast %logistic3A_60 : f32 to vector<2000x128xf32>
      %logistic3A_62 = arith.addf %logistic3A_61, %logistic3A_59 : vector<2000x128xf32>
      %logistic3A_63 = arith.divf %logistic3A_61, %logistic3A_62 : vector<2000x128xf32>
      %mul3A = arith.mulf %logistic3A_55, %get3A_35 : vector<2000x128xf32>
      %mul3A_64 = arith.mulf %logistic3A_48, %tanh3A : vector<2000x128xf32>
      %add3A_65 = arith.addf %mul3A, %mul3A_64 : vector<2000x128xf32>
      %tanh3A_66 = math.tanh %add3A_65 : vector<2000x128xf32>
      %mul3A_67 = arith.mulf %logistic3A_63, %tanh3A_66 : vector<2000x128xf32>
      %iota3A = tpu.iota {dimensions = array<i32: 0>} : vector<2000x1xi32>
      %add3A_68 = arith.constant 0 : i32
      %add3A_69 = vector.broadcast %add3A_68 : i32 to vector<2000x1xi32>
      %add3A_70 = arith.addi %iota3A, %add3A_69 : vector<2000x1xi32>
      %lt3A = vector.broadcast %get3A_2 : i32 to vector<2000x1xi32>
      %lt3A_71 = arith.cmpi slt, %add3A_70, %lt3A : vector<2000x1xi32>
      %broadcast_in_dim3A = vector.shape_cast %lt3A_71 : vector<2000x1xi1> to vector<2000x1xi1>
      %broadcast_in_dim3A_72 = vector.broadcast %broadcast_in_dim3A : vector<2000x1xi1> to vector<2000x128xi1>
      %select_n3A = arith.select %broadcast_in_dim3A_72, %mul3A_67, %get3A_32 : vector<2000x128xi1>, vector<2000x128xf32>
      %swap3A = arith.constant 0 : index
      %swap3A_73 = arith.constant 0 : index
      %swap3A_74 = vector.load %arg7[%swap3A, %swap3A_73] : memref<10000x128xf32, #tpu.memory_space<vmem>>, vector<2000x128xf32>
      tpu.vector_store %arg7[%swap3A, %swap3A_73], %select_n3A {strides = array<i32>} : memref<10000x128xf32, #tpu.memory_space<vmem>>, vector<2000x128xf32>,
      %broadcast_in_dim3A_75 = vector.shape_cast %lt3A_71 : vector<2000x1xi1> to vector<2000x1xi1>
      %broadcast_in_dim3A_76 = vector.broadcast %broadcast_in_dim3A_75 : vector<2000x1xi1> to vector<2000x128xi1>
      %select_n3A_77 = arith.select %broadcast_in_dim3A_76, %add3A_65, %get3A_35 : vector<2000x128xi1>, vector<2000x128xf32>
      %swap3A_78 = arith.constant 0 : index
      %swap3A_79 = arith.constant 0 : index
      %swap3A_80 = vector.load %arg8[%swap3A_78, %swap3A_79] : memref<10000x128xf32, #tpu.memory_space<vmem>>, vector<2000x128xf32>
      tpu.vector_store %arg8[%swap3A_78, %swap3A_79], %select_n3A_77 {strides = array<i32>} : memref<10000x128xf32, #tpu.memory_space<vmem>>, vector<2000x128xf32>,
    } else {
    }
    %gt3A_7 = arith.constant 2000 : i32
    %gt3A_8 = arith.cmpi sgt, %get3A_2, %gt3A_7 : i32
    %convert_element_type3A_9 = arith.extui %gt3A_8 : i1 to i32
    %cond3A_10 = arith.constant 0 : i32
    %cond3A_11 = arith.cmpi ne, %convert_element_type3A_9, %cond3A_10 : i32
    scf.if %cond3A_11 {
      %get3A_27 = arith.constant 2000 : index
      %get3A_28 = arith.constant 0 : index
      %get3A_29 = vector.load %arg2[%get3A_27, %get3A_28] : memref<10000x128xf32, #tpu.memory_space<vmem>>, vector<2000x128xf32>
      %get3A_30 = arith.constant 2000 : index
      %get3A_31 = arith.constant 0 : index
      %get3A_32 = vector.load %arg7[%get3A_30, %get3A_31] : memref<10000x128xf32, #tpu.memory_space<vmem>>, vector<2000x128xf32>
      %get3A_33 = arith.constant 2000 : index
      %get3A_34 = arith.constant 0 : index
      %get3A_35 = vector.load %arg8[%get3A_33, %get3A_34] : memref<10000x128xf32, #tpu.memory_space<vmem>>, vector<2000x128xf32>
      %concatenate3A = tpu.concatenate %get3A_29, %get3A_32 in 1 : vector<2000x128xf32>, vector<2000x128xf32> -> vector<2000x256xf32>
      %get3A_36 = arith.constant 0 : index
      %get3A_37 = arith.constant 0 : index
      %get3A_38 = vector.load %arg5[%get3A_36, %get3A_37] : memref<256x512xf32, #tpu.memory_space<vmem>>, vector<256x512xf32>
      %dot_general3A = arith.constant dense<0.000000e+00> : vector<2000x512xf32>
      %dot_general3A_39 = tpu.matmul %concatenate3A, %get3A_38, %dot_general3A {dimension_numbers = #tpu.dot_dimension_numbers<[1], [0], [0], [1], [0, 0, 1, 1], [], []>, transpose_lhs_hint = false} : vector<2000x256xf32>, vector<256x512xf32>, vector<2000x512xf32> -> vector<2000x512xf32>
      %get3A_40 = arith.constant 0 : index
      %get3A_41 = arith.constant 0 : index
      %get3A_42 = vector.load %arg6[%get3A_40, %get3A_41] : memref<8x512xf32, #tpu.memory_space<vmem>>, vector<1x512xf32>
      %add3A = vector.broadcast %get3A_42 : vector<1x512xf32> to vector<2000x512xf32>
      %add3A_43 = arith.addf %dot_general3A_39, %add3A : vector<2000x512xf32>
      %slice3A = vector.extract_strided_slice %add3A_43 {offsets = [0, 0], sizes = [2000, 128], strides = [1, 1]} : vector<2000x512xf32> to vector<2000x128xf32>
      %logistic3A = arith.negf %slice3A : vector<2000x128xf32>
      %logistic3A_44 = math.exp %logistic3A : vector<2000x128xf32>
      %logistic3A_45 = arith.constant 1.000000e+00 : f32
      %logistic3A_46 = vector.broadcast %logistic3A_45 : f32 to vector<2000x128xf32>
      %logistic3A_47 = arith.addf %logistic3A_46, %logistic3A_44 : vector<2000x128xf32>
      %logistic3A_48 = arith.divf %logistic3A_46, %logistic3A_47 : vector<2000x128xf32>
      %slice3A_49 = vector.extract_strided_slice %add3A_43 {offsets = [0, 128], sizes = [2000, 128], strides = [1, 1]} : vector<2000x512xf32> to vector<2000x128xf32>
      %logistic3A_50 = arith.negf %slice3A_49 : vector<2000x128xf32>
      %logistic3A_51 = math.exp %logistic3A_50 : vector<2000x128xf32>
      %logistic3A_52 = arith.constant 1.000000e+00 : f32
      %logistic3A_53 = vector.broadcast %logistic3A_52 : f32 to vector<2000x128xf32>
      %logistic3A_54 = arith.addf %logistic3A_53, %logistic3A_51 : vector<2000x128xf32>
      %logistic3A_55 = arith.divf %logistic3A_53, %logistic3A_54 : vector<2000x128xf32>
      %slice3A_56 = vector.extract_strided_slice %add3A_43 {offsets = [0, 256], sizes = [2000, 128], strides = [1, 1]} : vector<2000x512xf32> to vector<2000x128xf32>
      %tanh3A = math.tanh %slice3A_56 : vector<2000x128xf32>
      %slice3A_57 = vector.extract_strided_slice %add3A_43 {offsets = [0, 384], sizes = [2000, 128], strides = [1, 1]} : vector<2000x512xf32> to vector<2000x128xf32>
      %logistic3A_58 = arith.negf %slice3A_57 : vector<2000x128xf32>
      %logistic3A_59 = math.exp %logistic3A_58 : vector<2000x128xf32>
      %logistic3A_60 = arith.constant 1.000000e+00 : f32
      %logistic3A_61 = vector.broadcast %logistic3A_60 : f32 to vector<2000x128xf32>
      %logistic3A_62 = arith.addf %logistic3A_61, %logistic3A_59 : vector<2000x128xf32>
      %logistic3A_63 = arith.divf %logistic3A_61, %logistic3A_62 : vector<2000x128xf32>
      %mul3A = arith.mulf %logistic3A_55, %get3A_35 : vector<2000x128xf32>
      %mul3A_64 = arith.mulf %logistic3A_48, %tanh3A : vector<2000x128xf32>
      %add3A_65 = arith.addf %mul3A, %mul3A_64 : vector<2000x128xf32>
      %tanh3A_66 = math.tanh %add3A_65 : vector<2000x128xf32>
      %mul3A_67 = arith.mulf %logistic3A_63, %tanh3A_66 : vector<2000x128xf32>
      %iota3A = tpu.iota {dimensions = array<i32: 0>} : vector<2000x1xi32>
      %add3A_68 = arith.constant 2000 : i32
      %add3A_69 = vector.broadcast %add3A_68 : i32 to vector<2000x1xi32>
      %add3A_70 = arith.addi %iota3A, %add3A_69 : vector<2000x1xi32>
      %lt3A = vector.broadcast %get3A_2 : i32 to vector<2000x1xi32>
      %lt3A_71 = arith.cmpi slt, %add3A_70, %lt3A : vector<2000x1xi32>
      %broadcast_in_dim3A = vector.shape_cast %lt3A_71 : vector<2000x1xi1> to vector<2000x1xi1>
      %broadcast_in_dim3A_72 = vector.broadcast %broadcast_in_dim3A : vector<2000x1xi1> to vector<2000x128xi1>
      %select_n3A = arith.select %broadcast_in_dim3A_72, %mul3A_67, %get3A_32 : vector<2000x128xi1>, vector<2000x128xf32>
      %swap3A = arith.constant 2000 : index
      %swap3A_73 = arith.constant 0 : index
      %swap3A_74 = vector.load %arg7[%swap3A, %swap3A_73] : memref<10000x128xf32, #tpu.memory_space<vmem>>, vector<2000x128xf32>
      tpu.vector_store %arg7[%swap3A, %swap3A_73], %select_n3A {strides = array<i32>} : memref<10000x128xf32, #tpu.memory_space<vmem>>, vector<2000x128xf32>,
      %broadcast_in_dim3A_75 = vector.shape_cast %lt3A_71 : vector<2000x1xi1> to vector<2000x1xi1>
      %broadcast_in_dim3A_76 = vector.broadcast %broadcast_in_dim3A_75 : vector<2000x1xi1> to vector<2000x128xi1>
      %select_n3A_77 = arith.select %broadcast_in_dim3A_76, %add3A_65, %get3A_35 : vector<2000x128xi1>, vector<2000x128xf32>
      %swap3A_78 = arith.constant 2000 : index
      %swap3A_79 = arith.constant 0 : index
      %swap3A_80 = vector.load %arg8[%swap3A_78, %swap3A_79] : memref<10000x128xf32, #tpu.memory_space<vmem>>, vector<2000x128xf32>
      tpu.vector_store %arg8[%swap3A_78, %swap3A_79], %select_n3A_77 {strides = array<i32>} : memref<10000x128xf32, #tpu.memory_space<vmem>>, vector<2000x128xf32>,
    } else {
    }
    %gt3A_12 = arith.constant 4000 : i32
    %gt3A_13 = arith.cmpi sgt, %get3A_2, %gt3A_12 : i32
    %convert_element_type3A_14 = arith.extui %gt3A_13 : i1 to i32
    %cond3A_15 = arith.constant 0 : i32
    %cond3A_16 = arith.cmpi ne, %convert_element_type3A_14, %cond3A_15 : i32
    scf.if %cond3A_16 {
      %get3A_27 = arith.constant 4000 : index
      %get3A_28 = arith.constant 0 : index
      %get3A_29 = vector.load %arg2[%get3A_27, %get3A_28] : memref<10000x128xf32, #tpu.memory_space<vmem>>, vector<2000x128xf32>
      %get3A_30 = arith.constant 4000 : index
      %get3A_31 = arith.constant 0 : index
      %get3A_32 = vector.load %arg7[%get3A_30, %get3A_31] : memref<10000x128xf32, #tpu.memory_space<vmem>>, vector<2000x128xf32>
      %get3A_33 = arith.constant 4000 : index
      %get3A_34 = arith.constant 0 : index
      %get3A_35 = vector.load %arg8[%get3A_33, %get3A_34] : memref<10000x128xf32, #tpu.memory_space<vmem>>, vector<2000x128xf32>
      %concatenate3A = tpu.concatenate %get3A_29, %get3A_32 in 1 : vector<2000x128xf32>, vector<2000x128xf32> -> vector<2000x256xf32>
      %get3A_36 = arith.constant 0 : index
      %get3A_37 = arith.constant 0 : index
      %get3A_38 = vector.load %arg5[%get3A_36, %get3A_37] : memref<256x512xf32, #tpu.memory_space<vmem>>, vector<256x512xf32>
      %dot_general3A = arith.constant dense<0.000000e+00> : vector<2000x512xf32>
      %dot_general3A_39 = tpu.matmul %concatenate3A, %get3A_38, %dot_general3A {dimension_numbers = #tpu.dot_dimension_numbers<[1], [0], [0], [1], [0, 0, 1, 1], [], []>, transpose_lhs_hint = false} : vector<2000x256xf32>, vector<256x512xf32>, vector<2000x512xf32> -> vector<2000x512xf32>
      %get3A_40 = arith.constant 0 : index
      %get3A_41 = arith.constant 0 : index
      %get3A_42 = vector.load %arg6[%get3A_40, %get3A_41] : memref<8x512xf32, #tpu.memory_space<vmem>>, vector<1x512xf32>
      %add3A = vector.broadcast %get3A_42 : vector<1x512xf32> to vector<2000x512xf32>
      %add3A_43 = arith.addf %dot_general3A_39, %add3A : vector<2000x512xf32>
      %slice3A = vector.extract_strided_slice %add3A_43 {offsets = [0, 0], sizes = [2000, 128], strides = [1, 1]} : vector<2000x512xf32> to vector<2000x128xf32>
      %logistic3A = arith.negf %slice3A : vector<2000x128xf32>
      %logistic3A_44 = math.exp %logistic3A : vector<2000x128xf32>
      %logistic3A_45 = arith.constant 1.000000e+00 : f32
      %logistic3A_46 = vector.broadcast %logistic3A_45 : f32 to vector<2000x128xf32>
      %logistic3A_47 = arith.addf %logistic3A_46, %logistic3A_44 : vector<2000x128xf32>
      %logistic3A_48 = arith.divf %logistic3A_46, %logistic3A_47 : vector<2000x128xf32>
      %slice3A_49 = vector.extract_strided_slice %add3A_43 {offsets = [0, 128], sizes = [2000, 128], strides = [1, 1]} : vector<2000x512xf32> to vector<2000x128xf32>
      %logistic3A_50 = arith.negf %slice3A_49 : vector<2000x128xf32>
      %logistic3A_51 = math.exp %logistic3A_50 : vector<2000x128xf32>
      %logistic3A_52 = arith.constant 1.000000e+00 : f32
      %logistic3A_53 = vector.broadcast %logistic3A_52 : f32 to vector<2000x128xf32>
      %logistic3A_54 = arith.addf %logistic3A_53, %logistic3A_51 : vector<2000x128xf32>
      %logistic3A_55 = arith.divf %logistic3A_53, %logistic3A_54 : vector<2000x128xf32>
      %slice3A_56 = vector.extract_strided_slice %add3A_43 {offsets = [0, 256], sizes = [2000, 128], strides = [1, 1]} : vector<2000x512xf32> to vector<2000x128xf32>
      %tanh3A = math.tanh %slice3A_56 : vector<2000x128xf32>
      %slice3A_57 = vector.extract_strided_slice %add3A_43 {offsets = [0, 384], sizes = [2000, 128], strides = [1, 1]} : vector<2000x512xf32> to vector<2000x128xf32>
      %logistic3A_58 = arith.negf %slice3A_57 : vector<2000x128xf32>
      %logistic3A_59 = math.exp %logistic3A_58 : vector<2000x128xf32>
      %logistic3A_60 = arith.constant 1.000000e+00 : f32
      %logistic3A_61 = vector.broadcast %logistic3A_60 : f32 to vector<2000x128xf32>
      %logistic3A_62 = arith.addf %logistic3A_61, %logistic3A_59 : vector<2000x128xf32>
      %logistic3A_63 = arith.divf %logistic3A_61, %logistic3A_62 : vector<2000x128xf32>
      %mul3A = arith.mulf %logistic3A_55, %get3A_35 : vector<2000x128xf32>
      %mul3A_64 = arith.mulf %logistic3A_48, %tanh3A : vector<2000x128xf32>
      %add3A_65 = arith.addf %mul3A, %mul3A_64 : vector<2000x128xf32>
      %tanh3A_66 = math.tanh %add3A_65 : vector<2000x128xf32>
      %mul3A_67 = arith.mulf %logistic3A_63, %tanh3A_66 : vector<2000x128xf32>
      %iota3A = tpu.iota {dimensions = array<i32: 0>} : vector<2000x1xi32>
      %add3A_68 = arith.constant 4000 : i32
      %add3A_69 = vector.broadcast %add3A_68 : i32 to vector<2000x1xi32>
      %add3A_70 = arith.addi %iota3A, %add3A_69 : vector<2000x1xi32>
      %lt3A = vector.broadcast %get3A_2 : i32 to vector<2000x1xi32>
      %lt3A_71 = arith.cmpi slt, %add3A_70, %lt3A : vector<2000x1xi32>
      %broadcast_in_dim3A = vector.shape_cast %lt3A_71 : vector<2000x1xi1> to vector<2000x1xi1>
      %broadcast_in_dim3A_72 = vector.broadcast %broadcast_in_dim3A : vector<2000x1xi1> to vector<2000x128xi1>
      %select_n3A = arith.select %broadcast_in_dim3A_72, %mul3A_67, %get3A_32 : vector<2000x128xi1>, vector<2000x128xf32>
      %swap3A = arith.constant 4000 : index
      %swap3A_73 = arith.constant 0 : index
      %swap3A_74 = vector.load %arg7[%swap3A, %swap3A_73] : memref<10000x128xf32, #tpu.memory_space<vmem>>, vector<2000x128xf32>
      tpu.vector_store %arg7[%swap3A, %swap3A_73], %select_n3A {strides = array<i32>} : memref<10000x128xf32, #tpu.memory_space<vmem>>, vector<2000x128xf32>,
      %broadcast_in_dim3A_75 = vector.shape_cast %lt3A_71 : vector<2000x1xi1> to vector<2000x1xi1>
      %broadcast_in_dim3A_76 = vector.broadcast %broadcast_in_dim3A_75 : vector<2000x1xi1> to vector<2000x128xi1>
      %select_n3A_77 = arith.select %broadcast_in_dim3A_76, %add3A_65, %get3A_35 : vector<2000x128xi1>, vector<2000x128xf32>
      %swap3A_78 = arith.constant 4000 : index
      %swap3A_79 = arith.constant 0 : index
      %swap3A_80 = vector.load %arg8[%swap3A_78, %swap3A_79] : memref<10000x128xf32, #tpu.memory_space<vmem>>, vector<2000x128xf32>
      tpu.vector_store %arg8[%swap3A_78, %swap3A_79], %select_n3A_77 {strides = array<i32>} : memref<10000x128xf32, #tpu.memory_space<vmem>>, vector<2000x128xf32>,
    } else {
    }
    %gt3A_17 = arith.constant 6000 : i32
    %gt3A_18 = arith.cmpi sgt, %get3A_2, %gt3A_17 : i32
    %convert_element_type3A_19 = arith.extui %gt3A_18 : i1 to i32
    %cond3A_20 = arith.constant 0 : i32
    %cond3A_21 = arith.cmpi ne, %convert_element_type3A_19, %cond3A_20 : i32
    scf.if %cond3A_21 {
      %get3A_27 = arith.constant 6000 : index
      %get3A_28 = arith.constant 0 : index
      %get3A_29 = vector.load %arg2[%get3A_27, %get3A_28] : memref<10000x128xf32, #tpu.memory_space<vmem>>, vector<2000x128xf32>
      %get3A_30 = arith.constant 6000 : index
      %get3A_31 = arith.constant 0 : index
      %get3A_32 = vector.load %arg7[%get3A_30, %get3A_31] : memref<10000x128xf32, #tpu.memory_space<vmem>>, vector<2000x128xf32>
      %get3A_33 = arith.constant 6000 : index
      %get3A_34 = arith.constant 0 : index
      %get3A_35 = vector.load %arg8[%get3A_33, %get3A_34] : memref<10000x128xf32, #tpu.memory_space<vmem>>, vector<2000x128xf32>
      %concatenate3A = tpu.concatenate %get3A_29, %get3A_32 in 1 : vector<2000x128xf32>, vector<2000x128xf32> -> vector<2000x256xf32>
      %get3A_36 = arith.constant 0 : index
      %get3A_37 = arith.constant 0 : index
      %get3A_38 = vector.load %arg5[%get3A_36, %get3A_37] : memref<256x512xf32, #tpu.memory_space<vmem>>, vector<256x512xf32>
      %dot_general3A = arith.constant dense<0.000000e+00> : vector<2000x512xf32>
      %dot_general3A_39 = tpu.matmul %concatenate3A, %get3A_38, %dot_general3A {dimension_numbers = #tpu.dot_dimension_numbers<[1], [0], [0], [1], [0, 0, 1, 1], [], []>, transpose_lhs_hint = false} : vector<2000x256xf32>, vector<256x512xf32>, vector<2000x512xf32> -> vector<2000x512xf32>
      %get3A_40 = arith.constant 0 : index
      %get3A_41 = arith.constant 0 : index
      %get3A_42 = vector.load %arg6[%get3A_40, %get3A_41] : memref<8x512xf32, #tpu.memory_space<vmem>>, vector<1x512xf32>
      %add3A = vector.broadcast %get3A_42 : vector<1x512xf32> to vector<2000x512xf32>
      %add3A_43 = arith.addf %dot_general3A_39, %add3A : vector<2000x512xf32>
      %slice3A = vector.extract_strided_slice %add3A_43 {offsets = [0, 0], sizes = [2000, 128], strides = [1, 1]} : vector<2000x512xf32> to vector<2000x128xf32>
      %logistic3A = arith.negf %slice3A : vector<2000x128xf32>
      %logistic3A_44 = math.exp %logistic3A : vector<2000x128xf32>
      %logistic3A_45 = arith.constant 1.000000e+00 : f32
      %logistic3A_46 = vector.broadcast %logistic3A_45 : f32 to vector<2000x128xf32>
      %logistic3A_47 = arith.addf %logistic3A_46, %logistic3A_44 : vector<2000x128xf32>
      %logistic3A_48 = arith.divf %logistic3A_46, %logistic3A_47 : vector<2000x128xf32>
      %slice3A_49 = vector.extract_strided_slice %add3A_43 {offsets = [0, 128], sizes = [2000, 128], strides = [1, 1]} : vector<2000x512xf32> to vector<2000x128xf32>
      %logistic3A_50 = arith.negf %slice3A_49 : vector<2000x128xf32>
      %logistic3A_51 = math.exp %logistic3A_50 : vector<2000x128xf32>
      %logistic3A_52 = arith.constant 1.000000e+00 : f32
      %logistic3A_53 = vector.broadcast %logistic3A_52 : f32 to vector<2000x128xf32>
      %logistic3A_54 = arith.addf %logistic3A_53, %logistic3A_51 : vector<2000x128xf32>
      %logistic3A_55 = arith.divf %logistic3A_53, %logistic3A_54 : vector<2000x128xf32>
      %slice3A_56 = vector.extract_strided_slice %add3A_43 {offsets = [0, 256], sizes = [2000, 128], strides = [1, 1]} : vector<2000x512xf32> to vector<2000x128xf32>
      %tanh3A = math.tanh %slice3A_56 : vector<2000x128xf32>
      %slice3A_57 = vector.extract_strided_slice %add3A_43 {offsets = [0, 384], sizes = [2000, 128], strides = [1, 1]} : vector<2000x512xf32> to vector<2000x128xf32>
      %logistic3A_58 = arith.negf %slice3A_57 : vector<2000x128xf32>
      %logistic3A_59 = math.exp %logistic3A_58 : vector<2000x128xf32>
      %logistic3A_60 = arith.constant 1.000000e+00 : f32
      %logistic3A_61 = vector.broadcast %logistic3A_60 : f32 to vector<2000x128xf32>
      %logistic3A_62 = arith.addf %logistic3A_61, %logistic3A_59 : vector<2000x128xf32>
      %logistic3A_63 = arith.divf %logistic3A_61, %logistic3A_62 : vector<2000x128xf32>
      %mul3A = arith.mulf %logistic3A_55, %get3A_35 : vector<2000x128xf32>
      %mul3A_64 = arith.mulf %logistic3A_48, %tanh3A : vector<2000x128xf32>
      %add3A_65 = arith.addf %mul3A, %mul3A_64 : vector<2000x128xf32>
      %tanh3A_66 = math.tanh %add3A_65 : vector<2000x128xf32>
      %mul3A_67 = arith.mulf %logistic3A_63, %tanh3A_66 : vector<2000x128xf32>
      %iota3A = tpu.iota {dimensions = array<i32: 0>} : vector<2000x1xi32>
      %add3A_68 = arith.constant 6000 : i32
      %add3A_69 = vector.broadcast %add3A_68 : i32 to vector<2000x1xi32>
      %add3A_70 = arith.addi %iota3A, %add3A_69 : vector<2000x1xi32>
      %lt3A = vector.broadcast %get3A_2 : i32 to vector<2000x1xi32>
      %lt3A_71 = arith.cmpi slt, %add3A_70, %lt3A : vector<2000x1xi32>
      %broadcast_in_dim3A = vector.shape_cast %lt3A_71 : vector<2000x1xi1> to vector<2000x1xi1>
      %broadcast_in_dim3A_72 = vector.broadcast %broadcast_in_dim3A : vector<2000x1xi1> to vector<2000x128xi1>
      %select_n3A = arith.select %broadcast_in_dim3A_72, %mul3A_67, %get3A_32 : vector<2000x128xi1>, vector<2000x128xf32>
      %swap3A = arith.constant 6000 : index
      %swap3A_73 = arith.constant 0 : index
      %swap3A_74 = vector.load %arg7[%swap3A, %swap3A_73] : memref<10000x128xf32, #tpu.memory_space<vmem>>, vector<2000x128xf32>
      tpu.vector_store %arg7[%swap3A, %swap3A_73], %select_n3A {strides = array<i32>} : memref<10000x128xf32, #tpu.memory_space<vmem>>, vector<2000x128xf32>,
      %broadcast_in_dim3A_75 = vector.shape_cast %lt3A_71 : vector<2000x1xi1> to vector<2000x1xi1>
      %broadcast_in_dim3A_76 = vector.broadcast %broadcast_in_dim3A_75 : vector<2000x1xi1> to vector<2000x128xi1>
      %select_n3A_77 = arith.select %broadcast_in_dim3A_76, %add3A_65, %get3A_35 : vector<2000x128xi1>, vector<2000x128xf32>
      %swap3A_78 = arith.constant 6000 : index
      %swap3A_79 = arith.constant 0 : index
      %swap3A_80 = vector.load %arg8[%swap3A_78, %swap3A_79] : memref<10000x128xf32, #tpu.memory_space<vmem>>, vector<2000x128xf32>
      tpu.vector_store %arg8[%swap3A_78, %swap3A_79], %select_n3A_77 {strides = array<i32>} : memref<10000x128xf32, #tpu.memory_space<vmem>>, vector<2000x128xf32>,
    } else {
    }
    %gt3A_22 = arith.constant 8000 : i32
    %gt3A_23 = arith.cmpi sgt, %get3A_2, %gt3A_22 : i32
    %convert_element_type3A_24 = arith.extui %gt3A_23 : i1 to i32
    %cond3A_25 = arith.constant 0 : i32
    %cond3A_26 = arith.cmpi ne, %convert_element_type3A_24, %cond3A_25 : i32
    scf.if %cond3A_26 {
      %get3A_27 = arith.constant 8000 : index
      %get3A_28 = arith.constant 0 : index
      %get3A_29 = vector.load %arg2[%get3A_27, %get3A_28] : memref<10000x128xf32, #tpu.memory_space<vmem>>, vector<2000x128xf32>
      %get3A_30 = arith.constant 8000 : index
      %get3A_31 = arith.constant 0 : index
      %get3A_32 = vector.load %arg7[%get3A_30, %get3A_31] : memref<10000x128xf32, #tpu.memory_space<vmem>>, vector<2000x128xf32>
      %get3A_33 = arith.constant 8000 : index
      %get3A_34 = arith.constant 0 : index
      %get3A_35 = vector.load %arg8[%get3A_33, %get3A_34] : memref<10000x128xf32, #tpu.memory_space<vmem>>, vector<2000x128xf32>
      %concatenate3A = tpu.concatenate %get3A_29, %get3A_32 in 1 : vector<2000x128xf32>, vector<2000x128xf32> -> vector<2000x256xf32>
      %get3A_36 = arith.constant 0 : index
      %get3A_37 = arith.constant 0 : index
      %get3A_38 = vector.load %arg5[%get3A_36, %get3A_37] : memref<256x512xf32, #tpu.memory_space<vmem>>, vector<256x512xf32>
      %dot_general3A = arith.constant dense<0.000000e+00> : vector<2000x512xf32>
      %dot_general3A_39 = tpu.matmul %concatenate3A, %get3A_38, %dot_general3A {dimension_numbers = #tpu.dot_dimension_numbers<[1], [0], [0], [1], [0, 0, 1, 1], [], []>, transpose_lhs_hint = false} : vector<2000x256xf32>, vector<256x512xf32>, vector<2000x512xf32> -> vector<2000x512xf32>
      %get3A_40 = arith.constant 0 : index
      %get3A_41 = arith.constant 0 : index
      %get3A_42 = vector.load %arg6[%get3A_40, %get3A_41] : memref<8x512xf32, #tpu.memory_space<vmem>>, vector<1x512xf32>
      %add3A = vector.broadcast %get3A_42 : vector<1x512xf32> to vector<2000x512xf32>
      %add3A_43 = arith.addf %dot_general3A_39, %add3A : vector<2000x512xf32>
      %slice3A = vector.extract_strided_slice %add3A_43 {offsets = [0, 0], sizes = [2000, 128], strides = [1, 1]} : vector<2000x512xf32> to vector<2000x128xf32>
      %logistic3A = arith.negf %slice3A : vector<2000x128xf32>
      %logistic3A_44 = math.exp %logistic3A : vector<2000x128xf32>
      %logistic3A_45 = arith.constant 1.000000e+00 : f32
      %logistic3A_46 = vector.broadcast %logistic3A_45 : f32 to vector<2000x128xf32>
      %logistic3A_47 = arith.addf %logistic3A_46, %logistic3A_44 : vector<2000x128xf32>
      %logistic3A_48 = arith.divf %logistic3A_46, %logistic3A_47 : vector<2000x128xf32>
      %slice3A_49 = vector.extract_strided_slice %add3A_43 {offsets = [0, 128], sizes = [2000, 128], strides = [1, 1]} : vector<2000x512xf32> to vector<2000x128xf32>
      %logistic3A_50 = arith.negf %slice3A_49 : vector<2000x128xf32>
      %logistic3A_51 = math.exp %logistic3A_50 : vector<2000x128xf32>
      %logistic3A_52 = arith.constant 1.000000e+00 : f32
      %logistic3A_53 = vector.broadcast %logistic3A_52 : f32 to vector<2000x128xf32>
      %logistic3A_54 = arith.addf %logistic3A_53, %logistic3A_51 : vector<2000x128xf32>
      %logistic3A_55 = arith.divf %logistic3A_53, %logistic3A_54 : vector<2000x128xf32>
      %slice3A_56 = vector.extract_strided_slice %add3A_43 {offsets = [0, 256], sizes = [2000, 128], strides = [1, 1]} : vector<2000x512xf32> to vector<2000x128xf32>
      %tanh3A = math.tanh %slice3A_56 : vector<2000x128xf32>
      %slice3A_57 = vector.extract_strided_slice %add3A_43 {offsets = [0, 384], sizes = [2000, 128], strides = [1, 1]} : vector<2000x512xf32> to vector<2000x128xf32>
      %logistic3A_58 = arith.negf %slice3A_57 : vector<2000x128xf32>
      %logistic3A_59 = math.exp %logistic3A_58 : vector<2000x128xf32>
      %logistic3A_60 = arith.constant 1.000000e+00 : f32
      %logistic3A_61 = vector.broadcast %logistic3A_60 : f32 to vector<2000x128xf32>
      %logistic3A_62 = arith.addf %logistic3A_61, %logistic3A_59 : vector<2000x128xf32>
      %logistic3A_63 = arith.divf %logistic3A_61, %logistic3A_62 : vector<2000x128xf32>
      %mul3A = arith.mulf %logistic3A_55, %get3A_35 : vector<2000x128xf32>
      %mul3A_64 = arith.mulf %logistic3A_48, %tanh3A : vector<2000x128xf32>
      %add3A_65 = arith.addf %mul3A, %mul3A_64 : vector<2000x128xf32>
      %tanh3A_66 = math.tanh %add3A_65 : vector<2000x128xf32>
      %mul3A_67 = arith.mulf %logistic3A_63, %tanh3A_66 : vector<2000x128xf32>
      %iota3A = tpu.iota {dimensions = array<i32: 0>} : vector<2000x1xi32>
      %add3A_68 = arith.constant 8000 : i32
      %add3A_69 = vector.broadcast %add3A_68 : i32 to vector<2000x1xi32>
      %add3A_70 = arith.addi %iota3A, %add3A_69 : vector<2000x1xi32>
      %lt3A = vector.broadcast %get3A_2 : i32 to vector<2000x1xi32>
      %lt3A_71 = arith.cmpi slt, %add3A_70, %lt3A : vector<2000x1xi32>
      %broadcast_in_dim3A = vector.shape_cast %lt3A_71 : vector<2000x1xi1> to vector<2000x1xi1>
      %broadcast_in_dim3A_72 = vector.broadcast %broadcast_in_dim3A : vector<2000x1xi1> to vector<2000x128xi1>
      %select_n3A = arith.select %broadcast_in_dim3A_72, %mul3A_67, %get3A_32 : vector<2000x128xi1>, vector<2000x128xf32>
      %swap3A = arith.constant 8000 : index
      %swap3A_73 = arith.constant 0 : index
      %swap3A_74 = vector.load %arg7[%swap3A, %swap3A_73] : memref<10000x128xf32, #tpu.memory_space<vmem>>, vector<2000x128xf32>
      tpu.vector_store %arg7[%swap3A, %swap3A_73], %select_n3A {strides = array<i32>} : memref<10000x128xf32, #tpu.memory_space<vmem>>, vector<2000x128xf32>,
      %broadcast_in_dim3A_75 = vector.shape_cast %lt3A_71 : vector<2000x1xi1> to vector<2000x1xi1>
      %broadcast_in_dim3A_76 = vector.broadcast %broadcast_in_dim3A_75 : vector<2000x1xi1> to vector<2000x128xi1>
      %select_n3A_77 = arith.select %broadcast_in_dim3A_76, %add3A_65, %get3A_35 : vector<2000x128xi1>, vector<2000x128xf32>
      %swap3A_78 = arith.constant 8000 : index
      %swap3A_79 = arith.constant 0 : index
      %swap3A_80 = vector.load %arg8[%swap3A_78, %swap3A_79] : memref<10000x128xf32, #tpu.memory_space<vmem>>, vector<2000x128xf32>
      tpu.vector_store %arg8[%swap3A_78, %swap3A_79], %select_n3A_77 {strides = array<i32>} : memref<10000x128xf32, #tpu.memory_space<vmem>>, vector<2000x128xf32>,
    } else {
    }
    return
  }
  func.func @transform_0(%arg0: i32) -> i32 {
    %c0_i32 = arith.constant 0 : i32
    %c0_i32_0 = arith.constant 0 : i32
    return %c0_i32 : i32
  }
  func.func @transform_1(%arg0: i32) -> (i32, i32) {
    %c0_i32 = arith.constant 0 : i32
    %c0_i32_0 = arith.constant 0 : i32
    return %arg0, %c0_i32 : i32, i32
  }
  func.func @transform_2(%arg0: i32) -> (i32, i32) {
    %c0_i32 = arith.constant 0 : i32
    %c0_i32_0 = arith.constant 0 : i32
    %c0_i32_1 = arith.constant 0 : i32
    return %c0_i32, %c0_i32_0 : i32, i32
  }
  func.func @transform_3(%arg0: i32) -> (i32, i32) {
    %c0_i32 = arith.constant 0 : i32
    %c0_i32_0 = arith.constant 0 : i32
    %c0_i32_1 = arith.constant 0 : i32
    return %c0_i32, %c0_i32_0 : i32, i32
  }
  func.func @transform_4(%arg0: i32) -> (i32, i32) {
    %c0_i32 = arith.constant 0 : i32
    %c0_i32_0 = arith.constant 0 : i32
    %c0_i32_1 = arith.constant 0 : i32
    return %c0_i32, %c0_i32_0 : i32, i32
  }
  func.func @transform_5(%arg0: i32) -> (i32, i32) {
    %c0_i32 = arith.constant 0 : i32
    %c0_i32_0 = arith.constant 0 : i32
    %c0_i32_1 = arith.constant 0 : i32
    return %c0_i32, %c0_i32_0 : i32, i32
  }
  func.func @transform_6(%arg0: i32) -> (i32, i32) {
    %c0_i32 = arith.constant 0 : i32
    %c0_i32_0 = arith.constant 0 : i32
    %c0_i32_1 = arith.constant 0 : i32
    return %c0_i32, %c0_i32_0 : i32, i32
  }
  func.func @transform_7(%arg0: i32) -> (i32, i32) {
    %c0_i32 = arith.constant 0 : i32
    %c0_i32_0 = arith.constant 0 : i32
    %c0_i32_1 = arith.constant 0 : i32
    return %c0_i32, %c0_i32_0 : i32, i32
  }
}

module attributes {stable_mosaic.version = 14 : i64} {
  func.func @_fin_body(%arg0: i32, %arg1: memref<2000x128xf32, #tpu.memory_space<vmem>>, %arg2: memref<2000x128xf32, #tpu.memory_space<vmem>>, %arg3: memref<256x128xf32, #tpu.memory_space<vmem>>, %arg4: memref<8x128xf32, #tpu.memory_space<vmem>>, %arg5: memref<2000x128xf32, #tpu.memory_space<vmem>>) attributes {dimension_semantics = [#tpu.dimension_semantics<arbitrary>], iteration_bounds = array<i64: 5>, scalar_prefetch = 0 : i64, scratch_operands = 0 : i64, tpu.core_type = #tpu.core_type<tc>, window_params = [{transform_indices = @transform_0, window_bounds = array<i64: 2000, 128>}, {transform_indices = @transform_1, window_bounds = array<i64: 2000, 128>}, {pipeline_mode = #tpu.pipeline_mode<synchronous>, transform_indices = @transform_2, window_bounds = array<i64: 256, 128>}, {pipeline_mode = #tpu.pipeline_mode<synchronous>, transform_indices = @transform_3, window_bounds = array<i64: 8, 128>}, {transform_indices = @transform_4, window_bounds = array<i64: 2000, 128>}]} {
    %get3A = arith.constant 0 : index
    %get3A_0 = arith.constant 0 : index
    %get3A_1 = vector.load %arg1[%get3A, %get3A_0] : memref<2000x128xf32, #tpu.memory_space<vmem>>, vector<2000x128xf32>
    %get3A_2 = arith.constant 0 : index
    %get3A_3 = arith.constant 0 : index
    %get3A_4 = vector.load %arg2[%get3A_2, %get3A_3] : memref<2000x128xf32, #tpu.memory_space<vmem>>, vector<2000x128xf32>
    %concatenate3A = tpu.concatenate %get3A_1, %get3A_4 in 1 : vector<2000x128xf32>, vector<2000x128xf32> -> vector<2000x256xf32>
    %get3A_5 = arith.constant 0 : index
    %get3A_6 = arith.constant 0 : index
    %get3A_7 = vector.load %arg3[%get3A_5, %get3A_6] : memref<256x128xf32, #tpu.memory_space<vmem>>, vector<256x128xf32>
    %dot_general3A = arith.constant dense<0.000000e+00> : vector<2000x128xf32>
    %dot_general3A_8 = tpu.matmul %concatenate3A, %get3A_7, %dot_general3A {dimension_numbers = #tpu.dot_dimension_numbers<[1], [0], [0], [1], [0, 0, 1, 1], [], []>, transpose_lhs_hint = false} : vector<2000x256xf32>, vector<256x128xf32>, vector<2000x128xf32> -> vector<2000x128xf32>
    %get3A_9 = arith.constant 0 : index
    %get3A_10 = arith.constant 0 : index
    %get3A_11 = vector.load %arg4[%get3A_9, %get3A_10] : memref<8x128xf32, #tpu.memory_space<vmem>>, vector<1x128xf32>
    %add3A = vector.broadcast %get3A_11 : vector<1x128xf32> to vector<2000x128xf32>
    %add3A_12 = arith.addf %dot_general3A_8, %add3A : vector<2000x128xf32>
    %swap3A = arith.constant 0 : index
    %swap3A_13 = arith.constant 0 : index
    %swap3A_14 = vector.load %arg5[%swap3A, %swap3A_13] : memref<2000x128xf32, #tpu.memory_space<vmem>>, vector<2000x128xf32>
    tpu.vector_store %arg5[%swap3A, %swap3A_13], %add3A_12 {strides = array<i32>} : memref<2000x128xf32, #tpu.memory_space<vmem>>, vector<2000x128xf32>,
    return
  }
  func.func @transform_0(%arg0: i32) -> (i32, i32) {
    %c0_i32 = arith.constant 0 : i32
    %c0_i32_0 = arith.constant 0 : i32
    return %arg0, %c0_i32 : i32, i32
  }
  func.func @transform_1(%arg0: i32) -> (i32, i32) {
    %c0_i32 = arith.constant 0 : i32
    %c0_i32_0 = arith.constant 0 : i32
    return %arg0, %c0_i32 : i32, i32
  }
  func.func @transform_2(%arg0: i32) -> (i32, i32) {
    %c0_i32 = arith.constant 0 : i32
    %c0_i32_0 = arith.constant 0 : i32
    %c0_i32_1 = arith.constant 0 : i32
    return %c0_i32, %c0_i32_0 : i32, i32
  }
  func.func @transform_3(%arg0: i32) -> (i32, i32) {
    %c0_i32 = arith.constant 0 : i32
    %c0_i32_0 = arith.constant 0 : i32
    %c0_i32_1 = arith.constant 0 : i32
    return %c0_i32, %c0_i32_0 : i32, i32
  }
  func.func @transform_4(%arg0: i32) -> (i32, i32) {
    %c0_i32 = arith.constant 0 : i32
    %c0_i32_0 = arith.constant 0 : i32
    return %arg0, %c0_i32 : i32, i32
  }
}

</mosaic_0001>

<sc_bundles>
// kernel: body.10.cloned.1.call-start
scs
__scs_entry_jumppad:
0x0: {  	(pc) =	sbr.rel $0x88, $3  }
0x1: {  	(tag) =	ssettag $0x0;
	lr =	simm.s32 $0x1  }
0x2: {  	[smem:$0x3F92] =	sst lr;
	_ =	strace $0xD0000000  }
0x3: {  	_ = 	snop  }
0x4: {  	_ = 	snop  }
0x5: {  	_ = 	snop  }
0x6: {  	_ = 	snop  }
0x7: {  	_ = 	snop  }
__scs_overlays_trampoline_lowered:
0x8: {  	[smem:$0x3FA1] =	sst s0  }
0x9: {  	[smem:$0x3FA2] =	sst s1  }
0xa: {  	[smem:$0x3FA3] =	sst s2  }
0xb: {  	[smem:$0x3FA4] =	sst s3  }
0xc: {  	[smem:$0x3FA5] =	sst s4  }
0xd: {  	[smem:$0x3FA6] =	sst s5  }
0xe: {  	[smem:$0x3FA7] =	sst s6  }
0xf: {  	[smem:$0x3FA8] =	sst s7  }
0x10: {  	[smem:$0x3FA9] =	sst s8  }
0x11: {  	[smem:$0x3FAA] =	sst s9;
	s0 =	simm.s32 @!p0 $0x0  }
0x12: {  	s1 =	sld [smem:$0x3F90];
	s0 =	simm.s32 @p0 $0x1  }
0x13: {  	[smem:$0x3FAB] =	sst s0;
	s0 =	simm.s32 @!p1 $0x0  }
0x14: {  	s2 =	sld [smem:$0x3F8F];
	s0 =	simm.s32 @p1 $0x1  }
0x15: {  	[smem:$0x3FAC] =	sst s0;
	s0 =	simm.s32 @!p2 $0x0  }
0x16: {  	s3 =	sld [smem:$0x3FDB];
	s0 =	simm.s32 @p2 $0x1  }
0x17: {  	s4 =	simm.s32 $0x1BF5;
	[smem:$0x3FAE] =	sst s0  }
0x18: {  	s0 =	sld [smem:$0x3F91];
	_ =	swait.ge [sflag:s4], $0x0  }
0x19: {  	s7 =	sld [smem:$0x3F92]  }
0x1a: {  	s8 =	sadd.s32 $0xFFFFE003, lr  }
0x1b: {  	s9 =	sadd.s32 $0xFFFFFEF7, lr;
	s5 =	simm.s32 $0xFFFFFFFF;
	p2 =	slt.u32 s8, $0xFFFFF086  }
0x1c: {  	p1 =	slt.u32 s9, $0xF7A;
	s5 =	simm.s32 @!p2 $0x0  }
0x1d: {  	s5 =	simm.s32 @p1 $0x1;
	p0 =	seq.s32 s7, s2  }
0x1e: {  	s7 =	smul.u32 @!p0 $0xF7A, s2;
	p2 =	seq.s32 @!p0 s5, $0x0  }
0x1f: {  	s9 =	smul.u32 $0xF7A, s1;
	s8 =	simm.s32 @!p0 $0x1BF5;
	p2 =	por !p2, p0  }
0x20: {  	[sflag:s8] =	ssyncset.s32 @!p0 $0xFFFFF086;
	s6 =	sadd.s32 @!p0 s3, s7;
	s7 =	simm.s32 @!p0 $0x108  }
0x21: {  	s3 =	sadd.s32 s3, s9;
	s6 =	sadd.s32 @!p0 $0x88, s6;
	s7 =	simm.s32 @p2 $0x1082  }
0x22: {  	[simem:s7], [sflag:s8] =	dma.local @!p0 [hbm:s6], $0xF7A  }
0x23: {  	s9 =	sor.u32 $0xD0000000, s2;
	s6 =	simm.s32 $0x108;
	_ =	swait.ge @!p0 [sflag:s8], $0x0  }
0x24: {  	s3 =	sadd.s32 $0x88, s3;
	s6 =	simm.s32 @!p1 $0x1082;
	[sflag:s4] =	ssyncset.s32 $0xFFFFF086  }
0x25: {  	[simem:s6], [sflag:s4] =	dma.local [hbm:s3], $0xF7A  }
0x26: {  	[smem:$0x3F92] =	sst s1;
	(tag) =	ssettag s2;
	_ =	strace s9  }
0x27: {  	s1 =	sld [smem:$0x3FA2]  }
0x28: {  	s2 =	sld [smem:$0x3FA3]  }
0x29: {  	s4 =	sld [smem:$0x3FA5]  }
0x2a: {  	p0 =	seq.s32 s5, $0x0;
	s5 =	sld [smem:$0x3FA6]  }
0x2b: {  	s6 =	sld [smem:$0x3FA7]  }
0x2c: {  	s7 =	sld [smem:$0x3FA8]  }
0x2d: {  	s3 =	simm.s32 $0x108;
	s8 =	sld [smem:$0x3FA9]  }
0x2e: {  	s3 =	simm.s32 @!p0 $0x1082;
	s9 =	sld [smem:$0x3FAA]  }
0x2f: {  	lr =	sadd.s32 s0, s3;
	s0 =	sld [smem:$0x3FA1]  }
0x30: {  	s3 =	sld [smem:$0x3FA4]  }
0x31: {  	[smem:$0x3FAD] =	sst s10  }
0x32: {  	s10 =	sld [smem:$0x3FAB];
	_ =	sdelay $0x3  }
0x33: {  	p0 =	seq.s32 s10, $0x1;
	s10 =	sld [smem:$0x3FAD];
	_ =	sdelay $0x3  }
0x34: {  	[smem:$0x3FAD] =	sst s10  }
0x35: {  	s10 =	sld [smem:$0x3FAC];
	_ =	sdelay $0x3  }
0x36: {  	p1 =	seq.s32 s10, $0x1;
	s10 =	sld [smem:$0x3FAD];
	_ =	sdelay $0x3  }
0x37: {  	[smem:$0x3FAD] =	sst s10  }
0x38: {  	s10 =	sld [smem:$0x3FAE]  }
0x39: {  	_ = 	snop;
	(pc) =	sbr.ind lr, $3  }
0x3a: {  	_ = 	snop  }
0x3b: {  	_ = 	snop  }
0x3c: {  	p2 =	seq.s32 s10, $0x1;
	s10 =	sld [smem:$0x3FAD]  }
0x3d: {  	_ =	shalt  }
0x3e: {  	_ =	shalt  }
0x3f: {  	_ =	shalt  }
0x40: {  	_ =	shalt  }
0x41: {  	_ =	shalt  }
0x42: {  	_ =	shalt  }
0x43: {  	_ =	shalt  }
0x44: {  	_ =	shalt  }
0x45: {  	_ =	shalt  }
0x46: {  	_ =	shalt  }
0x47: {  	_ =	shalt  }
0x48: {  	_ =	shalt  }
0x49: {  	_ =	shalt  }
0x4a: {  	_ =	shalt  }
0x4b: {  	_ =	shalt  }
0x4c: {  	_ =	shalt  }
0x4d: {  	_ =	shalt  }
0x4e: {  	_ =	shalt  }
0x4f: {  	_ =	shalt  }
0x50: {  	_ =	shalt  }
0x51: {  	_ =	shalt  }
0x52: {  	_ =	shalt  }
0x53: {  	_ =	shalt  }
0x54: {  	_ =	shalt  }
0x55: {  	_ =	shalt  }
0x56: {  	_ =	shalt  }
0x57: {  	_ =	shalt  }
0x58: {  	_ =	shalt  }
0x59: {  	_ =	shalt  }
0x5a: {  	_ =	shalt  }
0x5b: {  	_ =	shalt  }
0x5c: {  	_ =	shalt  }
0x5d: {  	_ =	shalt  }
0x5e: {  	_ =	shalt  }
0x5f: {  	_ =	shalt  }
0x60: {  	_ =	shalt  }
0x61: {  	_ =	shalt  }
0x62: {  	_ =	shalt  }
0x63: {  	_ =	shalt  }
0x64: {  	_ =	shalt  }
0x65: {  	_ =	shalt  }
0x66: {  	_ =	shalt  }
0x67: {  	_ =	shalt  }
0x68: {  	_ =	shalt  }
0x69: {  	_ =	shalt  }
0x6a: {  	_ =	shalt  }
0x6b: {  	_ =	shalt  }
0x6c: {  	_ =	shalt  }
0x6d: {  	_ =	shalt  }
0x6e: {  	_ =	shalt  }
0x6f: {  	_ =	shalt  }
0x70: {  	_ =	shalt  }
0x71: {  	_ =	shalt  }
0x72: {  	_ =	shalt  }
0x73: {  	_ =	shalt  }
0x74: {  	_ =	shalt  }
0x75: {  	_ =	shalt  }
0x76: {  	_ =	shalt  }
0x77: {  	_ =	shalt  }
0x78: {  	_ =	shalt  }
0x79: {  	_ =	shalt  }
0x7a: {  	_ =	shalt  }
0x7b: {  	_ =	shalt  }
0x7c: {  	_ =	shalt  }
0x7d: {  	_ =	shalt  }
0x7e: {  	_ =	shalt  }
0x7f: {  	_ =	shalt  }
0x80: {  	_ =	shalt  }
0x81: {  	_ =	shalt  }
0x82: {  	_ =	shalt  }
0x83: {  	_ =	shalt  }
0x84: {  	_ =	shalt  }
0x85: {  	_ =	shalt  }
0x86: {  	_ =	shalt  }
0x87: {  	_ =	shalt  }
.Lfunc_end0:
.L_simem_size_0:
called_computation.5_lowered:
.L_overlay_start_0:
0x88: {  	s2 =	sld [smem:$0x3FD9]  }
0x89: {  	s3 =	sld [smem:$0x3FFE];
	_ =	sdelay $0x1  }
0x8a: {  	s1 =	srdreg.scid  }
0x8b: {  	s0 =	sand.u32 $0x1, s1  }
0x8c: {  	s16 =	sshll.u32 s0, $0xA;
	s2 =	sadd.s32 s3, s2  }
0x8d: {  	s2 =	sadd.s32 s2, s16  }
0x8e: {  	[smem:$0x3FB9] =	sst s2  }
0x8f: {  	_ = 	snop  }
0x90: {  	(tm) =	ssettm $0x1  }
0x91: {  	s17 =	sld [smem:$0x3FFB];
	_ =	sdelay $0x3  }
0x92: {  	_ =	strace s17  }
0x93: {  	s2 =	sld [smem:$0x3FFC];
	_ =	sdelay $0x3  }
0x94: {  	_ =	strace s2  }
0x95: {  	s2 =	sld [smem:$0x3FFD];
	_ =	sdelay $0x3  }
0x96: {  	_ =	strace s2  }
0x97: {  	_ =	strace $0x8FFFFFFF  }
0x98: {  	s18 =	sld [smem:$0x3FDB];
	_ =	sdelay $0x1  }
0x99: {  	s19 =	simm.s32 $_scs_section_size  }
0x9a: {  	s4 =	simm.s32 $_size__tile_overlayer_lowered;
	s5 =	simm.s32 $_tile_overlayer_lowered  }
0x9b: {  	s22 =	simm.s32 $0x1BFF;
	s21 =	sshll.u32 s5, $0x1;
	s2 =	sadd.s32 s19, s18  }
0x9c: {  	s6 =	simm.s32 $0x0;
	s20 =	sshll.u32 s4, $0x1;
	s4 =	sadd.s32 s21, s2  }
0x9d: {  	[timem:s6], [sflag:s22] =	dma.local [hbm:s4], s20  }
0x9e: {  	_ =	swait.ge [sflag:s22], s20  }
0x9f: {  	s3 =	ssub.s32 $0x0, s20;
	[sflag:s22] =	ssyncset.done $0x0  }
0xa0: {  	[sflag:s22] =	ssyncadd.s32 s3;
	_ =	sdelay $0x1  }
0xa1: {  	s23 =	simm.s32 $0x1B8B  }
0xa2: {  	_ =	swait.ge [sflag:s23], $0x1  }
0xa3: {  	[sflag:s23] =	ssyncset.done $0x0  }
0xa4: {  	s25 =	simm.s32 $0x1B8E;
	s24 =	sld [smem:$0x3FFE];
	[sflag:s23] =	ssyncadd.s32 $0xFFFFFFFF  }
0xa5: {  	s26 =	simm.s32 $execute0_lowered;
	[smem:$0x3FD2] =	sst s25  }
0xa6: {  	s4 =	sshll.u32 s26, $0x1;
	_ =	strace $0x80000064;
	[dreg:$0x1] =	wrdreg $0xFFFFFFFF  }
0xa7: {  	s28 =	simm.s32 $_size_execute0_lowered;
	s2 =	sadd.s32 s2, s4;
	[dreg:$0x0] =	wrdreg $0x0  }
0xa8: {  	s4 =	sshll.u32 s28, $0x1;
	[dreg:$0x2] =	wrdreg s2  }
0xa9: {  	[dreg:$0x3] =	wrdreg s4  }
0xaa: {  	[dreg:$0x4] =	wrdreg $0xC0  }
0xab: {  	_ =	task [dreg:s6], $0x5FFFF  }
0xac: {  	[dreg:$0x1] =	wrdreg $0xFFFFFFFF  }
0xad: {  	[dreg:$0x0] =	wrdreg $0x60  }
0xae: {  	[dreg:$0x2] =	wrdreg s24  }
0xaf: {  	[dreg:$0x3] =	wrdreg $0x9  }
0xb0: {  	_ =	task.clear_ibuf [dreg:s6], $0x4FFFF;
	_ =	strace $0x90000064  }
0xb1: {  	s29 =	simm.s32 $0x9;
	_ =	strace $0x80000066  }
0xb2: {  	_ =	swait.ge [sflag:s29], $0x1  }
0xb3: {  	[sflag:s29] =	ssyncadd.s32 $0xFFFFFFFF  }
0xb4: {  	_ =	strace $0x90000066  }
0xb5: {  	_ =	sfence  }
0xb6: {  	s30 =	sld [smem:$0x0];
	_ =	sdelay $0x2  }
0xb7: {  	s31 =	sshll.u32 s1, $0xD;
	s1 =	sshrl.u32 s1, $0x2  }
0xb8: {  	s3 =	sand.u32 $0x4000, s31;
	s1 =	sadd.s32 s1, s30  }
0xb9: {  	s0 =	sor.u32 s3, s0;
	s1 =	sshll.u32 s1, $0x11  }
0xba: {  	s0 =	sor.u32 s1, s0  }
0xbb: {  	s0 =	sadd.s32 $0x8F2B, s0  }
0xbc: {  	[sflag:s0] =	ssyncadd.remote.s32 $0x1  }
0xbd: {  	_ =	sfence.sel $0xFFFF  }
0xbe: {  	[dreg:$0x0] =	wrdreg $0xFFFFFFFF;
	(pc) =	sbr.abs _section_cstart, $3  }
0xbf: {  	[dreg:$0x1] =	wrdreg $0xFFFFFFFF  }
0xc0: {  	_ =	task.clear_ibuf [dreg:s6], $0x2FFFF;
	_ =	strace $0x9FFFFFFF  }
0xc1: {  	(tm) =	ssettm $0x7FFFFFFF  }
tec
execute0_lowered:
.L_overlay_start_1:
0x0: {  	(tag) =	ssettag $0x1  }
0x1: {  	s1 =	srdreg.scid;
	s0 =	stileid.u32  }
0x2: {  	s6 =	rddreg [dreg:$0x0];
	s3 =	sand.u32 $0x1, s1;
	s4 =	smul.u32 $0x2800, s0  }
0x3: {  	s2 =	simm.s32 $0x0;
	s10 =	simm.s32 $0x80;
	s5 =	smul.u32 $0x1400, s3  }
0x4: {  	s11 =	simm.s32 $0x1;
	s12 =	simm.s32 $0x0;
	[smem:$0x7FF] =	sst s2  }
0x5: {  	s1 =	rddreg [dreg:$0x1];
	_ =	strace $0x80000065;
	s4 =	sadd.s32 s5, s4  }
0x6: {  	s7 =	ssub.s32 $0x2, s3;
	s3 =	sadd.s32 $0xA4F400, s6;
	s4 =	smin.u32 s4, $0x25D00  }
0x7: {  	s31 =	sshrl.u32 s7, $0x1;
	s29 =	sshll.u32 s4, $0x4;
	s30 =	sshrl.u32 s4, $0x3  }
0x8: {  	s4 =	ssub.s32 s7, s31;
	s8 =	sadd.s32 s29, s6;
	s9 =	sadd.s32 s30, s6  }
0x9: {  	s4 =	smax.u32 s4, $0x1;
	s5 =	sadd.s32 $0x56D400, s8;
	s6 =	sadd.s32 $0x7DE400, s8  }
0xa: {  	s7 =	sadd.s32 $0x10400, s9;
	s8 =	sadd.s32 $0x15400, s9;
	s9 =	simm.s32 $0x2  }
.LBB2_1:
0xb: {  	s13 =	sadd.s32 $0x0, s8  }
0xc: {  	[tilespmem:s2], [sflag:$0x2] =	stream.linear.gather [hbm4b:s13+s2], $0x80, $0x38;
	[tilespmem:$0x4080] =	vst v63  }
0xd: {  	_ =	swait.ge [sflag:s9], $0x80  }
0xe: {  	[sflag:s9] =	ssyncset.done $0x0  }
0xf: {  	[sflag:s9] =	ssyncadd.s32 $0xFFFFFF80  }
0x10: {  	[tilespmem:s10], [sflag:$0x2] =	stream.linear.gather [hbm4b:s5+s2], $0x4000, $0x38;
	[tilespmem:$0x4080] =	vst v63  }
0x11: {  	_ =	swait.ge [sflag:s9], $0x4000  }
0x12: {  	[sflag:s9] =	ssyncset.done $0x0  }
0x13: {  	[sflag:s9] =	ssyncadd.s32 $0xFFFFC000  }
0x14: {  	[hbm4b:s3+s10] =	stream.indirect.scatter [tilespmem:s10], [sflag:$0x1], $0x80, s2, s10, $0xb8;
	[tilespmem:$0x4080] =	vst v63  }
0x15: {  	_ =	swait.ge [sflag:s11], $0x4000  }
0x16: {  	[sflag:s11] =	ssyncset.done $0x0  }
0x17: {  	s31 =	sadd.s32 $0x0, s7;
	[sflag:s11] =	ssyncadd.s32 $0xFFFFC000  }
0x18: {  	[tilespmem:s2], [sflag:$0x2] =	stream.linear.gather [hbm4b:s31+s2], $0x80, $0x38;
	[tilespmem:$0x4080] =	vst v63  }
0x19: {  	_ =	swait.ge [sflag:s9], $0x80  }
0x1a: {  	[sflag:s9] =	ssyncset.done $0x0  }
0x1b: {  	[sflag:s9] =	ssyncadd.s32 $0xFFFFFF80  }
0x1c: {  	[tilespmem:s10], [sflag:$0x2] =	stream.linear.gather [hbm4b:s6+s2], $0x4000, $0x38;
	[tilespmem:$0x4080] =	vst v63  }
0x1d: {  	_ =	swait.ge [sflag:s9], $0x4000  }
0x1e: {  	[sflag:s9] =	ssyncset.done $0x0  }
0x1f: {  	[sflag:s9] =	ssyncadd.s32 $0xFFFFC000  }
0x20: {  	[hbm4b:s3+s10] =	stream.indirect.scatter [tilespmem:s10], [sflag:$0x1], $0x80, s2, s10, $0xb8;
	[tilespmem:$0x4080] =	vst v63  }
0x21: {  	s14 =	simm.s32 $0x10;
	s16 =	simm.s32 $0x20;
	_ =	swait.ge [sflag:s11], $0x4000  }
0x22: {  	s15 =	sadd.s32 $0x800, s5;
	s13 =	sadd.s32 $0x800, s6;
	[sflag:s11] =	ssyncset.done $0x0  }
.LBB2_2:
0x23: {  	s17 =	sadd.s32 s14, s8  }
0x24: {  	[sflag:s11] =	ssyncadd.s32 $0xFFFFC000;
	s18 =	smov.u32 s16;
	s19 =	sadd.s32 $0x10, s16  }
0x25: {  	[tilespmem:s2], [sflag:$0x2] =	stream.linear.gather [hbm4b:s17+s2], $0x80, $0x38;
	[tilespmem:$0x4080] =	vst v63  }
0x26: {  	p0 =	sne.s32 s16, $0x270;
	_ =	swait.ge [sflag:s9], $0x80  }
0x27: {  	[sflag:s9] =	ssyncset.done $0x0  }
0x28: {  	[sflag:s9] =	ssyncadd.s32 $0xFFFFFF80  }
0x29: {  	[tilespmem:s10], [sflag:$0x2] =	stream.linear.gather [hbm4b:s15+s2], $0x4000, $0x38;
	[tilespmem:$0x4080] =	vst v63  }
0x2a: {  	_ =	swait.ge [sflag:s9], $0x4000  }
0x2b: {  	[sflag:s9] =	ssyncset.done $0x0  }
0x2c: {  	[sflag:s9] =	ssyncadd.s32 $0xFFFFC000  }
0x2d: {  	[hbm4b:s3+s10] =	stream.indirect.scatter [tilespmem:s10], [sflag:$0x1], $0x80, s2, s10, $0xb8;
	[tilespmem:$0x4080] =	vst v63  }
0x2e: {  	_ =	swait.ge [sflag:s11], $0x4000  }
0x2f: {  	[sflag:s11] =	ssyncset.done $0x0  }
0x30: {  	s16 =	sadd.s32 s14, s7;
	s14 =	smov.u32 s18;
	[sflag:s11] =	ssyncadd.s32 $0xFFFFC000  }
0x31: {  	[tilespmem:s2], [sflag:$0x2] =	stream.linear.gather [hbm4b:s16+s2], $0x80, $0x38;
	[tilespmem:$0x4080] =	vst v63  }
0x32: {  	_ =	swait.ge [sflag:s9], $0x80  }
0x33: {  	[sflag:s9] =	ssyncset.done $0x0  }
0x34: {  	[sflag:s9] =	ssyncadd.s32 $0xFFFFFF80  }
0x35: {  	[tilespmem:s10], [sflag:$0x2] =	stream.linear.gather [hbm4b:s13+s2], $0x4000, $0x38;
	[tilespmem:$0x4080] =	vst v63  }
0x36: {  	_ =	swait.ge [sflag:s9], $0x4000  }
.Ltmp0:
0x37: {  	[sflag:s9] =	ssyncset.done $0x0;
	(pc) =	sbr.rel @p0 .LBB2_2-.Ltmp0, $4  }
0x38: {  	[sflag:s9] =	ssyncadd.s32 $0xFFFFC000  }
0x39: {  	[hbm4b:s3+s10] =	stream.indirect.scatter [tilespmem:s10], [sflag:$0x1], $0x80, s2, s10, $0xb8;
	[tilespmem:$0x4080] =	vst v63  }
0x3a: {  	s15 =	sadd.s32 $0x800, s15;
	_ =	swait.ge [sflag:s11], $0x4000  }
0x3b: {  	s16 =	smov.u32 s19;
	s13 =	sadd.s32 $0x800, s13;
	[sflag:s11] =	ssyncset.done $0x0  }
0x3c: {  	s16 =	sadd.s32 s14, s8;
	[sflag:s11] =	ssyncadd.s32 $0xFFFFC000  }
0x3d: {  	[tilespmem:s2], [sflag:$0x2] =	stream.linear.gather [hbm4b:s16+s2], $0x80, $0x38;
	[tilespmem:$0x4080] =	vst v63  }
0x3e: {  	_ =	swait.ge [sflag:s9], $0x80  }
0x3f: {  	[sflag:s9] =	ssyncset.done $0x0  }
0x40: {  	[sflag:s9] =	ssyncadd.s32 $0xFFFFFF80  }
0x41: {  	[tilespmem:s10], [sflag:$0x2] =	stream.linear.gather [hbm4b:s15+s2], $0x4000, $0x38;
	[tilespmem:$0x4080] =	vst v63  }
0x42: {  	_ =	swait.ge [sflag:s9], $0x4000  }
0x43: {  	[sflag:s9] =	ssyncset.done $0x0  }
0x44: {  	[sflag:s9] =	ssyncadd.s32 $0xFFFFC000  }
0x45: {  	[hbm4b:s3+s10] =	stream.indirect.scatter [tilespmem:s10], [sflag:$0x1], $0x80, s2, s10, $0xb8;
	[tilespmem:$0x4080] =	vst v63  }
0x46: {  	_ =	swait.ge [sflag:s11], $0x4000  }
0x47: {  	[sflag:s11] =	ssyncset.done $0x0  }
0x48: {  	s31 =	sadd.s32 s14, s7;
	[sflag:s11] =	ssyncadd.s32 $0xFFFFC000  }
0x49: {  	[tilespmem:s2], [sflag:$0x2] =	stream.linear.gather [hbm4b:s31+s2], $0x80, $0x38;
	[tilespmem:$0x4080] =	vst v63  }
0x4a: {  	_ =	swait.ge [sflag:s9], $0x80  }
0x4b: {  	[sflag:s9] =	ssyncset.done $0x0  }
0x4c: {  	[sflag:s9] =	ssyncadd.s32 $0xFFFFFF80  }
0x4d: {  	[tilespmem:s10], [sflag:$0x2] =	stream.linear.gather [hbm4b:s13+s2], $0x4000, $0x38;
	[tilespmem:$0x4080] =	vst v63  }
0x4e: {  	s12 =	sadd.s32 $0x1, s12;
	_ =	swait.ge [sflag:s9], $0x4000  }
0x4f: {  	p0 =	sne.s32 s12, s4;
	[sflag:s9] =	ssyncset.done $0x0  }
.Ltmp1:
0x50: {  	[sflag:s9] =	ssyncadd.s32 $0xFFFFC000;
	(pc) =	sbr.rel @p0 .LBB2_1-.Ltmp1, $4  }
0x51: {  	[hbm4b:s3+s10] =	stream.indirect.scatter [tilespmem:s10], [sflag:$0x1], $0x80, s2, s10, $0xb8;
	[tilespmem:$0x4080] =	vst v63  }
0x52: {  	_ =	swait.ge [sflag:s11], $0x4000  }
0x53: {  	[sflag:s11] =	ssyncset.done $0x0  }
0x54: {  	[sflag:s11] =	ssyncadd.s32 $0xFFFFC000  }
0x55: {  	_ =	sfence.sel $0x180000  }
0x56: {  	[bflag:$0x0] =	sbarrier.arrive $0xFFFF  }
0x57: {  	p0 =	sne.s32 s0, $0x0;
	_ =	strace $0x90000065  }
0x58: {  	s0 =	sadd.s32 @!p0 $0x100000, s1;
	[bflag:$0x2] =	sbarrier.arrive $0xFFFF  }
0x59: {  	[sflag:s0] =	ssyncadd.tile.s32 @!p0 $0x1;
	_ =	shalt  }
.Lfunc_end2:
_tile_overlayer_lowered:
.L_overlay_start_2:
0x5a: {  	(tag) =	ssettag $0x2  }
0x5b: {  	s0 =	rddreg [dreg:$0x0];
	s2 =	stileid.u32  }
0x5c: {  	s1 =	rddreg [dreg:$0x1];
	p0 =	sne.s32 s2, $0x0  }
0x5d: {  	s3 =	rddreg [dreg:$0x2];
	[bflag:$0x3] =	sbarrier.arrive $0xFFFF;
	s2 =	simm.s32 @!p0 $0x1C02  }
0x5e: {  	[timem:s3], [sflag:s2] =	dma.local @!p0 [hbm:s0], s1  }
0x5f: {  	s0 =	simm.s32 @!p0 $0x2  }
0x60: {  	_ =	swait.ge @!p0 [sflag:s0], s1  }
0x61: {  	s1 =	ssub.s32 @!p0 $0x0, s1;
	[sflag:s0] =	ssyncset.done @!p0 $0x0  }
0x62: {  	[sflag:s0] =	ssyncadd.s32 @!p0 s1  }
0x63: {  	[bflag:$0x3] =	sbarrier.arrive $0xFFFF  }
0x64: {  	_ =	shalt  }

// kernel: gather_offload_async_start.1
scs
__scs_entry_jumppad:
0x0: {  	(pc) =	sbr.rel $0x88, $3  }
0x1: {  	(tag) =	ssettag $0x0;
	lr =	simm.s32 $0x1  }
0x2: {  	[smem:$0x3F92] =	sst lr;
	_ =	strace $0xD0000000  }
0x3: {  	_ = 	snop  }
0x4: {  	_ = 	snop  }
0x5: {  	_ = 	snop  }
0x6: {  	_ = 	snop  }
0x7: {  	_ = 	snop  }
__scs_overlays_trampoline_lowered:
0x8: {  	[smem:$0x3FA1] =	sst s0  }
0x9: {  	[smem:$0x3FA2] =	sst s1  }
0xa: {  	[smem:$0x3FA3] =	sst s2  }
0xb: {  	[smem:$0x3FA4] =	sst s3  }
0xc: {  	[smem:$0x3FA5] =	sst s4  }
0xd: {  	[smem:$0x3FA6] =	sst s5  }
0xe: {  	[smem:$0x3FA7] =	sst s6  }
0xf: {  	[smem:$0x3FA8] =	sst s7  }
0x10: {  	[smem:$0x3FA9] =	sst s8  }
0x11: {  	[smem:$0x3FAA] =	sst s9;
	s0 =	simm.s32 @!p0 $0x0  }
0x12: {  	s1 =	sld [smem:$0x3F90];
	s0 =	simm.s32 @p0 $0x1  }
0x13: {  	[smem:$0x3FAB] =	sst s0;
	s0 =	simm.s32 @!p1 $0x0  }
0x14: {  	s2 =	sld [smem:$0x3F8F];
	s0 =	simm.s32 @p1 $0x1  }
0x15: {  	[smem:$0x3FAC] =	sst s0;
	s0 =	simm.s32 @!p2 $0x0  }
0x16: {  	s3 =	sld [smem:$0x3FDB];
	s0 =	simm.s32 @p2 $0x1  }
0x17: {  	s4 =	simm.s32 $0x1BF5;
	[smem:$0x3FAE] =	sst s0  }
0x18: {  	s0 =	sld [smem:$0x3F91];
	_ =	swait.ge [sflag:s4], $0x0  }
0x19: {  	s7 =	sld [smem:$0x3F92]  }
0x1a: {  	s8 =	sadd.s32 $0xFFFFE003, lr  }
0x1b: {  	s9 =	sadd.s32 $0xFFFFFEF7, lr;
	s5 =	simm.s32 $0xFFFFFFFF;
	p2 =	slt.u32 s8, $0xFFFFF086  }
0x1c: {  	p1 =	slt.u32 s9, $0xF7A;
	s5 =	simm.s32 @!p2 $0x0  }
0x1d: {  	s5 =	simm.s32 @p1 $0x1;
	p0 =	seq.s32 s7, s2  }
0x1e: {  	s7 =	smul.u32 @!p0 $0xF7A, s2;
	p2 =	seq.s32 @!p0 s5, $0x0  }
0x1f: {  	s9 =	smul.u32 $0xF7A, s1;
	s8 =	simm.s32 @!p0 $0x1BF5;
	p2 =	por !p2, p0  }
0x20: {  	[sflag:s8] =	ssyncset.s32 @!p0 $0xFFFFF086;
	s6 =	sadd.s32 @!p0 s3, s7;
	s7 =	simm.s32 @!p0 $0x108  }
0x21: {  	s3 =	sadd.s32 s3, s9;
	s6 =	sadd.s32 @!p0 $0x88, s6;
	s7 =	simm.s32 @p2 $0x1082  }
0x22: {  	[simem:s7], [sflag:s8] =	dma.local @!p0 [hbm:s6], $0xF7A  }
0x23: {  	s9 =	sor.u32 $0xD0000000, s2;
	s6 =	simm.s32 $0x108;
	_ =	swait.ge @!p0 [sflag:s8], $0x0  }
0x24: {  	s3 =	sadd.s32 $0x88, s3;
	s6 =	simm.s32 @!p1 $0x1082;
	[sflag:s4] =	ssyncset.s32 $0xFFFFF086  }
0x25: {  	[simem:s6], [sflag:s4] =	dma.local [hbm:s3], $0xF7A  }
0x26: {  	[smem:$0x3F92] =	sst s1;
	(tag) =	ssettag s2;
	_ =	strace s9  }
0x27: {  	s1 =	sld [smem:$0x3FA2]  }
0x28: {  	s2 =	sld [smem:$0x3FA3]  }
0x29: {  	s4 =	sld [smem:$0x3FA5]  }
0x2a: {  	p0 =	seq.s32 s5, $0x0;
	s5 =	sld [smem:$0x3FA6]  }
0x2b: {  	s6 =	sld [smem:$0x3FA7]  }
0x2c: {  	s7 =	sld [smem:$0x3FA8]  }
0x2d: {  	s3 =	simm.s32 $0x108;
	s8 =	sld [smem:$0x3FA9]  }
0x2e: {  	s3 =	simm.s32 @!p0 $0x1082;
	s9 =	sld [smem:$0x3FAA]  }
0x2f: {  	lr =	sadd.s32 s0, s3;
	s0 =	sld [smem:$0x3FA1]  }
0x30: {  	s3 =	sld [smem:$0x3FA4]  }
0x31: {  	[smem:$0x3FAD] =	sst s10  }
0x32: {  	s10 =	sld [smem:$0x3FAB];
	_ =	sdelay $0x3  }
0x33: {  	p0 =	seq.s32 s10, $0x1;
	s10 =	sld [smem:$0x3FAD];
	_ =	sdelay $0x3  }
0x34: {  	[smem:$0x3FAD] =	sst s10  }
0x35: {  	s10 =	sld [smem:$0x3FAC];
	_ =	sdelay $0x3  }
0x36: {  	p1 =	seq.s32 s10, $0x1;
	s10 =	sld [smem:$0x3FAD];
	_ =	sdelay $0x3  }
0x37: {  	[smem:$0x3FAD] =	sst s10  }
0x38: {  	s10 =	sld [smem:$0x3FAE]  }
0x39: {  	_ = 	snop;
	(pc) =	sbr.ind lr, $3  }
0x3a: {  	_ = 	snop  }
0x3b: {  	_ = 	snop  }
0x3c: {  	p2 =	seq.s32 s10, $0x1;
	s10 =	sld [smem:$0x3FAD]  }
0x3d: {  	_ =	shalt  }
0x3e: {  	_ =	shalt  }
0x3f: {  	_ =	shalt  }
0x40: {  	_ =	shalt  }
0x41: {  	_ =	shalt  }
0x42: {  	_ =	shalt  }
0x43: {  	_ =	shalt  }
0x44: {  	_ =	shalt  }
0x45: {  	_ =	shalt  }
0x46: {  	_ =	shalt  }
0x47: {  	_ =	shalt  }
0x48: {  	_ =	shalt  }
0x49: {  	_ =	shalt  }
0x4a: {  	_ =	shalt  }
0x4b: {  	_ =	shalt  }
0x4c: {  	_ =	shalt  }
0x4d: {  	_ =	shalt  }
0x4e: {  	_ =	shalt  }
0x4f: {  	_ =	shalt  }
0x50: {  	_ =	shalt  }
0x51: {  	_ =	shalt  }
0x52: {  	_ =	shalt  }
0x53: {  	_ =	shalt  }
0x54: {  	_ =	shalt  }
0x55: {  	_ =	shalt  }
0x56: {  	_ =	shalt  }
0x57: {  	_ =	shalt  }
0x58: {  	_ =	shalt  }
0x59: {  	_ =	shalt  }
0x5a: {  	_ =	shalt  }
0x5b: {  	_ =	shalt  }
0x5c: {  	_ =	shalt  }
0x5d: {  	_ =	shalt  }
0x5e: {  	_ =	shalt  }
0x5f: {  	_ =	shalt  }
0x60: {  	_ =	shalt  }
0x61: {  	_ =	shalt  }
0x62: {  	_ =	shalt  }
0x63: {  	_ =	shalt  }
0x64: {  	_ =	shalt  }
0x65: {  	_ =	shalt  }
0x66: {  	_ =	shalt  }
0x67: {  	_ =	shalt  }
0x68: {  	_ =	shalt  }
0x69: {  	_ =	shalt  }
0x6a: {  	_ =	shalt  }
0x6b: {  	_ =	shalt  }
0x6c: {  	_ =	shalt  }
0x6d: {  	_ =	shalt  }
0x6e: {  	_ =	shalt  }
0x6f: {  	_ =	shalt  }
0x70: {  	_ =	shalt  }
0x71: {  	_ =	shalt  }
0x72: {  	_ =	shalt  }
0x73: {  	_ =	shalt  }
0x74: {  	_ =	shalt  }
0x75: {  	_ =	shalt  }
0x76: {  	_ =	shalt  }
0x77: {  	_ =	shalt  }
0x78: {  	_ =	shalt  }
0x79: {  	_ =	shalt  }
0x7a: {  	_ =	shalt  }
0x7b: {  	_ =	shalt  }
0x7c: {  	_ =	shalt  }
0x7d: {  	_ =	shalt  }
0x7e: {  	_ =	shalt  }
0x7f: {  	_ =	shalt  }
0x80: {  	_ =	shalt  }
0x81: {  	_ =	shalt  }
0x82: {  	_ =	shalt  }
0x83: {  	_ =	shalt  }
0x84: {  	_ =	shalt  }
0x85: {  	_ =	shalt  }
0x86: {  	_ =	shalt  }
0x87: {  	_ =	shalt  }
.Lfunc_end0:
.L_simem_size_0:
called_computation.3_lowered:
.L_overlay_start_0:
0x88: {  	s2 =	sld [smem:$0x3FD9]  }
0x89: {  	s3 =	sld [smem:$0x3FFE];
	_ =	sdelay $0x1  }
0x8a: {  	s1 =	srdreg.scid  }
0x8b: {  	s0 =	sand.u32 $0x1, s1  }
0x8c: {  	s17 =	sshll.u32 s0, $0xA;
	s2 =	sadd.s32 s3, s2  }
0x8d: {  	s2 =	sadd.s32 s2, s17  }
0x8e: {  	[smem:$0x3FB9] =	sst s2  }
0x8f: {  	_ = 	snop  }
0x90: {  	(tm) =	ssettm $0x1  }
0x91: {  	s18 =	sld [smem:$0x3FFB];
	_ =	sdelay $0x3  }
0x92: {  	_ =	strace s18  }
0x93: {  	s2 =	sld [smem:$0x3FFC];
	_ =	sdelay $0x3  }
0x94: {  	_ =	strace s2  }
0x95: {  	s2 =	sld [smem:$0x3FFD];
	_ =	sdelay $0x3  }
0x96: {  	_ =	strace s2  }
0x97: {  	_ =	strace $0x8FFFFFFF  }
0x98: {  	s19 =	sld [smem:$0x3FDB];
	_ =	sdelay $0x1  }
0x99: {  	s20 =	simm.s32 $_scs_section_size  }
0x9a: {  	s4 =	simm.s32 $_size__tile_overlayer_lowered;
	s5 =	simm.s32 $_tile_overlayer_lowered  }
0x9b: {  	s6 =	simm.s32 $0x1BFF;
	s21 =	sshll.u32 s5, $0x1;
	s3 =	sadd.s32 s20, s19  }
0x9c: {  	s22 =	simm.s32 $0x0;
	s4 =	sshll.u32 s4, $0x1;
	s5 =	sadd.s32 s21, s3  }
0x9d: {  	[timem:s22], [sflag:s6] =	dma.local [hbm:s5], s4  }
0x9e: {  	_ =	swait.ge [sflag:s6], s4  }
0x9f: {  	s4 =	ssub.s32 $0x0, s4;
	[sflag:s6] =	ssyncset.done $0x0  }
0xa0: {  	[sflag:s6] =	ssyncadd.s32 s4;
	_ =	sdelay $0x1  }
0xa1: {  	s23 =	simm.s32 $0x1B8B  }
0xa2: {  	_ =	swait.ge [sflag:s23], $0x1  }
0xa3: {  	[sflag:s23] =	ssyncset.done $0x0  }
0xa4: {  	[sflag:s23] =	ssyncadd.s32 $0xFFFFFFFF  }
0xa5: {  	s4 =	sld [smem:$0x0]  }
0xa6: {  	s5 =	sand.u32 $0xFFFFFFFE, s1  }
0xa7: {  	p0 =	sne.s32 s1, s5  }
0xa8: {  	s5 =	sshll.u32 @p0 s5, $0xE  }
0xa9: {  	s5 =	sadd.s32 @p0 $0x11B8D, s5;
	s6 =	sshll.u32 @p0 s4, $0x11  }
0xaa: {  	s5 =	sor.u32 @p0 s6, s5  }
0xab: {  	[sflag:s5] =	ssyncadd.remote.s32 @p0 $0x1;
	_ =	sdelay $0x1  }
0xac: {  	s5 =	simm.s32 @p0 $0x1B8D  }
0xad: {  	_ =	swait.eq @p0 [sflag:s5], $0x1  }
0xae: {  	[sflag:s5] =	ssyncadd.s32 @p0 $0xFFFFFFFF  }
0xaf: {  	s6 =	sshll.u32 @!p0 s1, $0xE  }
0xb0: {  	s6 =	sor.u32 @!p0 $0x4000, s6;
	s5 =	simm.s32 @!p0 $0x1B8D  }
0xb1: {  	s4 =	sshll.u32 @!p0 s4, $0x11;
	s6 =	sadd.s32 @!p0 $0x11B8D, s6;
	_ =	swait.eq @!p0 [sflag:s5], $0x1  }
0xb2: {  	s4 =	sor.u32 @!p0 s4, s6;
	[sflag:s5] =	ssyncadd.s32 @!p0 $0xFFFFFFFF  }
0xb3: {  	s25 =	simm.s32 $0x1B8E;
	s24 =	sld [smem:$0x3FFE];
	[sflag:s4] =	ssyncadd.remote.s32 @!p0 $0x1  }
0xb4: {  	s26 =	simm.s32 $execute0_lowered;
	[smem:$0x3FD2] =	sst s25  }
0xb5: {  	s5 =	sshll.u32 s26, $0x1;
	_ =	strace $0x80000052;
	[dreg:$0x1] =	wrdreg $0xFFFFFFFF  }
0xb6: {  	s28 =	simm.s32 $_size_execute0_lowered;
	s3 =	sadd.s32 s3, s5;
	[dreg:$0x0] =	wrdreg $0x0  }
0xb7: {  	s5 =	sshll.u32 s28, $0x1;
	[dreg:$0x2] =	wrdreg s3  }
0xb8: {  	[dreg:$0x3] =	wrdreg s5  }
0xb9: {  	[dreg:$0x4] =	wrdreg $0xC0  }
0xba: {  	_ =	task [dreg:s22], $0x5FFFF  }
0xbb: {  	[dreg:$0x1] =	wrdreg $0xFFFFFFFF  }
0xbc: {  	[dreg:$0x0] =	wrdreg $0x60  }
0xbd: {  	[dreg:$0x2] =	wrdreg s24  }
0xbe: {  	[dreg:$0x3] =	wrdreg $0xA  }
0xbf: {  	_ =	task.clear_ibuf [dreg:s22], $0x4FFFF;
	_ =	strace $0x90000052  }
0xc0: {  	s29 =	simm.s32 $0xA;
	_ =	strace $0x80000054  }
0xc1: {  	_ =	swait.ge [sflag:s29], $0x1  }
0xc2: {  	[sflag:s29] =	ssyncadd.s32 $0xFFFFFFFF  }
0xc3: {  	_ =	strace $0x90000054  }
0xc4: {  	_ =	sfence  }
0xc5: {  	s30 =	sld [smem:$0x0];
	_ =	sdelay $0x2  }
0xc6: {  	s31 =	sshll.u32 s1, $0xD;
	s1 =	sshrl.u32 s1, $0x2  }
0xc7: {  	s4 =	sand.u32 $0x4000, s31;
	s1 =	sadd.s32 s1, s30  }
0xc8: {  	s0 =	sor.u32 s4, s0;
	s1 =	sshll.u32 s1, $0x11  }
0xc9: {  	s0 =	sor.u32 s1, s0  }
0xca: {  	s0 =	sadd.s32 $0x8F2B, s0  }
0xcb: {  	[sflag:s0] =	ssyncadd.remote.s32 $0x1  }
0xcc: {  	_ =	sfence.sel $0xFFFF  }
0xcd: {  	[dreg:$0x0] =	wrdreg $0xFFFFFFFF;
	(pc) =	sbr.abs _section_cstart, $3  }
0xce: {  	[dreg:$0x1] =	wrdreg $0xFFFFFFFF  }
0xcf: {  	_ =	task.clear_ibuf [dreg:s22], $0x2FFFF;
	_ =	strace $0x9FFFFFFF  }
0xd0: {  	(tm) =	ssettm $0x7FFFFFFF  }
0xd1: {  	_ =	shalt  }
tec
execute0_lowered:
.L_overlay_start_1:
0x0: {  	(tag) =	ssettag $0x1  }
0x1: {  	s8 =	rddreg [dreg:$0x0]  }
0x2: {  	s0 =	rddreg [dreg:$0x1];
	_ =	strace $0x80000053;
	s1 =	stileid.u32  }
0x3: {  	s3 =	srdreg.scid;
	s4 =	simm.s32 $0x1;
	s7 =	simm.s32 $0x1  }
0x4: {  	s9 =	simm.s32 $0x1;
	s10 =	simm.s32 $0x3;
	s13 =	simm.s32 $0x0  }
0x5: {  	s12 =	simm.s32 $0x0;
	s5 =	sand.u32 $0x1, s3;
	s6 =	sshll.u32 s1, $0x1  }
0x6: {  	s2 =	sadd.s32 $0x15400, s8;
	s3 =	sadd.s32 $0x24400, s8;
	s5 =	sor.u32 s6, s5  }
.Ltmp0:
0x7: {  	[sflag:s4] =	ssyncpa.u1 $0x0;
	p0 =	slt.u32 s5, $0x9;
	(pc) =	sbr.rel .LBB2_1-.Ltmp0, $4  }
0x8: {  	s6 =	simm.s32 $0x2;
	s7 =	simm.s32 @!p0 $0x0;
	p0 =	sne.s32 s5, $0x8  }
0x9: {  	[sflag:s6] =	ssyncpa.u1 $0x0;
	s5 =	smul.u32 $0xFA0, s5;
	s9 =	simm.s32 @!p0 $0x0  }
0xa: {  	s8 =	sadd.s32 $0x6400, s8;
	[sflag:s10] =	ssyncpa.u1 $0x0;
	s7 =	sadd.s32 s9, s7  }
0xb: {  	vm0 =	vmmov $0xffff;
	s10 =	simm.s32 $0x0;
	s11 =	smov.u32 s5;
	s9 =	sadd.s32 $0x1, s7  }
.LBB2_4:
0xc: {  	v2 =	vnsel vm1, $0x0, v2  }
0xd: {  	vm1 =	vgt.s32 v0, $0x0;
	v2 =	vmin.u32 v2, $0x270FF  }
0xe: {  	v0 =	vnsel vm1, $0x0, v0  }
0xf: {  	v0 =	vmin.u32 v0, $0x270FF  }
0x10: {  	[tilespmem:s18], [sflag:$0x1] =	stream.indirect_vreg.gather [hbm4b:s2+s10], $0x1, v1, vm0, $0x4038;
	[tilespmem:$0x3E80] =	vst v63  }
0x11: {  	(ifvalue) =	ssetifvalue $0x7FFFFFFF  }
0x12: {  	[tilespmem:s15], [sflag:$0x1] =	stream.indirect_vreg.gather [hbm4b:s2+s10], $0x1, v2, vm0, $0x4038;
	[tilespmem:$0x3E80] =	vst v63  }
0x13: {  	s29 =	sadd.s32 $0x10, s15;
	(ifvalue) =	ssetifvalue $0x7FFFFFFF  }
0x14: {  	[tilespmem:s29], [sflag:$0x1] =	stream.indirect_vreg.gather [hbm4b:s2+s10], $0x1, v0, vm0, $0x4038;
	[tilespmem:$0x3E80] =	vst v63  }
0x15: {  	_ =	swait.ge [sflag:s4], $0xFA0  }
0x16: {  	s30 =	sshrl.u32 s13, $0x3;
	[sflag:s4] =	ssyncset.done $0x0  }
0x17: {  	s31 =	sand.u32 $0x7, s13;
	s15 =	sadd.s32 s8, s30;
	[sflag:s4] =	ssyncadd.s32 $0xFFFFF060  }
0x18: {  	[hbm4b:s15+s31] =	stream.linear.scatter [tilespmem:s14], [sflag:$0x3], $0xFA0, $0x38;
	[tilespmem:$0x3E80] =	vst v63  }
.LBB2_5:
0x19: {  	s15 =	sadd.s32 $0x1F400, s11  }
0x1a: {  	p1 =	sgt.s32 s15, $0x270FF  }
0x1b: {  	s15 =	smov.u32 @p1 s5;
	p1 =	sne.s32 s12, s9  }
.Ltmp1:
0x1c: {  	p0 =	slt.u32 s12, $0x2;
	(pc) =	sbr.rel @!p1 .LBB2_6-.Ltmp1, $4  }
0x1d: {  	s14 =	simm.s32 @!p0 $0x3  }
0x1e: {  	_ =	swait.ge @!p0 [sflag:s14], $0xFA0  }
0x1f: {  	s16 =	sadd.s32 $0x1, s12;
	s13 =	smov.u32 s11;
	[sflag:s14] =	ssyncset.done @!p0 $0x0  }
0x20: {  	s12 =	smov.u32 s16;
	s11 =	smov.u32 s15;
	[sflag:s14] =	ssyncadd.s32 @!p0 $0xFFFFF060  }
.LBB2_1:
0x21: {  	p0 =	sge.u32 s12, s7  }
0x22: {  	s14 =	sxor.u32 @!p0 $0x1, s12  }
0x23: {  	s14 =	smul.u32 @!p0 $0x3E80, s14  }
0x24: {  	s31 =	sadd.s32 $0xFFFFFFFF, s12;
	s15 =	sshrl.u32 @!p0 s11, $0x3  }
0x25: {  	s16 =	sand.u32 @!p0 $0x7, s11;
	s15 =	sadd.s32 @!p0 s3, s15;
	s14 =	sshra.s32 @!p0 s14, $0x2  }
0x26: {  	[tilespmem:s14], [sflag:$0x2] =	stream.linear.gather @!p0 [hbm4b:s15+s16], $0xFA0, $0x38;
	[tilespmem:$0x3E80] =	vst v63  }
0x27: {  	p0 =	sge.u32 s31, s7  }
.Ltmp2:
0x28: {  	_ = 	snop;
	(pc) =	sbr.rel @p0 .LBB2_5-.Ltmp2, $1  }
0x29: {  	_ =	sdelay $0x3  }
0x2a: {  	s14 =	sand.u32 $0x1, s12  }
0x2b: {  	_ =	swait.ge [sflag:s6], $0xFA0;
	p0 =	seq.s32 s14, $0x1;
	s14 =	simm.s32 $0xFA0  }
0x2c: {  	[sflag:s6] =	ssyncset.done $0x0;
	s14 =	simm.s32 @!p0 $0x0  }
0x2d: {  	[sflag:s6] =	ssyncadd.s32 $0xFFFFF060;
	(ifvalue) =	ssetifvalue $0x7FFFFFFF;
	v0 =	vld.msk [tilespmem:s14+$0x0 ss:$0x1], $0xffff;
	_ =	sdelay $0x4  }
0x2e: {  	s15 =	sadd.s32 $0x10, s14;
	vm1 =	vgt.s32 v0, $0x0  }
0x2f: {  	v2 =	vld.msk [tilespmem:s15+$0x0 ss:$0x1], $0xffff;
	v1 =	vnsel vm1, $0x0, v0  }
0x30: {  	v1 =	vmin.u32 v1, $0x270FF;
	_ =	sdelay $0x2  }
0x31: {  	s17 =	simm.s32 $0x20;
	s14 =	sadd.s32 $0x1F40, s14;
	s16 =	sadd.s32 $0x10, s15  }
0x32: {  	s15 =	sadd.s32 $0x10, s14;
	s18 =	smov.u32 s14;
	v0 =	vld.msk [tilespmem:s16+$0x0 ss:$0x1], $0xffff;
	vm1 =	vgt.s32 v2, $0x0;
	(ifvalue) =	ssetifvalue $0x7FFFFFFF  }
.LBB2_3:
0x33: {  	[tilespmem:s18], [sflag:$0x1] =	stream.indirect_vreg.gather [hbm4b:s2+s10], $0x1, v1, vm0, $0x4038;
	[tilespmem:$0x3E80] =	vst v63  }
0x34: {  	s17 =	sadd.s32 $0x10, s17  }
0x35: {  	v2 =	vnsel vm1, $0x0, v2;
	p0 =	slt.u32 s17, $0xF90  }
.Ltmp3:
0x36: {  	s18 =	smov.u32 s15;
	v1 =	vmin.u32 v2, $0x270FF;
	(pc) =	sbr.rel @p0 .LBB2_3-.Ltmp3, $3  }
0x37: {  	_ =	sdelay $0x1  }
0x38: {  	s16 =	sadd.s32 $0x10, s16  }
0x39: {  	vm1 =	vgt.s32 v0, $0x0;
	s15 =	sadd.s32 $0x10, s15;
	v2 =	vmov v0;
	(ifvalue) =	ssetifvalue $0x7FFFFFFF;
	v0 =	vld.msk [tilespmem:s16+$0x0 ss:$0x1], $0xffff  }
.Ltmp4:
0x3a: {  	_ = 	snop;
	(pc) =	sbr.rel .LBB2_4-.Ltmp4, $1  }
0x3b: {  	_ =	sdelay $0x3  }
.LBB2_6:
0x3c: {  	_ =	sfence.sel $0x180000  }
0x3d: {  	s2 =	simm.s32 $0x2;
	[bflag:$0x0] =	sbarrier.arrive $0xFFFF  }
0x3e: {  	s30 =	simm.s32 $0x3;
	[sflag:s2] =	ssyncpa.u1 $0x1  }
0x3f: {  	s31 =	simm.s32 $0x1;
	[sflag:s30] =	ssyncpa.u1 $0x1  }
0x40: {  	[sflag:s31] =	ssyncpa.u1 $0x1  }
0x41: {  	p0 =	sne.s32 s1, $0x0;
	_ =	strace $0x90000053  }
0x42: {  	s0 =	sadd.s32 @!p0 $0x100000, s0;
	[bflag:$0x2] =	sbarrier.arrive $0xFFFF  }
0x43: {  	[sflag:s0] =	ssyncadd.tile.s32 @!p0 $0x1;
	_ =	shalt  }
.Lfunc_end2:
_tile_overlayer_lowered:
.L_overlay_start_2:
0x44: {  	(tag) =	ssettag $0x2  }
0x45: {  	s0 =	rddreg [dreg:$0x0];
	s2 =	stileid.u32  }
0x46: {  	s1 =	rddreg [dreg:$0x1];
	p0 =	sne.s32 s2, $0x0  }
0x47: {  	s3 =	rddreg [dreg:$0x2];
	[bflag:$0x3] =	sbarrier.arrive $0xFFFF;
	s2 =	simm.s32 @!p0 $0x1C01  }
0x48: {  	[timem:s3], [sflag:s2] =	dma.local @!p0 [hbm:s0], s1  }
0x49: {  	s0 =	simm.s32 @!p0 $0x1  }
0x4a: {  	_ =	swait.ge @!p0 [sflag:s0], s1  }
0x4b: {  	s1 =	ssub.s32 @!p0 $0x0, s1;
	[sflag:s0] =	ssyncset.done @!p0 $0x0  }
0x4c: {  	[sflag:s0] =	ssyncadd.s32 @!p0 s1  }
0x4d: {  	[bflag:$0x3] =	sbarrier.arrive $0xFFFF  }
0x4e: {  	_ =	shalt  }

// kernel: gather_offload_async_start.2
scs
__scs_entry_jumppad:
0x0: {  	(pc) =	sbr.rel $0x88, $3  }
0x1: {  	(tag) =	ssettag $0x0;
	lr =	simm.s32 $0x1  }
0x2: {  	[smem:$0x3F92] =	sst lr;
	_ =	strace $0xD0000000  }
0x3: {  	_ = 	snop  }
0x4: {  	_ = 	snop  }
0x5: {  	_ = 	snop  }
0x6: {  	_ = 	snop  }
0x7: {  	_ = 	snop  }
__scs_overlays_trampoline_lowered:
0x8: {  	[smem:$0x3FA1] =	sst s0  }
0x9: {  	[smem:$0x3FA2] =	sst s1  }
0xa: {  	[smem:$0x3FA3] =	sst s2  }
0xb: {  	[smem:$0x3FA4] =	sst s3  }
0xc: {  	[smem:$0x3FA5] =	sst s4  }
0xd: {  	[smem:$0x3FA6] =	sst s5  }
0xe: {  	[smem:$0x3FA7] =	sst s6  }
0xf: {  	[smem:$0x3FA8] =	sst s7  }
0x10: {  	[smem:$0x3FA9] =	sst s8  }
0x11: {  	[smem:$0x3FAA] =	sst s9;
	s0 =	simm.s32 @!p0 $0x0  }
0x12: {  	s1 =	sld [smem:$0x3F90];
	s0 =	simm.s32 @p0 $0x1  }
0x13: {  	[smem:$0x3FAB] =	sst s0;
	s0 =	simm.s32 @!p1 $0x0  }
0x14: {  	s2 =	sld [smem:$0x3F8F];
	s0 =	simm.s32 @p1 $0x1  }
0x15: {  	[smem:$0x3FAC] =	sst s0;
	s0 =	simm.s32 @!p2 $0x0  }
0x16: {  	s3 =	sld [smem:$0x3FDB];
	s0 =	simm.s32 @p2 $0x1  }
0x17: {  	s4 =	simm.s32 $0x1BF5;
	[smem:$0x3FAE] =	sst s0  }
0x18: {  	s0 =	sld [smem:$0x3F91];
	_ =	swait.ge [sflag:s4], $0x0  }
0x19: {  	s7 =	sld [smem:$0x3F92]  }
0x1a: {  	s8 =	sadd.s32 $0xFFFFE003, lr  }
0x1b: {  	s9 =	sadd.s32 $0xFFFFFEF7, lr;
	s5 =	simm.s32 $0xFFFFFFFF;
	p2 =	slt.u32 s8, $0xFFFFF086  }
0x1c: {  	p1 =	slt.u32 s9, $0xF7A;
	s5 =	simm.s32 @!p2 $0x0  }
0x1d: {  	s5 =	simm.s32 @p1 $0x1;
	p0 =	seq.s32 s7, s2  }
0x1e: {  	s7 =	smul.u32 @!p0 $0xF7A, s2;
	p2 =	seq.s32 @!p0 s5, $0x0  }
0x1f: {  	s9 =	smul.u32 $0xF7A, s1;
	s8 =	simm.s32 @!p0 $0x1BF5;
	p2 =	por !p2, p0  }
0x20: {  	[sflag:s8] =	ssyncset.s32 @!p0 $0xFFFFF086;
	s6 =	sadd.s32 @!p0 s3, s7;
	s7 =	simm.s32 @!p0 $0x108  }
0x21: {  	s3 =	sadd.s32 s3, s9;
	s6 =	sadd.s32 @!p0 $0x88, s6;
	s7 =	simm.s32 @p2 $0x1082  }
0x22: {  	[simem:s7], [sflag:s8] =	dma.local @!p0 [hbm:s6], $0xF7A  }
0x23: {  	s9 =	sor.u32 $0xD0000000, s2;
	s6 =	simm.s32 $0x108;
	_ =	swait.ge @!p0 [sflag:s8], $0x0  }
0x24: {  	s3 =	sadd.s32 $0x88, s3;
	s6 =	simm.s32 @!p1 $0x1082;
	[sflag:s4] =	ssyncset.s32 $0xFFFFF086  }
0x25: {  	[simem:s6], [sflag:s4] =	dma.local [hbm:s3], $0xF7A  }
0x26: {  	[smem:$0x3F92] =	sst s1;
	(tag) =	ssettag s2;
	_ =	strace s9  }
0x27: {  	s1 =	sld [smem:$0x3FA2]  }
0x28: {  	s2 =	sld [smem:$0x3FA3]  }
0x29: {  	s4 =	sld [smem:$0x3FA5]  }
0x2a: {  	p0 =	seq.s32 s5, $0x0;
	s5 =	sld [smem:$0x3FA6]  }
0x2b: {  	s6 =	sld [smem:$0x3FA7]  }
0x2c: {  	s7 =	sld [smem:$0x3FA8]  }
0x2d: {  	s3 =	simm.s32 $0x108;
	s8 =	sld [smem:$0x3FA9]  }
0x2e: {  	s3 =	simm.s32 @!p0 $0x1082;
	s9 =	sld [smem:$0x3FAA]  }
0x2f: {  	lr =	sadd.s32 s0, s3;
	s0 =	sld [smem:$0x3FA1]  }
0x30: {  	s3 =	sld [smem:$0x3FA4]  }
0x31: {  	[smem:$0x3FAD] =	sst s10  }
0x32: {  	s10 =	sld [smem:$0x3FAB];
	_ =	sdelay $0x3  }
0x33: {  	p0 =	seq.s32 s10, $0x1;
	s10 =	sld [smem:$0x3FAD];
	_ =	sdelay $0x3  }
0x34: {  	[smem:$0x3FAD] =	sst s10  }
0x35: {  	s10 =	sld [smem:$0x3FAC];
	_ =	sdelay $0x3  }
0x36: {  	p1 =	seq.s32 s10, $0x1;
	s10 =	sld [smem:$0x3FAD];
	_ =	sdelay $0x3  }
0x37: {  	[smem:$0x3FAD] =	sst s10  }
0x38: {  	s10 =	sld [smem:$0x3FAE]  }
0x39: {  	_ = 	snop;
	(pc) =	sbr.ind lr, $3  }
0x3a: {  	_ = 	snop  }
0x3b: {  	_ = 	snop  }
0x3c: {  	p2 =	seq.s32 s10, $0x1;
	s10 =	sld [smem:$0x3FAD]  }
0x3d: {  	_ =	shalt  }
0x3e: {  	_ =	shalt  }
0x3f: {  	_ =	shalt  }
0x40: {  	_ =	shalt  }
0x41: {  	_ =	shalt  }
0x42: {  	_ =	shalt  }
0x43: {  	_ =	shalt  }
0x44: {  	_ =	shalt  }
0x45: {  	_ =	shalt  }
0x46: {  	_ =	shalt  }
0x47: {  	_ =	shalt  }
0x48: {  	_ =	shalt  }
0x49: {  	_ =	shalt  }
0x4a: {  	_ =	shalt  }
0x4b: {  	_ =	shalt  }
0x4c: {  	_ =	shalt  }
0x4d: {  	_ =	shalt  }
0x4e: {  	_ =	shalt  }
0x4f: {  	_ =	shalt  }
0x50: {  	_ =	shalt  }
0x51: {  	_ =	shalt  }
0x52: {  	_ =	shalt  }
0x53: {  	_ =	shalt  }
0x54: {  	_ =	shalt  }
0x55: {  	_ =	shalt  }
0x56: {  	_ =	shalt  }
0x57: {  	_ =	shalt  }
0x58: {  	_ =	shalt  }
0x59: {  	_ =	shalt  }
0x5a: {  	_ =	shalt  }
0x5b: {  	_ =	shalt  }
0x5c: {  	_ =	shalt  }
0x5d: {  	_ =	shalt  }
0x5e: {  	_ =	shalt  }
0x5f: {  	_ =	shalt  }
0x60: {  	_ =	shalt  }
0x61: {  	_ =	shalt  }
0x62: {  	_ =	shalt  }
0x63: {  	_ =	shalt  }
0x64: {  	_ =	shalt  }
0x65: {  	_ =	shalt  }
0x66: {  	_ =	shalt  }
0x67: {  	_ =	shalt  }
0x68: {  	_ =	shalt  }
0x69: {  	_ =	shalt  }
0x6a: {  	_ =	shalt  }
0x6b: {  	_ =	shalt  }
0x6c: {  	_ =	shalt  }
0x6d: {  	_ =	shalt  }
0x6e: {  	_ =	shalt  }
0x6f: {  	_ =	shalt  }
0x70: {  	_ =	shalt  }
0x71: {  	_ =	shalt  }
0x72: {  	_ =	shalt  }
0x73: {  	_ =	shalt  }
0x74: {  	_ =	shalt  }
0x75: {  	_ =	shalt  }
0x76: {  	_ =	shalt  }
0x77: {  	_ =	shalt  }
0x78: {  	_ =	shalt  }
0x79: {  	_ =	shalt  }
0x7a: {  	_ =	shalt  }
0x7b: {  	_ =	shalt  }
0x7c: {  	_ =	shalt  }
0x7d: {  	_ =	shalt  }
0x7e: {  	_ =	shalt  }
0x7f: {  	_ =	shalt  }
0x80: {  	_ =	shalt  }
0x81: {  	_ =	shalt  }
0x82: {  	_ =	shalt  }
0x83: {  	_ =	shalt  }
0x84: {  	_ =	shalt  }
0x85: {  	_ =	shalt  }
0x86: {  	_ =	shalt  }
0x87: {  	_ =	shalt  }
.Lfunc_end0:
.L_simem_size_0:
called_computation.4_lowered:
.L_overlay_start_0:
0x88: {  	s0 =	sld [smem:$0x3FD9]  }
0x89: {  	s1 =	sld [smem:$0x3FFE];
	_ =	sdelay $0x3  }
0x8a: {  	s0 =	sadd.s32 s1, s0  }
0x8b: {  	[smem:$0x3FB9] =	sst s0  }
0x8c: {  	_ = 	snop  }
0x8d: {  	(tm) =	ssettm $0x1  }
0x8e: {  	s15 =	sld [smem:$0x3FFB];
	_ =	sdelay $0x3  }
0x8f: {  	_ =	strace s15  }
0x90: {  	s0 =	sld [smem:$0x3FFC];
	_ =	sdelay $0x3  }
0x91: {  	_ =	strace s0  }
0x92: {  	s0 =	sld [smem:$0x3FFD];
	_ =	sdelay $0x3  }
0x93: {  	_ =	strace s0  }
0x94: {  	_ =	strace $0x8FFFFFFF  }
0x95: {  	s16 =	sld [smem:$0x3FDB];
	_ =	sdelay $0x1  }
0x96: {  	s17 =	simm.s32 $_scs_section_size  }
0x97: {  	s2 =	simm.s32 $_size__tile_overlayer_lowered;
	s3 =	simm.s32 $_tile_overlayer_lowered  }
0x98: {  	s20 =	simm.s32 $0x1BFF;
	s19 =	sshll.u32 s3, $0x1;
	s0 =	sadd.s32 s17, s16  }
0x99: {  	s4 =	simm.s32 $0x0;
	s18 =	sshll.u32 s2, $0x1;
	s2 =	sadd.s32 s19, s0  }
0x9a: {  	[timem:s4], [sflag:s20] =	dma.local [hbm:s2], s18  }
0x9b: {  	_ =	swait.ge [sflag:s20], s18  }
0x9c: {  	s1 =	ssub.s32 $0x0, s18;
	[sflag:s20] =	ssyncset.done $0x0  }
0x9d: {  	[sflag:s20] =	ssyncadd.s32 s1;
	_ =	sdelay $0x1  }
0x9e: {  	s21 =	simm.s32 $0x1B8B  }
0x9f: {  	_ =	swait.ge [sflag:s21], $0x1  }
0xa0: {  	[sflag:s21] =	ssyncset.done $0x0  }
0xa1: {  	s23 =	simm.s32 $0x1B8E;
	s22 =	sld [smem:$0x3FFE];
	[sflag:s21] =	ssyncadd.s32 $0xFFFFFFFF  }
0xa2: {  	s24 =	simm.s32 $execute0_lowered;
	[smem:$0x3FD2] =	sst s23  }
0xa3: {  	s2 =	sshll.u32 s24, $0x1;
	_ =	strace $0x80000055;
	[dreg:$0x1] =	wrdreg $0xFFFFFFFF  }
0xa4: {  	s25 =	simm.s32 $_size_execute0_lowered;
	s0 =	sadd.s32 s0, s2;
	[dreg:$0x0] =	wrdreg $0x0  }
0xa5: {  	s2 =	sshll.u32 s25, $0x1;
	[dreg:$0x2] =	wrdreg s0  }
0xa6: {  	[dreg:$0x3] =	wrdreg s2  }
0xa7: {  	[dreg:$0x4] =	wrdreg $0xC0  }
0xa8: {  	_ =	task [dreg:s4], $0x5FFFF  }
0xa9: {  	[dreg:$0x1] =	wrdreg $0xFFFFFFFF  }
0xaa: {  	[dreg:$0x0] =	wrdreg $0x60  }
0xab: {  	[dreg:$0x2] =	wrdreg s22  }
0xac: {  	[dreg:$0x3] =	wrdreg $0xB  }
0xad: {  	_ =	task.clear_ibuf [dreg:s4], $0x4FFFF;
	_ =	strace $0x90000055  }
0xae: {  	s26 =	simm.s32 $0xB;
	_ =	strace $0x80000057  }
0xaf: {  	_ =	swait.ge [sflag:s26], $0x1  }
0xb0: {  	[sflag:s26] =	ssyncadd.s32 $0xFFFFFFFF  }
0xb1: {  	_ =	strace $0x90000057  }
0xb2: {  	_ =	sfence  }
0xb3: {  	s28 =	sld [smem:$0x0];
	_ =	sdelay $0x1  }
0xb4: {  	s29 =	srdreg.scid  }
0xb5: {  	s30 =	sshll.u32 s29, $0xD;
	s31 =	sshrl.u32 s29, $0x2  }
0xb6: {  	s1 =	sand.u32 $0x1, s29;
	s2 =	sand.u32 $0x4000, s30;
	s0 =	sadd.s32 s31, s28  }
0xb7: {  	s1 =	sor.u32 s2, s1;
	s0 =	sshll.u32 s0, $0x11  }
0xb8: {  	s0 =	sor.u32 s0, s1  }
0xb9: {  	s0 =	sadd.s32 $0x8F2B, s0  }
0xba: {  	[sflag:s0] =	ssyncadd.remote.s32 $0x1  }
0xbb: {  	_ =	sfence.sel $0xFFFF  }
0xbc: {  	[dreg:$0x0] =	wrdreg $0xFFFFFFFF;
	(pc) =	sbr.abs _section_cstart, $3  }
0xbd: {  	[dreg:$0x1] =	wrdreg $0xFFFFFFFF  }
0xbe: {  	_ =	task.clear_ibuf [dreg:s4], $0x2FFFF;
	_ =	strace $0x9FFFFFFF  }
0xbf: {  	(tm) =	ssettm $0x7FFFFFFF  }
tec
execute0_lowered:
.L_overlay_start_1:
0x0: {  	(tag) =	ssettag $0x1  }
0x1: {  	s8 =	rddreg [dreg:$0x0]  }
0x2: {  	s0 =	rddreg [dreg:$0x1];
	_ =	strace $0x80000056  }
0x3: {  	s4 =	simm.s32 $0x1;
	s1 =	stileid.u32;
	s7 =	simm.s32 $0x1  }
0x4: {  	s9 =	simm.s32 $0x1;
	s6 =	simm.s32 $0x2;
	s10 =	simm.s32 $0x3  }
0x5: {  	s13 =	simm.s32 $0x0;
	s12 =	simm.s32 $0x0;
	s2 =	sadd.s32 $0x34000, s8  }
.Ltmp0:
0x6: {  	s3 =	sadd.s32 $0x34C00, s8;
	p0 =	slt.u32 s1, $0xA;
	(pc) =	sbr.rel .LBB2_1-.Ltmp0, $4  }
0x7: {  	[sflag:s4] =	ssyncpa.u1 $0x0;
	s7 =	simm.s32 @!p0 $0x0;
	p0 =	sne.s32 s1, $0x9  }
0x8: {  	s5 =	smul.u32 $0x190, s1;
	[sflag:s6] =	ssyncpa.u1 $0x0;
	s9 =	simm.s32 @!p0 $0x0  }
0x9: {  	s8 =	sadd.s32 $0x35200, s8;
	[sflag:s10] =	ssyncpa.u1 $0x0;
	s7 =	sadd.s32 s9, s7  }
0xa: {  	vm0 =	vmmov $0xffff;
	s10 =	simm.s32 $0x0;
	s11 =	smov.u32 s5;
	s9 =	sadd.s32 $0x1, s7  }
.LBB2_4:
0xb: {  	v2 =	vnsel vm1, $0x0, v2  }
0xc: {  	vm1 =	vgt.s32 v0, $0x0;
	v2 =	vmin.u32 v2, $0x270F  }
0xd: {  	v0 =	vnsel vm1, $0x0, v0  }
0xe: {  	v0 =	vmin.u32 v0, $0x270F  }
0xf: {  	[tilespmem:s18], [sflag:$0x1] =	stream.indirect_vreg.gather [hbm4b:s2+s10], $0x1, v1, vm0, $0x4038;
	[tilespmem:$0x640] =	vst v63  }
0x10: {  	(ifvalue) =	ssetifvalue $0x7FFFFFFF  }
0x11: {  	[tilespmem:s15], [sflag:$0x1] =	stream.indirect_vreg.gather [hbm4b:s2+s10], $0x1, v2, vm0, $0x4038;
	[tilespmem:$0x640] =	vst v63  }
0x12: {  	s29 =	sadd.s32 $0x10, s15;
	(ifvalue) =	ssetifvalue $0x7FFFFFFF  }
0x13: {  	[tilespmem:s29], [sflag:$0x1] =	stream.indirect_vreg.gather [hbm4b:s2+s10], $0x1, v0, vm0, $0x4038;
	[tilespmem:$0x640] =	vst v63  }
0x14: {  	_ =	swait.ge [sflag:s4], $0x190  }
0x15: {  	s30 =	sshrl.u32 s13, $0x3;
	[sflag:s4] =	ssyncset.done $0x0  }
0x16: {  	s31 =	sand.u32 $0x7, s13;
	s15 =	sadd.s32 s8, s30;
	[sflag:s4] =	ssyncadd.s32 $0xFFFFFE70  }
0x17: {  	[hbm4b:s15+s31] =	stream.linear.scatter [tilespmem:s14], [sflag:$0x3], $0x190, $0x38;
	[tilespmem:$0x640] =	vst v63  }
.LBB2_5:
0x18: {  	s15 =	sadd.s32 $0x1900, s11  }
0x19: {  	p1 =	sgt.s32 s15, $0x270F  }
0x1a: {  	s15 =	smov.u32 @p1 s5;
	p1 =	sne.s32 s12, s9  }
.Ltmp1:
0x1b: {  	p0 =	slt.u32 s12, $0x2;
	(pc) =	sbr.rel @!p1 .LBB2_6-.Ltmp1, $4  }
0x1c: {  	s14 =	simm.s32 @!p0 $0x3  }
0x1d: {  	_ =	swait.ge @!p0 [sflag:s14], $0x190  }
0x1e: {  	s16 =	sadd.s32 $0x1, s12;
	s13 =	smov.u32 s11;
	[sflag:s14] =	ssyncset.done @!p0 $0x0  }
0x1f: {  	s12 =	smov.u32 s16;
	s11 =	smov.u32 s15;
	[sflag:s14] =	ssyncadd.s32 @!p0 $0xFFFFFE70  }
.LBB2_1:
0x20: {  	p0 =	sge.u32 s12, s7  }
0x21: {  	s14 =	sxor.u32 @!p0 $0x1, s12  }
0x22: {  	s14 =	smul.u32 @!p0 $0x640, s14  }
0x23: {  	s31 =	sadd.s32 $0xFFFFFFFF, s12;
	s15 =	sshrl.u32 @!p0 s11, $0x3  }
0x24: {  	s16 =	sand.u32 @!p0 $0x7, s11;
	s15 =	sadd.s32 @!p0 s3, s15;
	s14 =	sshra.s32 @!p0 s14, $0x2  }
0x25: {  	[tilespmem:s14], [sflag:$0x2] =	stream.linear.gather @!p0 [hbm4b:s15+s16], $0x190, $0x38;
	[tilespmem:$0x640] =	vst v63  }
0x26: {  	p0 =	sge.u32 s31, s7  }
.Ltmp2:
0x27: {  	_ = 	snop;
	(pc) =	sbr.rel @p0 .LBB2_5-.Ltmp2, $1  }
0x28: {  	_ =	sdelay $0x3  }
0x29: {  	s14 =	sand.u32 $0x1, s12  }
0x2a: {  	_ =	swait.ge [sflag:s6], $0x190;
	p0 =	seq.s32 s14, $0x1;
	s14 =	simm.s32 $0x190  }
0x2b: {  	[sflag:s6] =	ssyncset.done $0x0;
	s14 =	simm.s32 @!p0 $0x0  }
0x2c: {  	[sflag:s6] =	ssyncadd.s32 $0xFFFFFE70;
	(ifvalue) =	ssetifvalue $0x7FFFFFFF;
	v0 =	vld.msk [tilespmem:s14+$0x0 ss:$0x1], $0xffff;
	_ =	sdelay $0x4  }
0x2d: {  	s15 =	sadd.s32 $0x10, s14;
	vm1 =	vgt.s32 v0, $0x0  }
0x2e: {  	v2 =	vld.msk [tilespmem:s15+$0x0 ss:$0x1], $0xffff;
	v1 =	vnsel vm1, $0x0, v0  }
0x2f: {  	v1 =	vmin.u32 v1, $0x270F;
	_ =	sdelay $0x2  }
0x30: {  	s17 =	simm.s32 $0x20;
	s14 =	sadd.s32 $0x320, s14;
	s16 =	sadd.s32 $0x10, s15  }
0x31: {  	s15 =	sadd.s32 $0x10, s14;
	s18 =	smov.u32 s14;
	v0 =	vld.msk [tilespmem:s16+$0x0 ss:$0x1], $0xffff;
	vm1 =	vgt.s32 v2, $0x0;
	(ifvalue) =	ssetifvalue $0x7FFFFFFF  }
.LBB2_3:
0x32: {  	[tilespmem:s18], [sflag:$0x1] =	stream.indirect_vreg.gather [hbm4b:s2+s10], $0x1, v1, vm0, $0x4038;
	[tilespmem:$0x640] =	vst v63  }
0x33: {  	s17 =	sadd.s32 $0x10, s17  }
0x34: {  	v2 =	vnsel vm1, $0x0, v2;
	p0 =	slt.u32 s17, $0x180  }
.Ltmp3:
0x35: {  	s18 =	smov.u32 s15;
	v1 =	vmin.u32 v2, $0x270F;
	(pc) =	sbr.rel @p0 .LBB2_3-.Ltmp3, $3  }
0x36: {  	_ =	sdelay $0x1  }
0x37: {  	s16 =	sadd.s32 $0x10, s16  }
0x38: {  	vm1 =	vgt.s32 v0, $0x0;
	s15 =	sadd.s32 $0x10, s15;
	v2 =	vmov v0;
	(ifvalue) =	ssetifvalue $0x7FFFFFFF;
	v0 =	vld.msk [tilespmem:s16+$0x0 ss:$0x1], $0xffff  }
.Ltmp4:
0x39: {  	_ = 	snop;
	(pc) =	sbr.rel .LBB2_4-.Ltmp4, $1  }
0x3a: {  	_ =	sdelay $0x3  }
.LBB2_6:
0x3b: {  	_ =	sfence.sel $0x180000  }
0x3c: {  	s2 =	simm.s32 $0x2;
	[bflag:$0x0] =	sbarrier.arrive $0xFFFF  }
0x3d: {  	s30 =	simm.s32 $0x3;
	[sflag:s2] =	ssyncpa.u1 $0x1  }
0x3e: {  	s31 =	simm.s32 $0x1;
	[sflag:s30] =	ssyncpa.u1 $0x1  }
0x3f: {  	[sflag:s31] =	ssyncpa.u1 $0x1  }
0x40: {  	p0 =	sne.s32 s1, $0x0;
	_ =	strace $0x90000056  }
0x41: {  	s0 =	sadd.s32 @!p0 $0x100000, s0;
	[bflag:$0x2] =	sbarrier.arrive $0xFFFF  }
0x42: {  	[sflag:s0] =	ssyncadd.tile.s32 @!p0 $0x1;
	_ =	shalt  }
.Lfunc_end2:
_tile_overlayer_lowered:
.L_overlay_start_2:
0x43: {  	(tag) =	ssettag $0x2  }
0x44: {  	s0 =	rddreg [dreg:$0x0];
	s2 =	stileid.u32  }
0x45: {  	s1 =	rddreg [dreg:$0x1];
	p0 =	sne.s32 s2, $0x0  }
0x46: {  	s3 =	rddreg [dreg:$0x2];
	[bflag:$0x3] =	sbarrier.arrive $0xFFFF;
	s2 =	simm.s32 @!p0 $0x1C01  }
0x47: {  	[timem:s3], [sflag:s2] =	dma.local @!p0 [hbm:s0], s1  }
0x48: {  	s0 =	simm.s32 @!p0 $0x1  }
0x49: {  	_ =	swait.ge @!p0 [sflag:s0], s1  }
0x4a: {  	s1 =	ssub.s32 @!p0 $0x0, s1;
	[sflag:s0] =	ssyncset.done @!p0 $0x0  }
0x4b: {  	[sflag:s0] =	ssyncadd.s32 @!p0 s1  }
0x4c: {  	[bflag:$0x3] =	sbarrier.arrive $0xFFFF  }
0x4d: {  	_ =	shalt  }

// kernel: gather_offload_async_start
scs
__scs_entry_jumppad:
0x0: {  	(pc) =	sbr.rel $0x88, $3  }
0x1: {  	(tag) =	ssettag $0x0;
	lr =	simm.s32 $0x1  }
0x2: {  	[smem:$0x3F92] =	sst lr;
	_ =	strace $0xD0000000  }
0x3: {  	_ = 	snop  }
0x4: {  	_ = 	snop  }
0x5: {  	_ = 	snop  }
0x6: {  	_ = 	snop  }
0x7: {  	_ = 	snop  }
__scs_overlays_trampoline_lowered:
0x8: {  	[smem:$0x3FA1] =	sst s0  }
0x9: {  	[smem:$0x3FA2] =	sst s1  }
0xa: {  	[smem:$0x3FA3] =	sst s2  }
0xb: {  	[smem:$0x3FA4] =	sst s3  }
0xc: {  	[smem:$0x3FA5] =	sst s4  }
0xd: {  	[smem:$0x3FA6] =	sst s5  }
0xe: {  	[smem:$0x3FA7] =	sst s6  }
0xf: {  	[smem:$0x3FA8] =	sst s7  }
0x10: {  	[smem:$0x3FA9] =	sst s8  }
0x11: {  	[smem:$0x3FAA] =	sst s9;
	s0 =	simm.s32 @!p0 $0x0  }
0x12: {  	s1 =	sld [smem:$0x3F90];
	s0 =	simm.s32 @p0 $0x1  }
0x13: {  	[smem:$0x3FAB] =	sst s0;
	s0 =	simm.s32 @!p1 $0x0  }
0x14: {  	s2 =	sld [smem:$0x3F8F];
	s0 =	simm.s32 @p1 $0x1  }
0x15: {  	[smem:$0x3FAC] =	sst s0;
	s0 =	simm.s32 @!p2 $0x0  }
0x16: {  	s3 =	sld [smem:$0x3FDB];
	s0 =	simm.s32 @p2 $0x1  }
0x17: {  	s4 =	simm.s32 $0x1BF5;
	[smem:$0x3FAE] =	sst s0  }
0x18: {  	s0 =	sld [smem:$0x3F91];
	_ =	swait.ge [sflag:s4], $0x0  }
0x19: {  	s7 =	sld [smem:$0x3F92]  }
0x1a: {  	s8 =	sadd.s32 $0xFFFFE003, lr  }
0x1b: {  	s9 =	sadd.s32 $0xFFFFFEF7, lr;
	s5 =	simm.s32 $0xFFFFFFFF;
	p2 =	slt.u32 s8, $0xFFFFF086  }
0x1c: {  	p1 =	slt.u32 s9, $0xF7A;
	s5 =	simm.s32 @!p2 $0x0  }
0x1d: {  	s5 =	simm.s32 @p1 $0x1;
	p0 =	seq.s32 s7, s2  }
0x1e: {  	s7 =	smul.u32 @!p0 $0xF7A, s2;
	p2 =	seq.s32 @!p0 s5, $0x0  }
0x1f: {  	s9 =	smul.u32 $0xF7A, s1;
	s8 =	simm.s32 @!p0 $0x1BF5;
	p2 =	por !p2, p0  }
0x20: {  	[sflag:s8] =	ssyncset.s32 @!p0 $0xFFFFF086;
	s6 =	sadd.s32 @!p0 s3, s7;
	s7 =	simm.s32 @!p0 $0x108  }
0x21: {  	s3 =	sadd.s32 s3, s9;
	s6 =	sadd.s32 @!p0 $0x88, s6;
	s7 =	simm.s32 @p2 $0x1082  }
0x22: {  	[simem:s7], [sflag:s8] =	dma.local @!p0 [hbm:s6], $0xF7A  }
0x23: {  	s9 =	sor.u32 $0xD0000000, s2;
	s6 =	simm.s32 $0x108;
	_ =	swait.ge @!p0 [sflag:s8], $0x0  }
0x24: {  	s3 =	sadd.s32 $0x88, s3;
	s6 =	simm.s32 @!p1 $0x1082;
	[sflag:s4] =	ssyncset.s32 $0xFFFFF086  }
0x25: {  	[simem:s6], [sflag:s4] =	dma.local [hbm:s3], $0xF7A  }
0x26: {  	[smem:$0x3F92] =	sst s1;
	(tag) =	ssettag s2;
	_ =	strace s9  }
0x27: {  	s1 =	sld [smem:$0x3FA2]  }
0x28: {  	s2 =	sld [smem:$0x3FA3]  }
0x29: {  	s4 =	sld [smem:$0x3FA5]  }
0x2a: {  	p0 =	seq.s32 s5, $0x0;
	s5 =	sld [smem:$0x3FA6]  }
0x2b: {  	s6 =	sld [smem:$0x3FA7]  }
0x2c: {  	s7 =	sld [smem:$0x3FA8]  }
0x2d: {  	s3 =	simm.s32 $0x108;
	s8 =	sld [smem:$0x3FA9]  }
0x2e: {  	s3 =	simm.s32 @!p0 $0x1082;
	s9 =	sld [smem:$0x3FAA]  }
0x2f: {  	lr =	sadd.s32 s0, s3;
	s0 =	sld [smem:$0x3FA1]  }
0x30: {  	s3 =	sld [smem:$0x3FA4]  }
0x31: {  	[smem:$0x3FAD] =	sst s10  }
0x32: {  	s10 =	sld [smem:$0x3FAB];
	_ =	sdelay $0x3  }
0x33: {  	p0 =	seq.s32 s10, $0x1;
	s10 =	sld [smem:$0x3FAD];
	_ =	sdelay $0x3  }
0x34: {  	[smem:$0x3FAD] =	sst s10  }
0x35: {  	s10 =	sld [smem:$0x3FAC];
	_ =	sdelay $0x3  }
0x36: {  	p1 =	seq.s32 s10, $0x1;
	s10 =	sld [smem:$0x3FAD];
	_ =	sdelay $0x3  }
0x37: {  	[smem:$0x3FAD] =	sst s10  }
0x38: {  	s10 =	sld [smem:$0x3FAE]  }
0x39: {  	_ = 	snop;
	(pc) =	sbr.ind lr, $3  }
0x3a: {  	_ = 	snop  }
0x3b: {  	_ = 	snop  }
0x3c: {  	p2 =	seq.s32 s10, $0x1;
	s10 =	sld [smem:$0x3FAD]  }
0x3d: {  	_ =	shalt  }
0x3e: {  	_ =	shalt  }
0x3f: {  	_ =	shalt  }
0x40: {  	_ =	shalt  }
0x41: {  	_ =	shalt  }
0x42: {  	_ =	shalt  }
0x43: {  	_ =	shalt  }
0x44: {  	_ =	shalt  }
0x45: {  	_ =	shalt  }
0x46: {  	_ =	shalt  }
0x47: {  	_ =	shalt  }
0x48: {  	_ =	shalt  }
0x49: {  	_ =	shalt  }
0x4a: {  	_ =	shalt  }
0x4b: {  	_ =	shalt  }
0x4c: {  	_ =	shalt  }
0x4d: {  	_ =	shalt  }
0x4e: {  	_ =	shalt  }
0x4f: {  	_ =	shalt  }
0x50: {  	_ =	shalt  }
0x51: {  	_ =	shalt  }
0x52: {  	_ =	shalt  }
0x53: {  	_ =	shalt  }
0x54: {  	_ =	shalt  }
0x55: {  	_ =	shalt  }
0x56: {  	_ =	shalt  }
0x57: {  	_ =	shalt  }
0x58: {  	_ =	shalt  }
0x59: {  	_ =	shalt  }
0x5a: {  	_ =	shalt  }
0x5b: {  	_ =	shalt  }
0x5c: {  	_ =	shalt  }
0x5d: {  	_ =	shalt  }
0x5e: {  	_ =	shalt  }
0x5f: {  	_ =	shalt  }
0x60: {  	_ =	shalt  }
0x61: {  	_ =	shalt  }
0x62: {  	_ =	shalt  }
0x63: {  	_ =	shalt  }
0x64: {  	_ =	shalt  }
0x65: {  	_ =	shalt  }
0x66: {  	_ =	shalt  }
0x67: {  	_ =	shalt  }
0x68: {  	_ =	shalt  }
0x69: {  	_ =	shalt  }
0x6a: {  	_ =	shalt  }
0x6b: {  	_ =	shalt  }
0x6c: {  	_ =	shalt  }
0x6d: {  	_ =	shalt  }
0x6e: {  	_ =	shalt  }
0x6f: {  	_ =	shalt  }
0x70: {  	_ =	shalt  }
0x71: {  	_ =	shalt  }
0x72: {  	_ =	shalt  }
0x73: {  	_ =	shalt  }
0x74: {  	_ =	shalt  }
0x75: {  	_ =	shalt  }
0x76: {  	_ =	shalt  }
0x77: {  	_ =	shalt  }
0x78: {  	_ =	shalt  }
0x79: {  	_ =	shalt  }
0x7a: {  	_ =	shalt  }
0x7b: {  	_ =	shalt  }
0x7c: {  	_ =	shalt  }
0x7d: {  	_ =	shalt  }
0x7e: {  	_ =	shalt  }
0x7f: {  	_ =	shalt  }
0x80: {  	_ =	shalt  }
0x81: {  	_ =	shalt  }
0x82: {  	_ =	shalt  }
0x83: {  	_ =	shalt  }
0x84: {  	_ =	shalt  }
0x85: {  	_ =	shalt  }
0x86: {  	_ =	shalt  }
0x87: {  	_ =	shalt  }
.Lfunc_end0:
.L_simem_size_0:
called_computation.2_lowered:
.L_overlay_start_0:
0x88: {  	s2 =	sld [smem:$0x3FD9]  }
0x89: {  	s3 =	sld [smem:$0x3FFE];
	_ =	sdelay $0x1  }
0x8a: {  	s1 =	srdreg.scid  }
0x8b: {  	s0 =	sand.u32 $0x1, s1  }
0x8c: {  	s16 =	sshll.u32 s0, $0xA;
	s2 =	sadd.s32 s3, s2  }
0x8d: {  	s2 =	sadd.s32 s2, s16  }
0x8e: {  	[smem:$0x3FB9] =	sst s2  }
0x8f: {  	_ = 	snop  }
0x90: {  	(tm) =	ssettm $0x1  }
0x91: {  	s17 =	sld [smem:$0x3FFB];
	_ =	sdelay $0x3  }
0x92: {  	_ =	strace s17  }
0x93: {  	s2 =	sld [smem:$0x3FFC];
	_ =	sdelay $0x3  }
0x94: {  	_ =	strace s2  }
0x95: {  	s2 =	sld [smem:$0x3FFD];
	_ =	sdelay $0x3  }
0x96: {  	_ =	strace s2  }
0x97: {  	_ =	strace $0x8FFFFFFF  }
0x98: {  	s18 =	sld [smem:$0x3FDB];
	_ =	sdelay $0x1  }
0x99: {  	s19 =	simm.s32 $_scs_section_size  }
0x9a: {  	s4 =	simm.s32 $_size__tile_overlayer_lowered;
	s5 =	simm.s32 $_tile_overlayer_lowered  }
0x9b: {  	s22 =	simm.s32 $0x1BFF;
	s21 =	sshll.u32 s5, $0x1;
	s2 =	sadd.s32 s19, s18  }
0x9c: {  	s6 =	simm.s32 $0x0;
	s20 =	sshll.u32 s4, $0x1;
	s4 =	sadd.s32 s21, s2  }
0x9d: {  	[timem:s6], [sflag:s22] =	dma.local [hbm:s4], s20  }
0x9e: {  	_ =	swait.ge [sflag:s22], s20  }
0x9f: {  	s3 =	ssub.s32 $0x0, s20;
	[sflag:s22] =	ssyncset.done $0x0  }
0xa0: {  	[sflag:s22] =	ssyncadd.s32 s3;
	_ =	sdelay $0x1  }
0xa1: {  	s23 =	simm.s32 $0x1B8B  }
0xa2: {  	_ =	swait.ge [sflag:s23], $0x1  }
0xa3: {  	[sflag:s23] =	ssyncset.done $0x0  }
0xa4: {  	s25 =	simm.s32 $0x1B8E;
	s24 =	sld [smem:$0x3FFE];
	[sflag:s23] =	ssyncadd.s32 $0xFFFFFFFF  }
0xa5: {  	s26 =	simm.s32 $execute0_lowered;
	[smem:$0x3FD2] =	sst s25  }
0xa6: {  	s4 =	sshll.u32 s26, $0x1;
	_ =	strace $0x8000004F;
	[dreg:$0x1] =	wrdreg $0xFFFFFFFF  }
0xa7: {  	s28 =	simm.s32 $_size_execute0_lowered;
	s2 =	sadd.s32 s2, s4;
	[dreg:$0x0] =	wrdreg $0x0  }
0xa8: {  	s4 =	sshll.u32 s28, $0x1;
	[dreg:$0x2] =	wrdreg s2  }
0xa9: {  	[dreg:$0x3] =	wrdreg s4  }
0xaa: {  	[dreg:$0x4] =	wrdreg $0xC0  }
0xab: {  	_ =	task [dreg:s6], $0x5FFFF  }
0xac: {  	[dreg:$0x1] =	wrdreg $0xFFFFFFFF  }
0xad: {  	[dreg:$0x0] =	wrdreg $0x60  }
0xae: {  	[dreg:$0x2] =	wrdreg s24  }
0xaf: {  	[dreg:$0x3] =	wrdreg $0x9  }
0xb0: {  	_ =	task.clear_ibuf [dreg:s6], $0x4FFFF;
	_ =	strace $0x9000004F  }
0xb1: {  	s29 =	simm.s32 $0x9;
	_ =	strace $0x80000051  }
0xb2: {  	_ =	swait.ge [sflag:s29], $0x1  }
0xb3: {  	[sflag:s29] =	ssyncadd.s32 $0xFFFFFFFF  }
0xb4: {  	_ =	strace $0x90000051  }
0xb5: {  	_ =	sfence  }
0xb6: {  	s30 =	sld [smem:$0x0];
	_ =	sdelay $0x2  }
0xb7: {  	s31 =	sshll.u32 s1, $0xD;
	s1 =	sshrl.u32 s1, $0x2  }
0xb8: {  	s3 =	sand.u32 $0x4000, s31;
	s1 =	sadd.s32 s1, s30  }
0xb9: {  	s0 =	sor.u32 s3, s0;
	s1 =	sshll.u32 s1, $0x11  }
0xba: {  	s0 =	sor.u32 s1, s0  }
0xbb: {  	s0 =	sadd.s32 $0x8F2B, s0  }
0xbc: {  	[sflag:s0] =	ssyncadd.remote.s32 $0x1  }
0xbd: {  	_ =	sfence.sel $0xFFFF  }
0xbe: {  	[dreg:$0x0] =	wrdreg $0xFFFFFFFF;
	(pc) =	sbr.abs _section_cstart, $3  }
0xbf: {  	[dreg:$0x1] =	wrdreg $0xFFFFFFFF  }
0xc0: {  	_ =	task.clear_ibuf [dreg:s6], $0x2FFFF;
	_ =	strace $0x9FFFFFFF  }
0xc1: {  	(tm) =	ssettm $0x7FFFFFFF  }
tec
execute0_lowered:
.L_overlay_start_1:
0x0: {  	(tag) =	ssettag $0x1  }
0x1: {  	s8 =	rddreg [dreg:$0x0]  }
0x2: {  	s0 =	rddreg [dreg:$0x1];
	_ =	strace $0x80000050;
	s1 =	stileid.u32  }
0x3: {  	s3 =	srdreg.scid;
	s4 =	simm.s32 $0x1;
	s7 =	simm.s32 $0x1  }
0x4: {  	s9 =	simm.s32 $0x1;
	s10 =	simm.s32 $0x3;
	s13 =	simm.s32 $0x0  }
0x5: {  	s12 =	simm.s32 $0x0;
	s5 =	sand.u32 $0x1, s3;
	s6 =	sshll.u32 s1, $0x1  }
0x6: {  	s2 =	sadd.s32 $0x1A400, s8;
	s3 =	sadd.s32 $0x2E400, s8;
	s5 =	sor.u32 s6, s5  }
.Ltmp0:
0x7: {  	[sflag:s4] =	ssyncpa.u1 $0x0;
	p0 =	slt.u32 s5, $0x9;
	(pc) =	sbr.rel .LBB2_1-.Ltmp0, $4  }
0x8: {  	s6 =	simm.s32 $0x2;
	s7 =	simm.s32 @!p0 $0x0;
	p0 =	sne.s32 s5, $0x8  }
0x9: {  	[sflag:s6] =	ssyncpa.u1 $0x0;
	s5 =	smul.u32 $0xFA0, s5;
	s9 =	simm.s32 @!p0 $0x0  }
0xa: {  	s8 =	sadd.s32 $0x1400, s8;
	[sflag:s10] =	ssyncpa.u1 $0x0;
	s7 =	sadd.s32 s9, s7  }
0xb: {  	vm0 =	vmmov $0xffff;
	s10 =	simm.s32 $0x0;
	s11 =	smov.u32 s5;
	s9 =	sadd.s32 $0x1, s7  }
.LBB2_4:
0xc: {  	v2 =	vnsel vm1, $0x0, v2  }
0xd: {  	vm1 =	vgt.s32 v0, $0x0;
	v2 =	vmin.u32 v2, $0x270FF  }
0xe: {  	v0 =	vnsel vm1, $0x0, v0  }
0xf: {  	v0 =	vmin.u32 v0, $0x270FF  }
0x10: {  	[tilespmem:s18], [sflag:$0x1] =	stream.indirect_vreg.gather [hbm4b:s2+s10], $0x1, v1, vm0, $0x4038;
	[tilespmem:$0x3E80] =	vst v63  }
0x11: {  	(ifvalue) =	ssetifvalue $0x7FFFFFFF  }
0x12: {  	[tilespmem:s15], [sflag:$0x1] =	stream.indirect_vreg.gather [hbm4b:s2+s10], $0x1, v2, vm0, $0x4038;
	[tilespmem:$0x3E80] =	vst v63  }
0x13: {  	s29 =	sadd.s32 $0x10, s15;
	(ifvalue) =	ssetifvalue $0x7FFFFFFF  }
0x14: {  	[tilespmem:s29], [sflag:$0x1] =	stream.indirect_vreg.gather [hbm4b:s2+s10], $0x1, v0, vm0, $0x4038;
	[tilespmem:$0x3E80] =	vst v63  }
0x15: {  	_ =	swait.ge [sflag:s4], $0xFA0  }
0x16: {  	s30 =	sshrl.u32 s13, $0x3;
	[sflag:s4] =	ssyncset.done $0x0  }
0x17: {  	s31 =	sand.u32 $0x7, s13;
	s15 =	sadd.s32 s8, s30;
	[sflag:s4] =	ssyncadd.s32 $0xFFFFF060  }
0x18: {  	[hbm4b:s15+s31] =	stream.linear.scatter [tilespmem:s14], [sflag:$0x3], $0xFA0, $0x38;
	[tilespmem:$0x3E80] =	vst v63  }
.LBB2_5:
0x19: {  	s15 =	sadd.s32 $0x1F400, s11  }
0x1a: {  	p1 =	sgt.s32 s15, $0x270FF  }
0x1b: {  	s15 =	smov.u32 @p1 s5;
	p1 =	sne.s32 s12, s9  }
.Ltmp1:
0x1c: {  	p0 =	slt.u32 s12, $0x2;
	(pc) =	sbr.rel @!p1 .LBB2_6-.Ltmp1, $4  }
0x1d: {  	s14 =	simm.s32 @!p0 $0x3  }
0x1e: {  	_ =	swait.ge @!p0 [sflag:s14], $0xFA0  }
0x1f: {  	s16 =	sadd.s32 $0x1, s12;
	s13 =	smov.u32 s11;
	[sflag:s14] =	ssyncset.done @!p0 $0x0  }
0x20: {  	s12 =	smov.u32 s16;
	s11 =	smov.u32 s15;
	[sflag:s14] =	ssyncadd.s32 @!p0 $0xFFFFF060  }
.LBB2_1:
0x21: {  	p0 =	sge.u32 s12, s7  }
0x22: {  	s14 =	sxor.u32 @!p0 $0x1, s12  }
0x23: {  	s14 =	smul.u32 @!p0 $0x3E80, s14  }
0x24: {  	s31 =	sadd.s32 $0xFFFFFFFF, s12;
	s15 =	sshrl.u32 @!p0 s11, $0x3  }
0x25: {  	s16 =	sand.u32 @!p0 $0x7, s11;
	s15 =	sadd.s32 @!p0 s3, s15;
	s14 =	sshra.s32 @!p0 s14, $0x2  }
0x26: {  	[tilespmem:s14], [sflag:$0x2] =	stream.linear.gather @!p0 [hbm4b:s15+s16], $0xFA0, $0x38;
	[tilespmem:$0x3E80] =	vst v63  }
0x27: {  	p0 =	sge.u32 s31, s7  }
.Ltmp2:
0x28: {  	_ = 	snop;
	(pc) =	sbr.rel @p0 .LBB2_5-.Ltmp2, $1  }
0x29: {  	_ =	sdelay $0x3  }
0x2a: {  	s14 =	sand.u32 $0x1, s12  }
0x2b: {  	_ =	swait.ge [sflag:s6], $0xFA0;
	p0 =	seq.s32 s14, $0x1;
	s14 =	simm.s32 $0xFA0  }
0x2c: {  	[sflag:s6] =	ssyncset.done $0x0;
	s14 =	simm.s32 @!p0 $0x0  }
0x2d: {  	[sflag:s6] =	ssyncadd.s32 $0xFFFFF060;
	(ifvalue) =	ssetifvalue $0x7FFFFFFF;
	v0 =	vld.msk [tilespmem:s14+$0x0 ss:$0x1], $0xffff;
	_ =	sdelay $0x4  }
0x2e: {  	s15 =	sadd.s32 $0x10, s14;
	vm1 =	vgt.s32 v0, $0x0  }
0x2f: {  	v2 =	vld.msk [tilespmem:s15+$0x0 ss:$0x1], $0xffff;
	v1 =	vnsel vm1, $0x0, v0  }
0x30: {  	v1 =	vmin.u32 v1, $0x270FF;
	_ =	sdelay $0x2  }
0x31: {  	s17 =	simm.s32 $0x20;
	s14 =	sadd.s32 $0x1F40, s14;
	s16 =	sadd.s32 $0x10, s15  }
0x32: {  	s15 =	sadd.s32 $0x10, s14;
	s18 =	smov.u32 s14;
	v0 =	vld.msk [tilespmem:s16+$0x0 ss:$0x1], $0xffff;
	vm1 =	vgt.s32 v2, $0x0;
	(ifvalue) =	ssetifvalue $0x7FFFFFFF  }
.LBB2_3:
0x33: {  	[tilespmem:s18], [sflag:$0x1] =	stream.indirect_vreg.gather [hbm4b:s2+s10], $0x1, v1, vm0, $0x4038;
	[tilespmem:$0x3E80] =	vst v63  }
0x34: {  	s17 =	sadd.s32 $0x10, s17  }
0x35: {  	v2 =	vnsel vm1, $0x0, v2;
	p0 =	slt.u32 s17, $0xF90  }
.Ltmp3:
0x36: {  	s18 =	smov.u32 s15;
	v1 =	vmin.u32 v2, $0x270FF;
	(pc) =	sbr.rel @p0 .LBB2_3-.Ltmp3, $3  }
0x37: {  	_ =	sdelay $0x1  }
0x38: {  	s16 =	sadd.s32 $0x10, s16  }
0x39: {  	vm1 =	vgt.s32 v0, $0x0;
	s15 =	sadd.s32 $0x10, s15;
	v2 =	vmov v0;
	(ifvalue) =	ssetifvalue $0x7FFFFFFF;
	v0 =	vld.msk [tilespmem:s16+$0x0 ss:$0x1], $0xffff  }
.Ltmp4:
0x3a: {  	_ = 	snop;
	(pc) =	sbr.rel .LBB2_4-.Ltmp4, $1  }
0x3b: {  	_ =	sdelay $0x3  }
.LBB2_6:
0x3c: {  	_ =	sfence.sel $0x180000  }
0x3d: {  	s2 =	simm.s32 $0x2;
	[bflag:$0x0] =	sbarrier.arrive $0xFFFF  }
0x3e: {  	s30 =	simm.s32 $0x3;
	[sflag:s2] =	ssyncpa.u1 $0x1  }
0x3f: {  	s31 =	simm.s32 $0x1;
	[sflag:s30] =	ssyncpa.u1 $0x1  }
0x40: {  	[sflag:s31] =	ssyncpa.u1 $0x1  }
0x41: {  	p0 =	sne.s32 s1, $0x0;
	_ =	strace $0x90000050  }
0x42: {  	s0 =	sadd.s32 @!p0 $0x100000, s0;
	[bflag:$0x2] =	sbarrier.arrive $0xFFFF  }
0x43: {  	[sflag:s0] =	ssyncadd.tile.s32 @!p0 $0x1;
	_ =	shalt  }
.Lfunc_end2:
_tile_overlayer_lowered:
.L_overlay_start_2:
0x44: {  	(tag) =	ssettag $0x2  }
0x45: {  	s0 =	rddreg [dreg:$0x0];
	s2 =	stileid.u32  }
0x46: {  	s1 =	rddreg [dreg:$0x1];
	p0 =	sne.s32 s2, $0x0  }
0x47: {  	s3 =	rddreg [dreg:$0x2];
	[bflag:$0x3] =	sbarrier.arrive $0xFFFF;
	s2 =	simm.s32 @!p0 $0x1C01  }
0x48: {  	[timem:s3], [sflag:s2] =	dma.local @!p0 [hbm:s0], s1  }
0x49: {  	s0 =	simm.s32 @!p0 $0x1  }
0x4a: {  	_ =	swait.ge @!p0 [sflag:s0], s1  }
0x4b: {  	s1 =	ssub.s32 @!p0 $0x0, s1;
	[sflag:s0] =	ssyncset.done @!p0 $0x0  }
0x4c: {  	[sflag:s0] =	ssyncadd.s32 @!p0 s1  }
0x4d: {  	[bflag:$0x3] =	sbarrier.arrive $0xFFFF  }
0x4e: {  	_ =	shalt  }

// kernel: kernel.10.cloned.1.call-start
scs
__scs_entry_jumppad:
0x0: {  	(pc) =	sbr.rel $0x88, $3  }
0x1: {  	(tag) =	ssettag $0x0;
	lr =	simm.s32 $0x1  }
0x2: {  	[smem:$0x3F92] =	sst lr;
	_ =	strace $0xD0000000  }
0x3: {  	_ = 	snop  }
0x4: {  	_ = 	snop  }
0x5: {  	_ = 	snop  }
0x6: {  	_ = 	snop  }
0x7: {  	_ = 	snop  }
__scs_overlays_trampoline_lowered:
0x8: {  	[smem:$0x3FA1] =	sst s0  }
0x9: {  	[smem:$0x3FA2] =	sst s1  }
0xa: {  	[smem:$0x3FA3] =	sst s2  }
0xb: {  	[smem:$0x3FA4] =	sst s3  }
0xc: {  	[smem:$0x3FA5] =	sst s4  }
0xd: {  	[smem:$0x3FA6] =	sst s5  }
0xe: {  	[smem:$0x3FA7] =	sst s6  }
0xf: {  	[smem:$0x3FA8] =	sst s7  }
0x10: {  	[smem:$0x3FA9] =	sst s8  }
0x11: {  	[smem:$0x3FAA] =	sst s9;
	s0 =	simm.s32 @!p0 $0x0  }
0x12: {  	s1 =	sld [smem:$0x3F90];
	s0 =	simm.s32 @p0 $0x1  }
0x13: {  	[smem:$0x3FAB] =	sst s0;
	s0 =	simm.s32 @!p1 $0x0  }
0x14: {  	s2 =	sld [smem:$0x3F8F];
	s0 =	simm.s32 @p1 $0x1  }
0x15: {  	[smem:$0x3FAC] =	sst s0;
	s0 =	simm.s32 @!p2 $0x0  }
0x16: {  	s3 =	sld [smem:$0x3FDB];
	s0 =	simm.s32 @p2 $0x1  }
0x17: {  	s4 =	simm.s32 $0x1BF5;
	[smem:$0x3FAE] =	sst s0  }
0x18: {  	s0 =	sld [smem:$0x3F91];
	_ =	swait.ge [sflag:s4], $0x0  }
0x19: {  	s7 =	sld [smem:$0x3F92]  }
0x1a: {  	s8 =	sadd.s32 $0xFFFFE003, lr  }
0x1b: {  	s9 =	sadd.s32 $0xFFFFFEF7, lr;
	s5 =	simm.s32 $0xFFFFFFFF;
	p2 =	slt.u32 s8, $0xFFFFF086  }
0x1c: {  	p1 =	slt.u32 s9, $0xF7A;
	s5 =	simm.s32 @!p2 $0x0  }
0x1d: {  	s5 =	simm.s32 @p1 $0x1;
	p0 =	seq.s32 s7, s2  }
0x1e: {  	s7 =	smul.u32 @!p0 $0xF7A, s2;
	p2 =	seq.s32 @!p0 s5, $0x0  }
0x1f: {  	s9 =	smul.u32 $0xF7A, s1;
	s8 =	simm.s32 @!p0 $0x1BF5;
	p2 =	por !p2, p0  }
0x20: {  	[sflag:s8] =	ssyncset.s32 @!p0 $0xFFFFF086;
	s6 =	sadd.s32 @!p0 s3, s7;
	s7 =	simm.s32 @!p0 $0x108  }
0x21: {  	s3 =	sadd.s32 s3, s9;
	s6 =	sadd.s32 @!p0 $0x88, s6;
	s7 =	simm.s32 @p2 $0x1082  }
0x22: {  	[simem:s7], [sflag:s8] =	dma.local @!p0 [hbm:s6], $0xF7A  }
0x23: {  	s9 =	sor.u32 $0xD0000000, s2;
	s6 =	simm.s32 $0x108;
	_ =	swait.ge @!p0 [sflag:s8], $0x0  }
0x24: {  	s3 =	sadd.s32 $0x88, s3;
	s6 =	simm.s32 @!p1 $0x1082;
	[sflag:s4] =	ssyncset.s32 $0xFFFFF086  }
0x25: {  	[simem:s6], [sflag:s4] =	dma.local [hbm:s3], $0xF7A  }
0x26: {  	[smem:$0x3F92] =	sst s1;
	(tag) =	ssettag s2;
	_ =	strace s9  }
0x27: {  	s1 =	sld [smem:$0x3FA2]  }
0x28: {  	s2 =	sld [smem:$0x3FA3]  }
0x29: {  	s4 =	sld [smem:$0x3FA5]  }
0x2a: {  	p0 =	seq.s32 s5, $0x0;
	s5 =	sld [smem:$0x3FA6]  }
0x2b: {  	s6 =	sld [smem:$0x3FA7]  }
0x2c: {  	s7 =	sld [smem:$0x3FA8]  }
0x2d: {  	s3 =	simm.s32 $0x108;
	s8 =	sld [smem:$0x3FA9]  }
0x2e: {  	s3 =	simm.s32 @!p0 $0x1082;
	s9 =	sld [smem:$0x3FAA]  }
0x2f: {  	lr =	sadd.s32 s0, s3;
	s0 =	sld [smem:$0x3FA1]  }
0x30: {  	s3 =	sld [smem:$0x3FA4]  }
0x31: {  	[smem:$0x3FAD] =	sst s10  }
0x32: {  	s10 =	sld [smem:$0x3FAB];
	_ =	sdelay $0x3  }
0x33: {  	p0 =	seq.s32 s10, $0x1;
	s10 =	sld [smem:$0x3FAD];
	_ =	sdelay $0x3  }
0x34: {  	[smem:$0x3FAD] =	sst s10  }
0x35: {  	s10 =	sld [smem:$0x3FAC];
	_ =	sdelay $0x3  }
0x36: {  	p1 =	seq.s32 s10, $0x1;
	s10 =	sld [smem:$0x3FAD];
	_ =	sdelay $0x3  }
0x37: {  	[smem:$0x3FAD] =	sst s10  }
0x38: {  	s10 =	sld [smem:$0x3FAE]  }
0x39: {  	_ = 	snop;
	(pc) =	sbr.ind lr, $3  }
0x3a: {  	_ = 	snop  }
0x3b: {  	_ = 	snop  }
0x3c: {  	p2 =	seq.s32 s10, $0x1;
	s10 =	sld [smem:$0x3FAD]  }
0x3d: {  	_ =	shalt  }
0x3e: {  	_ =	shalt  }
0x3f: {  	_ =	shalt  }
0x40: {  	_ =	shalt  }
0x41: {  	_ =	shalt  }
0x42: {  	_ =	shalt  }
0x43: {  	_ =	shalt  }
0x44: {  	_ =	shalt  }
0x45: {  	_ =	shalt  }
0x46: {  	_ =	shalt  }
0x47: {  	_ =	shalt  }
0x48: {  	_ =	shalt  }
0x49: {  	_ =	shalt  }
0x4a: {  	_ =	shalt  }
0x4b: {  	_ =	shalt  }
0x4c: {  	_ =	shalt  }
0x4d: {  	_ =	shalt  }
0x4e: {  	_ =	shalt  }
0x4f: {  	_ =	shalt  }
0x50: {  	_ =	shalt  }
0x51: {  	_ =	shalt  }
0x52: {  	_ =	shalt  }
0x53: {  	_ =	shalt  }
0x54: {  	_ =	shalt  }
0x55: {  	_ =	shalt  }
0x56: {  	_ =	shalt  }
0x57: {  	_ =	shalt  }
0x58: {  	_ =	shalt  }
0x59: {  	_ =	shalt  }
0x5a: {  	_ =	shalt  }
0x5b: {  	_ =	shalt  }
0x5c: {  	_ =	shalt  }
0x5d: {  	_ =	shalt  }
0x5e: {  	_ =	shalt  }
0x5f: {  	_ =	shalt  }
0x60: {  	_ =	shalt  }
0x61: {  	_ =	shalt  }
0x62: {  	_ =	shalt  }
0x63: {  	_ =	shalt  }
0x64: {  	_ =	shalt  }
0x65: {  	_ =	shalt  }
0x66: {  	_ =	shalt  }
0x67: {  	_ =	shalt  }
0x68: {  	_ =	shalt  }
0x69: {  	_ =	shalt  }
0x6a: {  	_ =	shalt  }
0x6b: {  	_ =	shalt  }
0x6c: {  	_ =	shalt  }
0x6d: {  	_ =	shalt  }
0x6e: {  	_ =	shalt  }
0x6f: {  	_ =	shalt  }
0x70: {  	_ =	shalt  }
0x71: {  	_ =	shalt  }
0x72: {  	_ =	shalt  }
0x73: {  	_ =	shalt  }
0x74: {  	_ =	shalt  }
0x75: {  	_ =	shalt  }
0x76: {  	_ =	shalt  }
0x77: {  	_ =	shalt  }
0x78: {  	_ =	shalt  }
0x79: {  	_ =	shalt  }
0x7a: {  	_ =	shalt  }
0x7b: {  	_ =	shalt  }
0x7c: {  	_ =	shalt  }
0x7d: {  	_ =	shalt  }
0x7e: {  	_ =	shalt  }
0x7f: {  	_ =	shalt  }
0x80: {  	_ =	shalt  }
0x81: {  	_ =	shalt  }
0x82: {  	_ =	shalt  }
0x83: {  	_ =	shalt  }
0x84: {  	_ =	shalt  }
0x85: {  	_ =	shalt  }
0x86: {  	_ =	shalt  }
0x87: {  	_ =	shalt  }
.Lfunc_end0:
.L_simem_size_0:
called_computation.6_lowered:
.L_overlay_start_0:
0x88: {  	s2 =	sld [smem:$0x3FD9]  }
0x89: {  	s3 =	sld [smem:$0x3FFE];
	_ =	sdelay $0x1  }
0x8a: {  	s1 =	srdreg.scid  }
0x8b: {  	s0 =	sand.u32 $0x1, s1  }
0x8c: {  	s15 =	sshll.u32 s0, $0xA;
	s2 =	sadd.s32 s3, s2  }
0x8d: {  	s2 =	sadd.s32 s2, s15  }
0x8e: {  	[smem:$0x3FB9] =	sst s2  }
0x8f: {  	_ = 	snop  }
0x90: {  	s2 =	sld [smem:$0x3FD0];
	_ =	sdelay $0x2  }
0x91: {  	s16 =	simm.s32 $0xF;
	s4 =	simm.s32 $0x10  }
0x92: {  	[smem:s4], [sflag:s16] =	dma.local [hbm:s2], $0x1  }
0x93: {  	_ =	swait.eq [sflag:s16], $0x1  }
0x94: {  	[sflag:s16] =	ssyncset.done $0x0  }
0x95: {  	[sflag:s16] =	ssyncadd.s32 $0xFFFFFFFF  }
0x96: {  	s17 =	sld [smem:$0x10];
	(tm) =	ssettm $0x1  }
0x97: {  	s18 =	sld [smem:$0x3FFB];
	_ =	sdelay $0x3  }
0x98: {  	_ =	strace s18  }
0x99: {  	s2 =	sld [smem:$0x3FFC];
	_ =	sdelay $0x3  }
0x9a: {  	_ =	strace s2  }
0x9b: {  	s2 =	sld [smem:$0x3FFD];
	_ =	sdelay $0x3  }
0x9c: {  	_ =	strace s2  }
0x9d: {  	_ =	strace $0x8FFFFFFF  }
0x9e: {  	s19 =	sld [smem:$0x3FDB];
	_ =	sdelay $0x1  }
0x9f: {  	s20 =	simm.s32 $_scs_section_size  }
0xa0: {  	s5 =	simm.s32 $_size__tile_overlayer_lowered;
	s6 =	simm.s32 $_tile_overlayer_lowered  }
0xa1: {  	s7 =	simm.s32 $0x1BFF;
	s21 =	sshll.u32 s6, $0x1;
	s4 =	sadd.s32 s20, s19  }
0xa2: {  	s22 =	simm.s32 $0x0;
	s5 =	sshll.u32 s5, $0x1;
	s6 =	sadd.s32 s21, s4  }
0xa3: {  	[timem:s22], [sflag:s7] =	dma.local [hbm:s6], s5  }
0xa4: {  	_ =	swait.ge [sflag:s7], s5  }
0xa5: {  	s5 =	ssub.s32 $0x0, s5;
	[sflag:s7] =	ssyncset.done $0x0  }
0xa6: {  	[sflag:s7] =	ssyncadd.s32 s5;
	_ =	sdelay $0x1  }
0xa7: {  	s23 =	simm.s32 $0x1B8B  }
0xa8: {  	_ =	swait.ge [sflag:s23], $0x1  }
0xa9: {  	[sflag:s23] =	ssyncset.done $0x0  }
0xaa: {  	[sflag:s23] =	ssyncadd.s32 $0xFFFFFFFF  }
0xab: {  	s5 =	sld [smem:$0x0]  }
0xac: {  	s6 =	sand.u32 $0xFFFFFFFE, s1  }
0xad: {  	p0 =	sne.s32 s1, s6  }
0xae: {  	s6 =	sshll.u32 @p0 s6, $0xE  }
0xaf: {  	s6 =	sadd.s32 @p0 $0x11B8D, s6;
	s7 =	sshll.u32 @p0 s5, $0x11  }
0xb0: {  	s6 =	sor.u32 @p0 s7, s6  }
0xb1: {  	[sflag:s6] =	ssyncadd.remote.s32 @p0 $0x1;
	_ =	sdelay $0x1  }
0xb2: {  	s6 =	simm.s32 @p0 $0x1B8D  }
0xb3: {  	_ =	swait.eq @p0 [sflag:s6], $0x1  }
0xb4: {  	[sflag:s6] =	ssyncadd.s32 @p0 $0xFFFFFFFF  }
0xb5: {  	s7 =	sshll.u32 @!p0 s1, $0xE  }
0xb6: {  	s7 =	sor.u32 @!p0 $0x4000, s7;
	s6 =	simm.s32 @!p0 $0x1B8D  }
0xb7: {  	s5 =	sshll.u32 @!p0 s5, $0x11;
	s7 =	sadd.s32 @!p0 $0x11B8D, s7;
	_ =	swait.eq @!p0 [sflag:s6], $0x1  }
0xb8: {  	s5 =	sor.u32 @!p0 s5, s7;
	[sflag:s6] =	ssyncadd.s32 @!p0 $0xFFFFFFFF  }
0xb9: {  	s25 =	simm.s32 $0x1B8E;
	s24 =	sld [smem:$0x3FFE];
	[sflag:s5] =	ssyncadd.remote.s32 @!p0 $0x1  }
0xba: {  	s26 =	simm.s32 $execute0_lowered;
	[smem:$0x3FD2] =	sst s25  }
0xbb: {  	s6 =	sshll.u32 s26, $0x1;
	_ =	strace $0x80000058;
	[dreg:$0x1] =	wrdreg $0xFFFFFFFF  }
0xbc: {  	s28 =	simm.s32 $_size_execute0_lowered;
	s4 =	sadd.s32 s4, s6;
	[dreg:$0x0] =	wrdreg $0x0  }
0xbd: {  	s6 =	sshll.u32 s28, $0x1;
	[dreg:$0x2] =	wrdreg s4  }
0xbe: {  	[dreg:$0x3] =	wrdreg s6  }
0xbf: {  	[dreg:$0x4] =	wrdreg $0xC0  }
0xc0: {  	_ =	task [dreg:s22], $0x5FFFF  }
0xc1: {  	[dreg:$0x1] =	wrdreg $0xFFFFFFFF  }
0xc2: {  	[dreg:$0x0] =	wrdreg $0x60  }
0xc3: {  	[dreg:$0x2] =	wrdreg s17  }
0xc4: {  	[dreg:$0x3] =	wrdreg s24  }
0xc5: {  	[dreg:$0x4] =	wrdreg $0xC  }
0xc6: {  	_ =	task.clear_ibuf [dreg:s22], $0x5FFFF;
	_ =	strace $0x90000058  }
0xc7: {  	s29 =	simm.s32 $0xC;
	_ =	strace $0x8000005A  }
0xc8: {  	_ =	swait.ge [sflag:s29], $0x1  }
0xc9: {  	[sflag:s29] =	ssyncadd.s32 $0xFFFFFFFF  }
0xca: {  	_ =	strace $0x9000005A  }
0xcb: {  	_ =	sfence  }
0xcc: {  	s30 =	sld [smem:$0x0];
	_ =	sdelay $0x2  }
0xcd: {  	s31 =	sshll.u32 s1, $0xD;
	s1 =	sshrl.u32 s1, $0x2  }
0xce: {  	s4 =	sand.u32 $0x4000, s31;
	s1 =	sadd.s32 s1, s30  }
0xcf: {  	s0 =	sor.u32 s4, s0;
	s1 =	sshll.u32 s1, $0x11  }
0xd0: {  	s0 =	sor.u32 s1, s0  }
0xd1: {  	s0 =	sadd.s32 $0x8F2B, s0  }
0xd2: {  	[sflag:s0] =	ssyncadd.remote.s32 $0x1  }
0xd3: {  	_ =	sfence.sel $0xFFFF  }
0xd4: {  	[dreg:$0x0] =	wrdreg $0xFFFFFFFF;
	(pc) =	sbr.abs _section_cstart, $3  }
0xd5: {  	[dreg:$0x1] =	wrdreg $0xFFFFFFFF  }
0xd6: {  	_ =	task.clear_ibuf [dreg:s22], $0x2FFFF;
	_ =	strace $0x9FFFFFFF  }
0xd7: {  	(tm) =	ssettm $0x7FFFFFFF  }
tec
execute0_lowered:
.L_overlay_start_1:
0x0: {  	(tag) =	ssettag $0x1  }
0x1: {  	s1 =	srdreg.scid  }
0x2: {  	s0 =	stileid.u32;
	s2 =	rddreg [dreg:$0x0]  }
0x3: {  	s6 =	rddreg [dreg:$0x1];
	s4 =	sand.u32 $0x1, s1;
	s5 =	smul.u32 $0x2800, s0  }
0x4: {  	s3 =	simm.s32 $0x0;
	s9 =	simm.s32 $0x1;
	s7 =	smul.u32 $0x1400, s4  }
0x5: {  	s10 =	simm.s32 $0x0;
	s1 =	rddreg [dreg:$0x2];
	s4 =	ssub.s32 $0x2, s4  }
0x6: {  	[smem:$0x7FF] =	sst s3;
	s30 =	sshrl.u32 s4, $0x1;
	s5 =	sadd.s32 s7, s5  }
0x7: {  	_ =	strace $0x80000059;
	s4 =	ssub.s32 s4, s30;
	s5 =	smin.u32 s5, $0x25D00  }
0x8: {  	s7 =	simm.s32 $0x2;
	s8 =	sshrl.u32 s5, $0x3;
	s5 =	sshll.u32 s5, $0x4  }
0x9: {  	s4 =	smax.u32 s4, $0x1;
	s31 =	sadd.s32 s8, s6;
	s5 =	sadd.s32 s5, s6  }
0xa: {  	s8 =	simm.s32 $0x80;
	s5 =	sadd.s32 $0x60200, s5;
	s6 =	sadd.s32 $0x1A400, s31  }
.LBB2_1:
0xb: {  	s11 =	sadd.s32 $0x0, s6  }
0xc: {  	[tilespmem:s3], [sflag:$0x2] =	stream.linear.gather [hbm4b:s11+s3], $0x80, $0x38;
	[tilespmem:$0x4080] =	vst v63  }
0xd: {  	_ =	swait.ge [sflag:s7], $0x80  }
0xe: {  	[sflag:s7] =	ssyncset.done $0x0  }
0xf: {  	[sflag:s7] =	ssyncadd.s32 $0xFFFFFF80  }
0x10: {  	[tilespmem:s8], [sflag:$0x1] =	stream.indirect.gather [hbm4b:s2+s8], $0x80, s3, s8, $0xb8;
	[tilespmem:$0x4080] =	vst v63  }
0x11: {  	_ =	swait.ge [sflag:s9], $0x4000  }
0x12: {  	[sflag:s9] =	ssyncset.done $0x0  }
0x13: {  	[sflag:s9] =	ssyncadd.s32 $0xFFFFC000  }
0x14: {  	[hbm4b:s5+s3] =	stream.linear.scatter [tilespmem:s8], [sflag:$0x2], $0x4000, $0x38;
	[tilespmem:$0x4080] =	vst v63  }
0x15: {  	s12 =	simm.s32 $0x10;
	_ =	swait.ge [sflag:s7], $0x4000  }
0x16: {  	s13 =	simm.s32 $0x20;
	s11 =	sadd.s32 $0x800, s5;
	[sflag:s7] =	ssyncset.done $0x0  }
.LBB2_2:
0x17: {  	s14 =	sadd.s32 s12, s6  }
0x18: {  	[sflag:s7] =	ssyncadd.s32 $0xFFFFC000;
	s12 =	smov.u32 s13;
	s15 =	sadd.s32 $0x10, s13  }
0x19: {  	[tilespmem:s3], [sflag:$0x2] =	stream.linear.gather [hbm4b:s14+s3], $0x80, $0x38;
	[tilespmem:$0x4080] =	vst v63  }
0x1a: {  	p0 =	sne.s32 s13, $0x270;
	_ =	swait.ge [sflag:s7], $0x80  }
0x1b: {  	[sflag:s7] =	ssyncset.done $0x0  }
0x1c: {  	[sflag:s7] =	ssyncadd.s32 $0xFFFFFF80  }
0x1d: {  	[tilespmem:s8], [sflag:$0x1] =	stream.indirect.gather [hbm4b:s2+s8], $0x80, s3, s8, $0xb8;
	[tilespmem:$0x4080] =	vst v63  }
0x1e: {  	_ =	swait.ge [sflag:s9], $0x4000  }
.Ltmp0:
0x1f: {  	[sflag:s9] =	ssyncset.done $0x0;
	(pc) =	sbr.rel @p0 .LBB2_2-.Ltmp0, $4  }
0x20: {  	[sflag:s9] =	ssyncadd.s32 $0xFFFFC000  }
0x21: {  	[hbm4b:s11+s3] =	stream.linear.scatter [tilespmem:s8], [sflag:$0x2], $0x4000, $0x38;
	[tilespmem:$0x4080] =	vst v63  }
0x22: {  	_ =	swait.ge [sflag:s7], $0x4000  }
0x23: {  	s13 =	smov.u32 s15;
	s11 =	sadd.s32 $0x800, s11;
	[sflag:s7] =	ssyncset.done $0x0  }
0x24: {  	s12 =	sadd.s32 s12, s6;
	[sflag:s7] =	ssyncadd.s32 $0xFFFFC000  }
0x25: {  	[tilespmem:s3], [sflag:$0x2] =	stream.linear.gather [hbm4b:s12+s3], $0x80, $0x38;
	[tilespmem:$0x4080] =	vst v63  }
0x26: {  	_ =	swait.ge [sflag:s7], $0x80  }
0x27: {  	[sflag:s7] =	ssyncset.done $0x0  }
0x28: {  	[sflag:s7] =	ssyncadd.s32 $0xFFFFFF80  }
0x29: {  	[tilespmem:s8], [sflag:$0x1] =	stream.indirect.gather [hbm4b:s2+s8], $0x80, s3, s8, $0xb8;
	[tilespmem:$0x4080] =	vst v63  }
0x2a: {  	s10 =	sadd.s32 $0x1, s10;
	_ =	swait.ge [sflag:s9], $0x4000  }
0x2b: {  	p0 =	sne.s32 s10, s4;
	[sflag:s9] =	ssyncset.done $0x0  }
.Ltmp1:
0x2c: {  	[sflag:s9] =	ssyncadd.s32 $0xFFFFC000;
	(pc) =	sbr.rel @p0 .LBB2_1-.Ltmp1, $4  }
0x2d: {  	[hbm4b:s11+s3] =	stream.linear.scatter [tilespmem:s8], [sflag:$0x2], $0x4000, $0x38;
	[tilespmem:$0x4080] =	vst v63  }
0x2e: {  	_ =	swait.ge [sflag:s7], $0x4000  }
0x2f: {  	[sflag:s7] =	ssyncset.done $0x0  }
0x30: {  	[sflag:s7] =	ssyncadd.s32 $0xFFFFC000  }
0x31: {  	_ =	sfence.sel $0x180000  }
0x32: {  	[bflag:$0x0] =	sbarrier.arrive $0xFFFF  }
0x33: {  	p0 =	sne.s32 s0, $0x0;
	_ =	strace $0x90000059  }
0x34: {  	s0 =	sadd.s32 @!p0 $0x100000, s1;
	[bflag:$0x2] =	sbarrier.arrive $0xFFFF  }
0x35: {  	[sflag:s0] =	ssyncadd.tile.s32 @!p0 $0x1;
	_ =	shalt  }
.Lfunc_end2:
_tile_overlayer_lowered:
.L_overlay_start_2:
0x36: {  	(tag) =	ssettag $0x2  }
0x37: {  	s0 =	rddreg [dreg:$0x0];
	s2 =	stileid.u32  }
0x38: {  	s1 =	rddreg [dreg:$0x1];
	p0 =	sne.s32 s2, $0x0  }
0x39: {  	s3 =	rddreg [dreg:$0x2];
	[bflag:$0x3] =	sbarrier.arrive $0xFFFF;
	s2 =	simm.s32 @!p0 $0x1C02  }
0x3a: {  	[timem:s3], [sflag:s2] =	dma.local @!p0 [hbm:s0], s1  }
0x3b: {  	s0 =	simm.s32 @!p0 $0x2  }
0x3c: {  	_ =	swait.ge @!p0 [sflag:s0], s1  }
0x3d: {  	s1 =	ssub.s32 @!p0 $0x0, s1;
	[sflag:s0] =	ssyncset.done @!p0 $0x0  }
0x3e: {  	[sflag:s0] =	ssyncadd.s32 @!p0 s1  }
0x3f: {  	[bflag:$0x3] =	sbarrier.arrive $0xFFFF  }
0x40: {  	_ =	shalt  }

// kernel: kernel.13.cloned.1.call-start
scs
__scs_entry_jumppad:
0x0: {  	(pc) =	sbr.rel $0x88, $3  }
0x1: {  	(tag) =	ssettag $0x0;
	lr =	simm.s32 $0x1  }
0x2: {  	[smem:$0x3F92] =	sst lr;
	_ =	strace $0xD0000000  }
0x3: {  	_ = 	snop  }
0x4: {  	_ = 	snop  }
0x5: {  	_ = 	snop  }
0x6: {  	_ = 	snop  }
0x7: {  	_ = 	snop  }
__scs_overlays_trampoline_lowered:
0x8: {  	[smem:$0x3FA1] =	sst s0  }
0x9: {  	[smem:$0x3FA2] =	sst s1  }
0xa: {  	[smem:$0x3FA3] =	sst s2  }
0xb: {  	[smem:$0x3FA4] =	sst s3  }
0xc: {  	[smem:$0x3FA5] =	sst s4  }
0xd: {  	[smem:$0x3FA6] =	sst s5  }
0xe: {  	[smem:$0x3FA7] =	sst s6  }
0xf: {  	[smem:$0x3FA8] =	sst s7  }
0x10: {  	[smem:$0x3FA9] =	sst s8  }
0x11: {  	[smem:$0x3FAA] =	sst s9;
	s0 =	simm.s32 @!p0 $0x0  }
0x12: {  	s1 =	sld [smem:$0x3F90];
	s0 =	simm.s32 @p0 $0x1  }
0x13: {  	[smem:$0x3FAB] =	sst s0;
	s0 =	simm.s32 @!p1 $0x0  }
0x14: {  	s2 =	sld [smem:$0x3F8F];
	s0 =	simm.s32 @p1 $0x1  }
0x15: {  	[smem:$0x3FAC] =	sst s0;
	s0 =	simm.s32 @!p2 $0x0  }
0x16: {  	s3 =	sld [smem:$0x3FDB];
	s0 =	simm.s32 @p2 $0x1  }
0x17: {  	s4 =	simm.s32 $0x1BF5;
	[smem:$0x3FAE] =	sst s0  }
0x18: {  	s0 =	sld [smem:$0x3F91];
	_ =	swait.ge [sflag:s4], $0x0  }
0x19: {  	s7 =	sld [smem:$0x3F92]  }
0x1a: {  	s8 =	sadd.s32 $0xFFFFE003, lr  }
0x1b: {  	s9 =	sadd.s32 $0xFFFFFEF7, lr;
	s5 =	simm.s32 $0xFFFFFFFF;
	p2 =	slt.u32 s8, $0xFFFFF086  }
0x1c: {  	p1 =	slt.u32 s9, $0xF7A;
	s5 =	simm.s32 @!p2 $0x0  }
0x1d: {  	s5 =	simm.s32 @p1 $0x1;
	p0 =	seq.s32 s7, s2  }
0x1e: {  	s7 =	smul.u32 @!p0 $0xF7A, s2;
	p2 =	seq.s32 @!p0 s5, $0x0  }
0x1f: {  	s9 =	smul.u32 $0xF7A, s1;
	s8 =	simm.s32 @!p0 $0x1BF5;
	p2 =	por !p2, p0  }
0x20: {  	[sflag:s8] =	ssyncset.s32 @!p0 $0xFFFFF086;
	s6 =	sadd.s32 @!p0 s3, s7;
	s7 =	simm.s32 @!p0 $0x108  }
0x21: {  	s3 =	sadd.s32 s3, s9;
	s6 =	sadd.s32 @!p0 $0x88, s6;
	s7 =	simm.s32 @p2 $0x1082  }
0x22: {  	[simem:s7], [sflag:s8] =	dma.local @!p0 [hbm:s6], $0xF7A  }
0x23: {  	s9 =	sor.u32 $0xD0000000, s2;
	s6 =	simm.s32 $0x108;
	_ =	swait.ge @!p0 [sflag:s8], $0x0  }
0x24: {  	s3 =	sadd.s32 $0x88, s3;
	s6 =	simm.s32 @!p1 $0x1082;
	[sflag:s4] =	ssyncset.s32 $0xFFFFF086  }
0x25: {  	[simem:s6], [sflag:s4] =	dma.local [hbm:s3], $0xF7A  }
0x26: {  	[smem:$0x3F92] =	sst s1;
	(tag) =	ssettag s2;
	_ =	strace s9  }
0x27: {  	s1 =	sld [smem:$0x3FA2]  }
0x28: {  	s2 =	sld [smem:$0x3FA3]  }
0x29: {  	s4 =	sld [smem:$0x3FA5]  }
0x2a: {  	p0 =	seq.s32 s5, $0x0;
	s5 =	sld [smem:$0x3FA6]  }
0x2b: {  	s6 =	sld [smem:$0x3FA7]  }
0x2c: {  	s7 =	sld [smem:$0x3FA8]  }
0x2d: {  	s3 =	simm.s32 $0x108;
	s8 =	sld [smem:$0x3FA9]  }
0x2e: {  	s3 =	simm.s32 @!p0 $0x1082;
	s9 =	sld [smem:$0x3FAA]  }
0x2f: {  	lr =	sadd.s32 s0, s3;
	s0 =	sld [smem:$0x3FA1]  }
0x30: {  	s3 =	sld [smem:$0x3FA4]  }
0x31: {  	[smem:$0x3FAD] =	sst s10  }
0x32: {  	s10 =	sld [smem:$0x3FAB];
	_ =	sdelay $0x3  }
0x33: {  	p0 =	seq.s32 s10, $0x1;
	s10 =	sld [smem:$0x3FAD];
	_ =	sdelay $0x3  }
0x34: {  	[smem:$0x3FAD] =	sst s10  }
0x35: {  	s10 =	sld [smem:$0x3FAC];
	_ =	sdelay $0x3  }
0x36: {  	p1 =	seq.s32 s10, $0x1;
	s10 =	sld [smem:$0x3FAD];
	_ =	sdelay $0x3  }
0x37: {  	[smem:$0x3FAD] =	sst s10  }
0x38: {  	s10 =	sld [smem:$0x3FAE]  }
0x39: {  	_ = 	snop;
	(pc) =	sbr.ind lr, $3  }
0x3a: {  	_ = 	snop  }
0x3b: {  	_ = 	snop  }
0x3c: {  	p2 =	seq.s32 s10, $0x1;
	s10 =	sld [smem:$0x3FAD]  }
0x3d: {  	_ =	shalt  }
0x3e: {  	_ =	shalt  }
0x3f: {  	_ =	shalt  }
0x40: {  	_ =	shalt  }
0x41: {  	_ =	shalt  }
0x42: {  	_ =	shalt  }
0x43: {  	_ =	shalt  }
0x44: {  	_ =	shalt  }
0x45: {  	_ =	shalt  }
0x46: {  	_ =	shalt  }
0x47: {  	_ =	shalt  }
0x48: {  	_ =	shalt  }
0x49: {  	_ =	shalt  }
0x4a: {  	_ =	shalt  }
0x4b: {  	_ =	shalt  }
0x4c: {  	_ =	shalt  }
0x4d: {  	_ =	shalt  }
0x4e: {  	_ =	shalt  }
0x4f: {  	_ =	shalt  }
0x50: {  	_ =	shalt  }
0x51: {  	_ =	shalt  }
0x52: {  	_ =	shalt  }
0x53: {  	_ =	shalt  }
0x54: {  	_ =	shalt  }
0x55: {  	_ =	shalt  }
0x56: {  	_ =	shalt  }
0x57: {  	_ =	shalt  }
0x58: {  	_ =	shalt  }
0x59: {  	_ =	shalt  }
0x5a: {  	_ =	shalt  }
0x5b: {  	_ =	shalt  }
0x5c: {  	_ =	shalt  }
0x5d: {  	_ =	shalt  }
0x5e: {  	_ =	shalt  }
0x5f: {  	_ =	shalt  }
0x60: {  	_ =	shalt  }
0x61: {  	_ =	shalt  }
0x62: {  	_ =	shalt  }
0x63: {  	_ =	shalt  }
0x64: {  	_ =	shalt  }
0x65: {  	_ =	shalt  }
0x66: {  	_ =	shalt  }
0x67: {  	_ =	shalt  }
0x68: {  	_ =	shalt  }
0x69: {  	_ =	shalt  }
0x6a: {  	_ =	shalt  }
0x6b: {  	_ =	shalt  }
0x6c: {  	_ =	shalt  }
0x6d: {  	_ =	shalt  }
0x6e: {  	_ =	shalt  }
0x6f: {  	_ =	shalt  }
0x70: {  	_ =	shalt  }
0x71: {  	_ =	shalt  }
0x72: {  	_ =	shalt  }
0x73: {  	_ =	shalt  }
0x74: {  	_ =	shalt  }
0x75: {  	_ =	shalt  }
0x76: {  	_ =	shalt  }
0x77: {  	_ =	shalt  }
0x78: {  	_ =	shalt  }
0x79: {  	_ =	shalt  }
0x7a: {  	_ =	shalt  }
0x7b: {  	_ =	shalt  }
0x7c: {  	_ =	shalt  }
0x7d: {  	_ =	shalt  }
0x7e: {  	_ =	shalt  }
0x7f: {  	_ =	shalt  }
0x80: {  	_ =	shalt  }
0x81: {  	_ =	shalt  }
0x82: {  	_ =	shalt  }
0x83: {  	_ =	shalt  }
0x84: {  	_ =	shalt  }
0x85: {  	_ =	shalt  }
0x86: {  	_ =	shalt  }
0x87: {  	_ =	shalt  }
.Lfunc_end0:
.L_simem_size_0:
called_computation.7_lowered:
.L_overlay_start_0:
0x88: {  	s2 =	sld [smem:$0x3FD9]  }
0x89: {  	s3 =	sld [smem:$0x3FFE];
	_ =	sdelay $0x1  }
0x8a: {  	s1 =	srdreg.scid  }
0x8b: {  	s0 =	sand.u32 $0x1, s1  }
0x8c: {  	s15 =	sshll.u32 s0, $0xA;
	s2 =	sadd.s32 s3, s2  }
0x8d: {  	s2 =	sadd.s32 s2, s15  }
0x8e: {  	[smem:$0x3FB9] =	sst s2  }
0x8f: {  	_ = 	snop  }
0x90: {  	s2 =	sld [smem:$0x3FD0];
	_ =	sdelay $0x2  }
0x91: {  	s16 =	simm.s32 $0xF;
	s4 =	simm.s32 $0x10  }
0x92: {  	[smem:s4], [sflag:s16] =	dma.local [hbm:s2], $0x1  }
0x93: {  	_ =	swait.eq [sflag:s16], $0x1  }
0x94: {  	[sflag:s16] =	ssyncset.done $0x0  }
0x95: {  	[sflag:s16] =	ssyncadd.s32 $0xFFFFFFFF  }
0x96: {  	s17 =	sld [smem:$0x11];
	(tm) =	ssettm $0x1  }
0x97: {  	s18 =	sld [smem:$0x3FFB];
	_ =	sdelay $0x3  }
0x98: {  	_ =	strace s18  }
0x99: {  	s2 =	sld [smem:$0x3FFC];
	_ =	sdelay $0x3  }
0x9a: {  	_ =	strace s2  }
0x9b: {  	s2 =	sld [smem:$0x3FFD];
	_ =	sdelay $0x3  }
0x9c: {  	_ =	strace s2  }
0x9d: {  	_ =	strace $0x8FFFFFFF  }
0x9e: {  	s19 =	sld [smem:$0x3FDB];
	_ =	sdelay $0x1  }
0x9f: {  	s20 =	simm.s32 $_scs_section_size  }
0xa0: {  	s5 =	simm.s32 $_size__tile_overlayer_lowered;
	s6 =	simm.s32 $_tile_overlayer_lowered  }
0xa1: {  	s7 =	simm.s32 $0x1BFF;
	s21 =	sshll.u32 s6, $0x1;
	s4 =	sadd.s32 s20, s19  }
0xa2: {  	s22 =	simm.s32 $0x0;
	s5 =	sshll.u32 s5, $0x1;
	s6 =	sadd.s32 s21, s4  }
0xa3: {  	[timem:s22], [sflag:s7] =	dma.local [hbm:s6], s5  }
0xa4: {  	_ =	swait.ge [sflag:s7], s5  }
0xa5: {  	s5 =	ssub.s32 $0x0, s5;
	[sflag:s7] =	ssyncset.done $0x0  }
0xa6: {  	[sflag:s7] =	ssyncadd.s32 s5;
	_ =	sdelay $0x1  }
0xa7: {  	s23 =	simm.s32 $0x1B8B  }
0xa8: {  	_ =	swait.ge [sflag:s23], $0x1  }
0xa9: {  	[sflag:s23] =	ssyncset.done $0x0  }
0xaa: {  	[sflag:s23] =	ssyncadd.s32 $0xFFFFFFFF  }
0xab: {  	s5 =	sld [smem:$0x0]  }
0xac: {  	s6 =	sand.u32 $0xFFFFFFFE, s1  }
0xad: {  	p0 =	sne.s32 s1, s6  }
0xae: {  	s6 =	sshll.u32 @p0 s6, $0xE  }
0xaf: {  	s6 =	sadd.s32 @p0 $0x11B8D, s6;
	s7 =	sshll.u32 @p0 s5, $0x11  }
0xb0: {  	s6 =	sor.u32 @p0 s7, s6  }
0xb1: {  	[sflag:s6] =	ssyncadd.remote.s32 @p0 $0x1;
	_ =	sdelay $0x1  }
0xb2: {  	s6 =	simm.s32 @p0 $0x1B8D  }
0xb3: {  	_ =	swait.eq @p0 [sflag:s6], $0x1  }
0xb4: {  	[sflag:s6] =	ssyncadd.s32 @p0 $0xFFFFFFFF  }
0xb5: {  	s7 =	sshll.u32 @!p0 s1, $0xE  }
0xb6: {  	s7 =	sor.u32 @!p0 $0x4000, s7;
	s6 =	simm.s32 @!p0 $0x1B8D  }
0xb7: {  	s5 =	sshll.u32 @!p0 s5, $0x11;
	s7 =	sadd.s32 @!p0 $0x11B8D, s7;
	_ =	swait.eq @!p0 [sflag:s6], $0x1  }
0xb8: {  	s5 =	sor.u32 @!p0 s5, s7;
	[sflag:s6] =	ssyncadd.s32 @!p0 $0xFFFFFFFF  }
0xb9: {  	s25 =	simm.s32 $0x1B8E;
	s24 =	sld [smem:$0x3FFE];
	[sflag:s5] =	ssyncadd.remote.s32 @!p0 $0x1  }
0xba: {  	s26 =	simm.s32 $execute0_lowered;
	[smem:$0x3FD2] =	sst s25  }
0xbb: {  	s6 =	sshll.u32 s26, $0x1;
	_ =	strace $0x8000005B;
	[dreg:$0x1] =	wrdreg $0xFFFFFFFF  }
0xbc: {  	s28 =	simm.s32 $_size_execute0_lowered;
	s4 =	sadd.s32 s4, s6;
	[dreg:$0x0] =	wrdreg $0x0  }
0xbd: {  	s6 =	sshll.u32 s28, $0x1;
	[dreg:$0x2] =	wrdreg s4  }
0xbe: {  	[dreg:$0x3] =	wrdreg s6  }
0xbf: {  	[dreg:$0x4] =	wrdreg $0xC0  }
0xc0: {  	_ =	task [dreg:s22], $0x5FFFF  }
0xc1: {  	[dreg:$0x1] =	wrdreg $0xFFFFFFFF  }
0xc2: {  	[dreg:$0x0] =	wrdreg $0x60  }
0xc3: {  	[dreg:$0x2] =	wrdreg s17  }
0xc4: {  	[dreg:$0x3] =	wrdreg s24  }
0xc5: {  	[dreg:$0x4] =	wrdreg $0xD  }
0xc6: {  	_ =	task.clear_ibuf [dreg:s22], $0x5FFFF;
	_ =	strace $0x9000005B  }
0xc7: {  	s29 =	simm.s32 $0xD;
	_ =	strace $0x8000005D  }
0xc8: {  	_ =	swait.ge [sflag:s29], $0x1  }
0xc9: {  	[sflag:s29] =	ssyncadd.s32 $0xFFFFFFFF  }
0xca: {  	_ =	strace $0x9000005D  }
0xcb: {  	_ =	sfence  }
0xcc: {  	s30 =	sld [smem:$0x0];
	_ =	sdelay $0x2  }
0xcd: {  	s31 =	sshll.u32 s1, $0xD;
	s1 =	sshrl.u32 s1, $0x2  }
0xce: {  	s4 =	sand.u32 $0x4000, s31;
	s1 =	sadd.s32 s1, s30  }
0xcf: {  	s0 =	sor.u32 s4, s0;
	s1 =	sshll.u32 s1, $0x11  }
0xd0: {  	s0 =	sor.u32 s1, s0  }
0xd1: {  	s0 =	sadd.s32 $0x8F2B, s0  }
0xd2: {  	[sflag:s0] =	ssyncadd.remote.s32 $0x1  }
0xd3: {  	_ =	sfence.sel $0xFFFF  }
0xd4: {  	[dreg:$0x0] =	wrdreg $0xFFFFFFFF;
	(pc) =	sbr.abs _section_cstart, $3  }
0xd5: {  	[dreg:$0x1] =	wrdreg $0xFFFFFFFF  }
0xd6: {  	_ =	task.clear_ibuf [dreg:s22], $0x2FFFF;
	_ =	strace $0x9FFFFFFF  }
0xd7: {  	(tm) =	ssettm $0x7FFFFFFF  }
tec
execute0_lowered:
.L_overlay_start_1:
0x0: {  	(tag) =	ssettag $0x1  }
0x1: {  	s1 =	srdreg.scid  }
0x2: {  	s0 =	stileid.u32;
	s2 =	rddreg [dreg:$0x0]  }
0x3: {  	s6 =	rddreg [dreg:$0x1];
	s4 =	sand.u32 $0x1, s1;
	s5 =	smul.u32 $0x2800, s0  }
0x4: {  	s3 =	simm.s32 $0x0;
	s9 =	simm.s32 $0x1;
	s7 =	smul.u32 $0x1400, s4  }
0x5: {  	s10 =	simm.s32 $0x0;
	s1 =	rddreg [dreg:$0x2];
	s4 =	ssub.s32 $0x2, s4  }
0x6: {  	[smem:$0x7FF] =	sst s3;
	s30 =	sshrl.u32 s4, $0x1;
	s5 =	sadd.s32 s7, s5  }
0x7: {  	_ =	strace $0x8000005C;
	s4 =	ssub.s32 s4, s30;
	s5 =	smin.u32 s5, $0x25D00  }
0x8: {  	s7 =	simm.s32 $0x2;
	s8 =	sshrl.u32 s5, $0x3;
	s5 =	sshll.u32 s5, $0x4  }
0x9: {  	s4 =	smax.u32 s4, $0x1;
	s31 =	sadd.s32 s8, s6;
	s5 =	sadd.s32 s5, s6  }
0xa: {  	s8 =	simm.s32 $0x80;
	s5 =	sadd.s32 $0x2D1200, s5;
	s6 =	sadd.s32 $0x15400, s31  }
.LBB2_1:
0xb: {  	s11 =	sadd.s32 $0x0, s6  }
0xc: {  	[tilespmem:s3], [sflag:$0x2] =	stream.linear.gather [hbm4b:s11+s3], $0x80, $0x38;
	[tilespmem:$0x4080] =	vst v63  }
0xd: {  	_ =	swait.ge [sflag:s7], $0x80  }
0xe: {  	[sflag:s7] =	ssyncset.done $0x0  }
0xf: {  	[sflag:s7] =	ssyncadd.s32 $0xFFFFFF80  }
0x10: {  	[tilespmem:s8], [sflag:$0x1] =	stream.indirect.gather [hbm4b:s2+s8], $0x80, s3, s8, $0xb8;
	[tilespmem:$0x4080] =	vst v63  }
0x11: {  	_ =	swait.ge [sflag:s9], $0x4000  }
0x12: {  	[sflag:s9] =	ssyncset.done $0x0  }
0x13: {  	[sflag:s9] =	ssyncadd.s32 $0xFFFFC000  }
0x14: {  	[hbm4b:s5+s3] =	stream.linear.scatter [tilespmem:s8], [sflag:$0x2], $0x4000, $0x38;
	[tilespmem:$0x4080] =	vst v63  }
0x15: {  	s12 =	simm.s32 $0x10;
	_ =	swait.ge [sflag:s7], $0x4000  }
0x16: {  	s13 =	simm.s32 $0x20;
	s11 =	sadd.s32 $0x800, s5;
	[sflag:s7] =	ssyncset.done $0x0  }
.LBB2_2:
0x17: {  	s14 =	sadd.s32 s12, s6  }
0x18: {  	[sflag:s7] =	ssyncadd.s32 $0xFFFFC000;
	s12 =	smov.u32 s13;
	s15 =	sadd.s32 $0x10, s13  }
0x19: {  	[tilespmem:s3], [sflag:$0x2] =	stream.linear.gather [hbm4b:s14+s3], $0x80, $0x38;
	[tilespmem:$0x4080] =	vst v63  }
0x1a: {  	p0 =	sne.s32 s13, $0x270;
	_ =	swait.ge [sflag:s7], $0x80  }
0x1b: {  	[sflag:s7] =	ssyncset.done $0x0  }
0x1c: {  	[sflag:s7] =	ssyncadd.s32 $0xFFFFFF80  }
0x1d: {  	[tilespmem:s8], [sflag:$0x1] =	stream.indirect.gather [hbm4b:s2+s8], $0x80, s3, s8, $0xb8;
	[tilespmem:$0x4080] =	vst v63  }
0x1e: {  	_ =	swait.ge [sflag:s9], $0x4000  }
.Ltmp0:
0x1f: {  	[sflag:s9] =	ssyncset.done $0x0;
	(pc) =	sbr.rel @p0 .LBB2_2-.Ltmp0, $4  }
0x20: {  	[sflag:s9] =	ssyncadd.s32 $0xFFFFC000  }
0x21: {  	[hbm4b:s11+s3] =	stream.linear.scatter [tilespmem:s8], [sflag:$0x2], $0x4000, $0x38;
	[tilespmem:$0x4080] =	vst v63  }
0x22: {  	_ =	swait.ge [sflag:s7], $0x4000  }
0x23: {  	s13 =	smov.u32 s15;
	s11 =	sadd.s32 $0x800, s11;
	[sflag:s7] =	ssyncset.done $0x0  }
0x24: {  	s12 =	sadd.s32 s12, s6;
	[sflag:s7] =	ssyncadd.s32 $0xFFFFC000  }
0x25: {  	[tilespmem:s3], [sflag:$0x2] =	stream.linear.gather [hbm4b:s12+s3], $0x80, $0x38;
	[tilespmem:$0x4080] =	vst v63  }
0x26: {  	_ =	swait.ge [sflag:s7], $0x80  }
0x27: {  	[sflag:s7] =	ssyncset.done $0x0  }
0x28: {  	[sflag:s7] =	ssyncadd.s32 $0xFFFFFF80  }
0x29: {  	[tilespmem:s8], [sflag:$0x1] =	stream.indirect.gather [hbm4b:s2+s8], $0x80, s3, s8, $0xb8;
	[tilespmem:$0x4080] =	vst v63  }
0x2a: {  	s10 =	sadd.s32 $0x1, s10;
	_ =	swait.ge [sflag:s9], $0x4000  }
0x2b: {  	p0 =	sne.s32 s10, s4;
	[sflag:s9] =	ssyncset.done $0x0  }
.Ltmp1:
0x2c: {  	[sflag:s9] =	ssyncadd.s32 $0xFFFFC000;
	(pc) =	sbr.rel @p0 .LBB2_1-.Ltmp1, $4  }
0x2d: {  	[hbm4b:s11+s3] =	stream.linear.scatter [tilespmem:s8], [sflag:$0x2], $0x4000, $0x38;
	[tilespmem:$0x4080] =	vst v63  }
0x2e: {  	_ =	swait.ge [sflag:s7], $0x4000  }
0x2f: {  	[sflag:s7] =	ssyncset.done $0x0  }
0x30: {  	[sflag:s7] =	ssyncadd.s32 $0xFFFFC000  }
0x31: {  	_ =	sfence.sel $0x180000  }
0x32: {  	[bflag:$0x0] =	sbarrier.arrive $0xFFFF  }
0x33: {  	p0 =	sne.s32 s0, $0x0;
	_ =	strace $0x9000005C  }
0x34: {  	s0 =	sadd.s32 @!p0 $0x100000, s1;
	[bflag:$0x2] =	sbarrier.arrive $0xFFFF  }
0x35: {  	[sflag:s0] =	ssyncadd.tile.s32 @!p0 $0x1;
	_ =	shalt  }
.Lfunc_end2:
_tile_overlayer_lowered:
.L_overlay_start_2:
0x36: {  	(tag) =	ssettag $0x2  }
0x37: {  	s0 =	rddreg [dreg:$0x0];
	s2 =	stileid.u32  }
0x38: {  	s1 =	rddreg [dreg:$0x1];
	p0 =	sne.s32 s2, $0x0  }
0x39: {  	s3 =	rddreg [dreg:$0x2];
	[bflag:$0x3] =	sbarrier.arrive $0xFFFF;
	s2 =	simm.s32 @!p0 $0x1C02  }
0x3a: {  	[timem:s3], [sflag:s2] =	dma.local @!p0 [hbm:s0], s1  }
0x3b: {  	s0 =	simm.s32 @!p0 $0x2  }
0x3c: {  	_ =	swait.ge @!p0 [sflag:s0], s1  }
0x3d: {  	s1 =	ssub.s32 @!p0 $0x0, s1;
	[sflag:s0] =	ssyncset.done @!p0 $0x0  }
0x3e: {  	[sflag:s0] =	ssyncadd.s32 @!p0 s1  }
0x3f: {  	[bflag:$0x3] =	sbarrier.arrive $0xFFFF  }
0x40: {  	_ =	shalt  }

// kernel: kernel.16.cloned.1.call-start
scs
__scs_entry_jumppad:
0x0: {  	(pc) =	sbr.rel $0x88, $3  }
0x1: {  	(tag) =	ssettag $0x0;
	lr =	simm.s32 $0x1  }
0x2: {  	[smem:$0x3F92] =	sst lr;
	_ =	strace $0xD0000000  }
0x3: {  	_ = 	snop  }
0x4: {  	_ = 	snop  }
0x5: {  	_ = 	snop  }
0x6: {  	_ = 	snop  }
0x7: {  	_ = 	snop  }
__scs_overlays_trampoline_lowered:
0x8: {  	[smem:$0x3FA1] =	sst s0  }
0x9: {  	[smem:$0x3FA2] =	sst s1  }
0xa: {  	[smem:$0x3FA3] =	sst s2  }
0xb: {  	[smem:$0x3FA4] =	sst s3  }
0xc: {  	[smem:$0x3FA5] =	sst s4  }
0xd: {  	[smem:$0x3FA6] =	sst s5  }
0xe: {  	[smem:$0x3FA7] =	sst s6  }
0xf: {  	[smem:$0x3FA8] =	sst s7  }
0x10: {  	[smem:$0x3FA9] =	sst s8  }
0x11: {  	[smem:$0x3FAA] =	sst s9;
	s0 =	simm.s32 @!p0 $0x0  }
0x12: {  	s1 =	sld [smem:$0x3F90];
	s0 =	simm.s32 @p0 $0x1  }
0x13: {  	[smem:$0x3FAB] =	sst s0;
	s0 =	simm.s32 @!p1 $0x0  }
0x14: {  	s2 =	sld [smem:$0x3F8F];
	s0 =	simm.s32 @p1 $0x1  }
0x15: {  	[smem:$0x3FAC] =	sst s0;
	s0 =	simm.s32 @!p2 $0x0  }
0x16: {  	s3 =	sld [smem:$0x3FDB];
	s0 =	simm.s32 @p2 $0x1  }
0x17: {  	s4 =	simm.s32 $0x1BF5;
	[smem:$0x3FAE] =	sst s0  }
0x18: {  	s0 =	sld [smem:$0x3F91];
	_ =	swait.ge [sflag:s4], $0x0  }
0x19: {  	s7 =	sld [smem:$0x3F92]  }
0x1a: {  	s8 =	sadd.s32 $0xFFFFE003, lr  }
0x1b: {  	s9 =	sadd.s32 $0xFFFFFEF7, lr;
	s5 =	simm.s32 $0xFFFFFFFF;
	p2 =	slt.u32 s8, $0xFFFFF086  }
0x1c: {  	p1 =	slt.u32 s9, $0xF7A;
	s5 =	simm.s32 @!p2 $0x0  }
0x1d: {  	s5 =	simm.s32 @p1 $0x1;
	p0 =	seq.s32 s7, s2  }
0x1e: {  	s7 =	smul.u32 @!p0 $0xF7A, s2;
	p2 =	seq.s32 @!p0 s5, $0x0  }
0x1f: {  	s9 =	smul.u32 $0xF7A, s1;
	s8 =	simm.s32 @!p0 $0x1BF5;
	p2 =	por !p2, p0  }
0x20: {  	[sflag:s8] =	ssyncset.s32 @!p0 $0xFFFFF086;
	s6 =	sadd.s32 @!p0 s3, s7;
	s7 =	simm.s32 @!p0 $0x108  }
0x21: {  	s3 =	sadd.s32 s3, s9;
	s6 =	sadd.s32 @!p0 $0x88, s6;
	s7 =	simm.s32 @p2 $0x1082  }
0x22: {  	[simem:s7], [sflag:s8] =	dma.local @!p0 [hbm:s6], $0xF7A  }
0x23: {  	s9 =	sor.u32 $0xD0000000, s2;
	s6 =	simm.s32 $0x108;
	_ =	swait.ge @!p0 [sflag:s8], $0x0  }
0x24: {  	s3 =	sadd.s32 $0x88, s3;
	s6 =	simm.s32 @!p1 $0x1082;
	[sflag:s4] =	ssyncset.s32 $0xFFFFF086  }
0x25: {  	[simem:s6], [sflag:s4] =	dma.local [hbm:s3], $0xF7A  }
0x26: {  	[smem:$0x3F92] =	sst s1;
	(tag) =	ssettag s2;
	_ =	strace s9  }
0x27: {  	s1 =	sld [smem:$0x3FA2]  }
0x28: {  	s2 =	sld [smem:$0x3FA3]  }
0x29: {  	s4 =	sld [smem:$0x3FA5]  }
0x2a: {  	p0 =	seq.s32 s5, $0x0;
	s5 =	sld [smem:$0x3FA6]  }
0x2b: {  	s6 =	sld [smem:$0x3FA7]  }
0x2c: {  	s7 =	sld [smem:$0x3FA8]  }
0x2d: {  	s3 =	simm.s32 $0x108;
	s8 =	sld [smem:$0x3FA9]  }
0x2e: {  	s3 =	simm.s32 @!p0 $0x1082;
	s9 =	sld [smem:$0x3FAA]  }
0x2f: {  	lr =	sadd.s32 s0, s3;
	s0 =	sld [smem:$0x3FA1]  }
0x30: {  	s3 =	sld [smem:$0x3FA4]  }
0x31: {  	[smem:$0x3FAD] =	sst s10  }
0x32: {  	s10 =	sld [smem:$0x3FAB];
	_ =	sdelay $0x3  }
0x33: {  	p0 =	seq.s32 s10, $0x1;
	s10 =	sld [smem:$0x3FAD];
	_ =	sdelay $0x3  }
0x34: {  	[smem:$0x3FAD] =	sst s10  }
0x35: {  	s10 =	sld [smem:$0x3FAC];
	_ =	sdelay $0x3  }
0x36: {  	p1 =	seq.s32 s10, $0x1;
	s10 =	sld [smem:$0x3FAD];
	_ =	sdelay $0x3  }
0x37: {  	[smem:$0x3FAD] =	sst s10  }
0x38: {  	s10 =	sld [smem:$0x3FAE]  }
0x39: {  	_ = 	snop;
	(pc) =	sbr.ind lr, $3  }
0x3a: {  	_ = 	snop  }
0x3b: {  	_ = 	snop  }
0x3c: {  	p2 =	seq.s32 s10, $0x1;
	s10 =	sld [smem:$0x3FAD]  }
0x3d: {  	_ =	shalt  }
0x3e: {  	_ =	shalt  }
0x3f: {  	_ =	shalt  }
0x40: {  	_ =	shalt  }
0x41: {  	_ =	shalt  }
0x42: {  	_ =	shalt  }
0x43: {  	_ =	shalt  }
0x44: {  	_ =	shalt  }
0x45: {  	_ =	shalt  }
0x46: {  	_ =	shalt  }
0x47: {  	_ =	shalt  }
0x48: {  	_ =	shalt  }
0x49: {  	_ =	shalt  }
0x4a: {  	_ =	shalt  }
0x4b: {  	_ =	shalt  }
0x4c: {  	_ =	shalt  }
0x4d: {  	_ =	shalt  }
0x4e: {  	_ =	shalt  }
0x4f: {  	_ =	shalt  }
0x50: {  	_ =	shalt  }
0x51: {  	_ =	shalt  }
0x52: {  	_ =	shalt  }
0x53: {  	_ =	shalt  }
0x54: {  	_ =	shalt  }
0x55: {  	_ =	shalt  }
0x56: {  	_ =	shalt  }
0x57: {  	_ =	shalt  }
0x58: {  	_ =	shalt  }
0x59: {  	_ =	shalt  }
0x5a: {  	_ =	shalt  }
0x5b: {  	_ =	shalt  }
0x5c: {  	_ =	shalt  }
0x5d: {  	_ =	shalt  }
0x5e: {  	_ =	shalt  }
0x5f: {  	_ =	shalt  }
0x60: {  	_ =	shalt  }
0x61: {  	_ =	shalt  }
0x62: {  	_ =	shalt  }
0x63: {  	_ =	shalt  }
0x64: {  	_ =	shalt  }
0x65: {  	_ =	shalt  }
0x66: {  	_ =	shalt  }
0x67: {  	_ =	shalt  }
0x68: {  	_ =	shalt  }
0x69: {  	_ =	shalt  }
0x6a: {  	_ =	shalt  }
0x6b: {  	_ =	shalt  }
0x6c: {  	_ =	shalt  }
0x6d: {  	_ =	shalt  }
0x6e: {  	_ =	shalt  }
0x6f: {  	_ =	shalt  }
0x70: {  	_ =	shalt  }
0x71: {  	_ =	shalt  }
0x72: {  	_ =	shalt  }
0x73: {  	_ =	shalt  }
0x74: {  	_ =	shalt  }
0x75: {  	_ =	shalt  }
0x76: {  	_ =	shalt  }
0x77: {  	_ =	shalt  }
0x78: {  	_ =	shalt  }
0x79: {  	_ =	shalt  }
0x7a: {  	_ =	shalt  }
0x7b: {  	_ =	shalt  }
0x7c: {  	_ =	shalt  }
0x7d: {  	_ =	shalt  }
0x7e: {  	_ =	shalt  }
0x7f: {  	_ =	shalt  }
0x80: {  	_ =	shalt  }
0x81: {  	_ =	shalt  }
0x82: {  	_ =	shalt  }
0x83: {  	_ =	shalt  }
0x84: {  	_ =	shalt  }
0x85: {  	_ =	shalt  }
0x86: {  	_ =	shalt  }
0x87: {  	_ =	shalt  }
.Lfunc_end0:
.L_simem_size_0:
called_computation.8_lowered:
.L_overlay_start_0:
0x88: {  	s2 =	sld [smem:$0x3FD9]  }
0x89: {  	s3 =	sld [smem:$0x3FFE];
	_ =	sdelay $0x1  }
0x8a: {  	s1 =	srdreg.scid  }
0x8b: {  	s0 =	sand.u32 $0x1, s1  }
0x8c: {  	s17 =	sshll.u32 s0, $0xA;
	s2 =	sadd.s32 s3, s2  }
0x8d: {  	s2 =	sadd.s32 s2, s17  }
0x8e: {  	[smem:$0x3FB9] =	sst s2  }
0x8f: {  	_ = 	snop  }
0x90: {  	(tm) =	ssettm $0x1  }
0x91: {  	s18 =	sld [smem:$0x3FFB];
	_ =	sdelay $0x3  }
0x92: {  	_ =	strace s18  }
0x93: {  	s2 =	sld [smem:$0x3FFC];
	_ =	sdelay $0x3  }
0x94: {  	_ =	strace s2  }
0x95: {  	s2 =	sld [smem:$0x3FFD];
	_ =	sdelay $0x3  }
0x96: {  	_ =	strace s2  }
0x97: {  	_ =	strace $0x8FFFFFFF  }
0x98: {  	s19 =	sld [smem:$0x3FDB];
	_ =	sdelay $0x1  }
0x99: {  	s20 =	simm.s32 $_scs_section_size  }
0x9a: {  	s4 =	simm.s32 $_size__tile_overlayer_lowered;
	s5 =	simm.s32 $_tile_overlayer_lowered  }
0x9b: {  	s6 =	simm.s32 $0x1BFF;
	s21 =	sshll.u32 s5, $0x1;
	s3 =	sadd.s32 s20, s19  }
0x9c: {  	s22 =	simm.s32 $0x0;
	s4 =	sshll.u32 s4, $0x1;
	s5 =	sadd.s32 s21, s3  }
0x9d: {  	[timem:s22], [sflag:s6] =	dma.local [hbm:s5], s4  }
0x9e: {  	_ =	swait.ge [sflag:s6], s4  }
0x9f: {  	s4 =	ssub.s32 $0x0, s4;
	[sflag:s6] =	ssyncset.done $0x0  }
0xa0: {  	[sflag:s6] =	ssyncadd.s32 s4;
	_ =	sdelay $0x1  }
0xa1: {  	s23 =	simm.s32 $0x1B8B  }
0xa2: {  	_ =	swait.ge [sflag:s23], $0x1  }
0xa3: {  	[sflag:s23] =	ssyncset.done $0x0  }
0xa4: {  	[sflag:s23] =	ssyncadd.s32 $0xFFFFFFFF  }
0xa5: {  	s4 =	sld [smem:$0x0]  }
0xa6: {  	s5 =	sand.u32 $0xFFFFFFFE, s1  }
0xa7: {  	p0 =	sne.s32 s1, s5  }
0xa8: {  	s5 =	sshll.u32 @p0 s5, $0xE  }
0xa9: {  	s5 =	sadd.s32 @p0 $0x11B8D, s5;
	s6 =	sshll.u32 @p0 s4, $0x11  }
0xaa: {  	s5 =	sor.u32 @p0 s6, s5  }
0xab: {  	[sflag:s5] =	ssyncadd.remote.s32 @p0 $0x1;
	_ =	sdelay $0x1  }
0xac: {  	s5 =	simm.s32 @p0 $0x1B8D  }
0xad: {  	_ =	swait.eq @p0 [sflag:s5], $0x1  }
0xae: {  	[sflag:s5] =	ssyncadd.s32 @p0 $0xFFFFFFFF  }
0xaf: {  	s6 =	sshll.u32 @!p0 s1, $0xE  }
0xb0: {  	s6 =	sor.u32 @!p0 $0x4000, s6;
	s5 =	simm.s32 @!p0 $0x1B8D  }
0xb1: {  	s4 =	sshll.u32 @!p0 s4, $0x11;
	s6 =	sadd.s32 @!p0 $0x11B8D, s6;
	_ =	swait.eq @!p0 [sflag:s5], $0x1  }
0xb2: {  	s4 =	sor.u32 @!p0 s4, s6;
	[sflag:s5] =	ssyncadd.s32 @!p0 $0xFFFFFFFF  }
0xb3: {  	s25 =	simm.s32 $0x1B8E;
	s24 =	sld [smem:$0x3FFE];
	[sflag:s4] =	ssyncadd.remote.s32 @!p0 $0x1  }
0xb4: {  	s26 =	simm.s32 $execute0_lowered;
	[smem:$0x3FD2] =	sst s25  }
0xb5: {  	s5 =	sshll.u32 s26, $0x1;
	_ =	strace $0x8000005E;
	[dreg:$0x1] =	wrdreg $0xFFFFFFFF  }
0xb6: {  	s28 =	simm.s32 $_size_execute0_lowered;
	s3 =	sadd.s32 s3, s5;
	[dreg:$0x0] =	wrdreg $0x0  }
0xb7: {  	s5 =	sshll.u32 s28, $0x1;
	[dreg:$0x2] =	wrdreg s3  }
0xb8: {  	[dreg:$0x3] =	wrdreg s5  }
0xb9: {  	[dreg:$0x4] =	wrdreg $0xC0  }
0xba: {  	_ =	task [dreg:s22], $0x5FFFF  }
0xbb: {  	[dreg:$0x1] =	wrdreg $0xFFFFFFFF  }
0xbc: {  	[dreg:$0x0] =	wrdreg $0x60  }
0xbd: {  	[dreg:$0x2] =	wrdreg s24  }
0xbe: {  	[dreg:$0x3] =	wrdreg $0xE  }
0xbf: {  	_ =	task.clear_ibuf [dreg:s22], $0x4FFFF;
	_ =	strace $0x9000005E  }
0xc0: {  	s29 =	simm.s32 $0xE;
	_ =	strace $0x80000060  }
0xc1: {  	_ =	swait.ge [sflag:s29], $0x1  }
0xc2: {  	[sflag:s29] =	ssyncadd.s32 $0xFFFFFFFF  }
0xc3: {  	_ =	strace $0x90000060  }
0xc4: {  	_ =	sfence  }
0xc5: {  	s30 =	sld [smem:$0x0];
	_ =	sdelay $0x2  }
0xc6: {  	s31 =	sshll.u32 s1, $0xD;
	s1 =	sshrl.u32 s1, $0x2  }
0xc7: {  	s4 =	sand.u32 $0x4000, s31;
	s1 =	sadd.s32 s1, s30  }
0xc8: {  	s0 =	sor.u32 s4, s0;
	s1 =	sshll.u32 s1, $0x11  }
0xc9: {  	s0 =	sor.u32 s1, s0  }
0xca: {  	s0 =	sadd.s32 $0x8F2B, s0  }
0xcb: {  	[sflag:s0] =	ssyncadd.remote.s32 $0x1  }
0xcc: {  	_ =	sfence.sel $0xFFFF  }
0xcd: {  	[dreg:$0x0] =	wrdreg $0xFFFFFFFF;
	(pc) =	sbr.abs _section_cstart, $3  }
0xce: {  	[dreg:$0x1] =	wrdreg $0xFFFFFFFF  }
0xcf: {  	_ =	task.clear_ibuf [dreg:s22], $0x2FFFF;
	_ =	strace $0x9FFFFFFF  }
0xd0: {  	(tm) =	ssettm $0x7FFFFFFF  }
0xd1: {  	_ =	shalt  }
tec
execute0_lowered:
.L_overlay_start_1:
0x0: {  	(tag) =	ssettag $0x1  }
0x1: {  	s1 =	srdreg.scid;
	s0 =	stileid.u32  }
0x2: {  	s12 =	sand.u32 $0x1, s1;
	s28 =	sshll.u32 s0, $0x1  }
0x3: {  	s1 =	sor.u32 s12, s28  }
0x4: {  	s3 =	smul.u32 $0x180, s1  }
0x5: {  	s8 =	rddreg [dreg:$0x0];
	s2 =	simm.s32 $0x0  }
0x6: {  	[smem:$0x7FF] =	sst s2;
	s11 =	smin.u32 s3, $0x2590  }
0x7: {  	s13 =	sadd.s32 $0x33400, s8;
	s1 =	rddreg [dreg:$0x1];
	s3 =	sshrl.u32 s11, $0x3  }
0x8: {  	_ =	strace $0x8000005F;
	s4 =	sadd.s32 s13, s3;
	s3 =	simm.s32 $0x2  }
0x9: {  	[tilespmem:s2], [sflag:$0x2] =	stream.linear.gather [hbm4b:s4+s2], $0x80, $0x38;
	[tilespmem:$0x4080] =	vst v63  }
0xa: {  	_ =	swait.ge [sflag:s3], $0x80  }
0xb: {  	s6 =	simm.s32 $0x80;
	[sflag:s3] =	ssyncset.done $0x0  }
0xc: {  	s7 =	simm.s32 $0x1;
	s5 =	sadd.s32 $0x39000, s8;
	[sflag:s3] =	ssyncadd.s32 $0xFFFFFF80  }
0xd: {  	[tilespmem:s6], [sflag:$0x1] =	stream.indirect.gather [hbm4b:s5+s6], $0x80, s2, s6, $0xb8;
	[tilespmem:$0x4080] =	vst v63  }
0xe: {  	_ =	swait.ge [sflag:s7], $0x4000  }
0xf: {  	s14 =	sadd.s32 $0x542200, s8;
	s29 =	sshll.u32 s11, $0x4;
	[sflag:s7] =	ssyncset.done $0x0  }
0x10: {  	s8 =	sadd.s32 s14, s29;
	[sflag:s7] =	ssyncadd.s32 $0xFFFFC000  }
0x11: {  	[hbm4b:s8+s2] =	stream.linear.scatter [tilespmem:s6], [sflag:$0x2], $0x4000, $0x38;
	[tilespmem:$0x4080] =	vst v63  }
0x12: {  	s10 =	sadd.s32 $0x80, s11;
	_ =	swait.ge [sflag:s3], $0x4000  }
0x13: {  	s9 =	sshrl.u32 s10, $0x3;
	[sflag:s3] =	ssyncset.done $0x0  }
0x14: {  	s9 =	sadd.s32 s13, s9;
	[sflag:s3] =	ssyncadd.s32 $0xFFFFC000  }
0x15: {  	[tilespmem:s2], [sflag:$0x2] =	stream.linear.gather [hbm4b:s9+s2], $0x80, $0x38;
	[tilespmem:$0x4080] =	vst v63  }
0x16: {  	_ =	swait.ge [sflag:s3], $0x80  }
0x17: {  	[sflag:s3] =	ssyncset.done $0x0  }
0x18: {  	[sflag:s3] =	ssyncadd.s32 $0xFFFFFF80  }
0x19: {  	[tilespmem:s6], [sflag:$0x1] =	stream.indirect.gather [hbm4b:s5+s6], $0x80, s2, s6, $0xb8;
	[tilespmem:$0x4080] =	vst v63  }
0x1a: {  	_ =	swait.ge [sflag:s7], $0x4000  }
0x1b: {  	s10 =	sshll.u32 s10, $0x4;
	[sflag:s7] =	ssyncset.done $0x0  }
0x1c: {  	s10 =	sadd.s32 s14, s10;
	[sflag:s7] =	ssyncadd.s32 $0xFFFFC000  }
0x1d: {  	[hbm4b:s10+s2] =	stream.linear.scatter [tilespmem:s6], [sflag:$0x2], $0x4000, $0x38;
	[tilespmem:$0x4080] =	vst v63  }
0x1e: {  	s15 =	sadd.s32 $0x100, s11;
	_ =	swait.ge [sflag:s3], $0x4000  }
0x1f: {  	s11 =	sshrl.u32 s15, $0x3;
	[sflag:s3] =	ssyncset.done $0x0  }
0x20: {  	s12 =	ssub.s32 $0x2, s12;
	s11 =	sadd.s32 s13, s11;
	[sflag:s3] =	ssyncadd.s32 $0xFFFFC000  }
0x21: {  	[tilespmem:s2], [sflag:$0x2] =	stream.linear.gather [hbm4b:s11+s2], $0x80, $0x38;
	[tilespmem:$0x4080] =	vst v63  }
0x22: {  	s30 =	sshrl.u32 s12, $0x1;
	_ =	swait.ge [sflag:s3], $0x80  }
0x23: {  	s13 =	ssub.s32 s12, s30;
	[sflag:s3] =	ssyncset.done $0x0  }
0x24: {  	s13 =	smax.u32 s13, $0x1;
	[sflag:s3] =	ssyncadd.s32 $0xFFFFFF80  }
0x25: {  	[tilespmem:s6], [sflag:$0x1] =	stream.indirect.gather [hbm4b:s5+s6], $0x80, s2, s6, $0xb8;
	[tilespmem:$0x4080] =	vst v63  }
0x26: {  	p0 =	sne.s32 s13, $0x1;
	_ =	swait.ge [sflag:s7], $0x4000  }
.Ltmp0:
0x27: {  	s31 =	sshll.u32 s15, $0x4;
	[sflag:s7] =	ssyncset.done $0x0;
	(pc) =	sbr.rel @!p0 .LBB2_2-.Ltmp0, $4  }
0x28: {  	s12 =	sadd.s32 s14, s31;
	[sflag:s7] =	ssyncadd.s32 $0xFFFFC000  }
0x29: {  	[hbm4b:s12+s2] =	stream.linear.scatter [tilespmem:s6], [sflag:$0x2], $0x4000, $0x38;
	[tilespmem:$0x4080] =	vst v63  }
0x2a: {  	_ =	swait.ge [sflag:s3], $0x4000  }
0x2b: {  	s13 =	sadd.s32 $0xFFFFFFFF, s13;
	[sflag:s3] =	ssyncset.done $0x0  }
.LBB2_1:
0x2c: {  	p0 =	sne.s32 s13, $0x1;
	s13 =	sadd.s32 $0xFFFFFFFF, s13;
	[sflag:s3] =	ssyncadd.s32 $0xFFFFC000  }
0x2d: {  	[tilespmem:s2], [sflag:$0x2] =	stream.linear.gather [hbm4b:s4+s2], $0x80, $0x38;
	[tilespmem:$0x4080] =	vst v63  }
0x2e: {  	_ =	swait.ge [sflag:s3], $0x80  }
0x2f: {  	[sflag:s3] =	ssyncset.done $0x0  }
0x30: {  	[sflag:s3] =	ssyncadd.s32 $0xFFFFFF80  }
0x31: {  	[tilespmem:s6], [sflag:$0x1] =	stream.indirect.gather [hbm4b:s5+s6], $0x80, s2, s6, $0xb8;
	[tilespmem:$0x4080] =	vst v63  }
0x32: {  	_ =	swait.ge [sflag:s7], $0x4000  }
0x33: {  	[sflag:s7] =	ssyncset.done $0x0  }
0x34: {  	[sflag:s7] =	ssyncadd.s32 $0xFFFFC000  }
0x35: {  	[hbm4b:s8+s2] =	stream.linear.scatter [tilespmem:s6], [sflag:$0x2], $0x4000, $0x38;
	[tilespmem:$0x4080] =	vst v63  }
0x36: {  	_ =	swait.ge [sflag:s3], $0x4000  }
0x37: {  	[sflag:s3] =	ssyncset.done $0x0  }
0x38: {  	[sflag:s3] =	ssyncadd.s32 $0xFFFFC000  }
0x39: {  	[tilespmem:s2], [sflag:$0x2] =	stream.linear.gather [hbm4b:s9+s2], $0x80, $0x38;
	[tilespmem:$0x4080] =	vst v63  }
0x3a: {  	_ =	swait.ge [sflag:s3], $0x80  }
0x3b: {  	[sflag:s3] =	ssyncset.done $0x0  }
0x3c: {  	[sflag:s3] =	ssyncadd.s32 $0xFFFFFF80  }
0x3d: {  	[tilespmem:s6], [sflag:$0x1] =	stream.indirect.gather [hbm4b:s5+s6], $0x80, s2, s6, $0xb8;
	[tilespmem:$0x4080] =	vst v63  }
0x3e: {  	_ =	swait.ge [sflag:s7], $0x4000  }
0x3f: {  	[sflag:s7] =	ssyncset.done $0x0  }
0x40: {  	[sflag:s7] =	ssyncadd.s32 $0xFFFFC000  }
0x41: {  	[hbm4b:s10+s2] =	stream.linear.scatter [tilespmem:s6], [sflag:$0x2], $0x4000, $0x38;
	[tilespmem:$0x4080] =	vst v63  }
0x42: {  	_ =	swait.ge [sflag:s3], $0x4000  }
0x43: {  	[sflag:s3] =	ssyncset.done $0x0  }
0x44: {  	[sflag:s3] =	ssyncadd.s32 $0xFFFFC000  }
0x45: {  	[tilespmem:s2], [sflag:$0x2] =	stream.linear.gather [hbm4b:s11+s2], $0x80, $0x38;
	[tilespmem:$0x4080] =	vst v63  }
0x46: {  	_ =	swait.ge [sflag:s3], $0x80  }
0x47: {  	[sflag:s3] =	ssyncset.done $0x0  }
0x48: {  	[sflag:s3] =	ssyncadd.s32 $0xFFFFFF80  }
0x49: {  	[tilespmem:s6], [sflag:$0x1] =	stream.indirect.gather [hbm4b:s5+s6], $0x80, s2, s6, $0xb8;
	[tilespmem:$0x4080] =	vst v63  }
0x4a: {  	_ =	swait.ge [sflag:s7], $0x4000  }
.Ltmp1:
0x4b: {  	[sflag:s7] =	ssyncset.done $0x0;
	(pc) =	sbr.rel @p0 .LBB2_1-.Ltmp1, $4  }
0x4c: {  	[sflag:s7] =	ssyncadd.s32 $0xFFFFC000  }
0x4d: {  	[hbm4b:s12+s2] =	stream.linear.scatter [tilespmem:s6], [sflag:$0x2], $0x4000, $0x38;
	[tilespmem:$0x4080] =	vst v63  }
0x4e: {  	_ =	swait.ge [sflag:s3], $0x4000  }
0x4f: {  	[sflag:s3] =	ssyncset.done $0x0  }
.LBB2_2:
0x50: {  	[sflag:s3] =	ssyncadd.s32 $0xFFFFC000  }
0x51: {  	_ =	sfence.sel $0x180000  }
0x52: {  	[bflag:$0x0] =	sbarrier.arrive $0xFFFF  }
0x53: {  	p0 =	sne.s32 s0, $0x0;
	_ =	strace $0x9000005F  }
0x54: {  	s0 =	sadd.s32 @!p0 $0x100000, s1;
	[bflag:$0x2] =	sbarrier.arrive $0xFFFF  }
0x55: {  	[sflag:s0] =	ssyncadd.tile.s32 @!p0 $0x1;
	_ =	shalt  }
.Lfunc_end2:
_tile_overlayer_lowered:
.L_overlay_start_2:
0x56: {  	(tag) =	ssettag $0x2  }
0x57: {  	s0 =	rddreg [dreg:$0x0];
	s2 =	stileid.u32  }
0x58: {  	s1 =	rddreg [dreg:$0x1];
	p0 =	sne.s32 s2, $0x0  }
0x59: {  	s3 =	rddreg [dreg:$0x2];
	[bflag:$0x3] =	sbarrier.arrive $0xFFFF;
	s2 =	simm.s32 @!p0 $0x1C02  }
0x5a: {  	[timem:s3], [sflag:s2] =	dma.local @!p0 [hbm:s0], s1  }
0x5b: {  	s0 =	simm.s32 @!p0 $0x2  }
0x5c: {  	_ =	swait.ge @!p0 [sflag:s0], s1  }
0x5d: {  	s1 =	ssub.s32 @!p0 $0x0, s1;
	[sflag:s0] =	ssyncset.done @!p0 $0x0  }
0x5e: {  	[sflag:s0] =	ssyncadd.s32 @!p0 s1  }
0x5f: {  	[bflag:$0x3] =	sbarrier.arrive $0xFFFF  }
0x60: {  	_ =	shalt  }

// kernel: kernel.19.cloned.1.call-start
scs
__scs_entry_jumppad:
0x0: {  	(pc) =	sbr.rel $0x88, $3  }
0x1: {  	(tag) =	ssettag $0x0;
	lr =	simm.s32 $0x1  }
0x2: {  	[smem:$0x3F92] =	sst lr;
	_ =	strace $0xD0000000  }
0x3: {  	_ = 	snop  }
0x4: {  	_ = 	snop  }
0x5: {  	_ = 	snop  }
0x6: {  	_ = 	snop  }
0x7: {  	_ = 	snop  }
__scs_overlays_trampoline_lowered:
0x8: {  	[smem:$0x3FA1] =	sst s0  }
0x9: {  	[smem:$0x3FA2] =	sst s1  }
0xa: {  	[smem:$0x3FA3] =	sst s2  }
0xb: {  	[smem:$0x3FA4] =	sst s3  }
0xc: {  	[smem:$0x3FA5] =	sst s4  }
0xd: {  	[smem:$0x3FA6] =	sst s5  }
0xe: {  	[smem:$0x3FA7] =	sst s6  }
0xf: {  	[smem:$0x3FA8] =	sst s7  }
0x10: {  	[smem:$0x3FA9] =	sst s8  }
0x11: {  	[smem:$0x3FAA] =	sst s9;
	s0 =	simm.s32 @!p0 $0x0  }
0x12: {  	s1 =	sld [smem:$0x3F90];
	s0 =	simm.s32 @p0 $0x1  }
0x13: {  	[smem:$0x3FAB] =	sst s0;
	s0 =	simm.s32 @!p1 $0x0  }
0x14: {  	s2 =	sld [smem:$0x3F8F];
	s0 =	simm.s32 @p1 $0x1  }
0x15: {  	[smem:$0x3FAC] =	sst s0;
	s0 =	simm.s32 @!p2 $0x0  }
0x16: {  	s3 =	sld [smem:$0x3FDB];
	s0 =	simm.s32 @p2 $0x1  }
0x17: {  	s4 =	simm.s32 $0x1BF5;
	[smem:$0x3FAE] =	sst s0  }
0x18: {  	s0 =	sld [smem:$0x3F91];
	_ =	swait.ge [sflag:s4], $0x0  }
0x19: {  	s7 =	sld [smem:$0x3F92]  }
0x1a: {  	s8 =	sadd.s32 $0xFFFFE003, lr  }
0x1b: {  	s9 =	sadd.s32 $0xFFFFFEF7, lr;
	s5 =	simm.s32 $0xFFFFFFFF;
	p2 =	slt.u32 s8, $0xFFFFF086  }
0x1c: {  	p1 =	slt.u32 s9, $0xF7A;
	s5 =	simm.s32 @!p2 $0x0  }
0x1d: {  	s5 =	simm.s32 @p1 $0x1;
	p0 =	seq.s32 s7, s2  }
0x1e: {  	s7 =	smul.u32 @!p0 $0xF7A, s2;
	p2 =	seq.s32 @!p0 s5, $0x0  }
0x1f: {  	s9 =	smul.u32 $0xF7A, s1;
	s8 =	simm.s32 @!p0 $0x1BF5;
	p2 =	por !p2, p0  }
0x20: {  	[sflag:s8] =	ssyncset.s32 @!p0 $0xFFFFF086;
	s6 =	sadd.s32 @!p0 s3, s7;
	s7 =	simm.s32 @!p0 $0x108  }
0x21: {  	s3 =	sadd.s32 s3, s9;
	s6 =	sadd.s32 @!p0 $0x88, s6;
	s7 =	simm.s32 @p2 $0x1082  }
0x22: {  	[simem:s7], [sflag:s8] =	dma.local @!p0 [hbm:s6], $0xF7A  }
0x23: {  	s9 =	sor.u32 $0xD0000000, s2;
	s6 =	simm.s32 $0x108;
	_ =	swait.ge @!p0 [sflag:s8], $0x0  }
0x24: {  	s3 =	sadd.s32 $0x88, s3;
	s6 =	simm.s32 @!p1 $0x1082;
	[sflag:s4] =	ssyncset.s32 $0xFFFFF086  }
0x25: {  	[simem:s6], [sflag:s4] =	dma.local [hbm:s3], $0xF7A  }
0x26: {  	[smem:$0x3F92] =	sst s1;
	(tag) =	ssettag s2;
	_ =	strace s9  }
0x27: {  	s1 =	sld [smem:$0x3FA2]  }
0x28: {  	s2 =	sld [smem:$0x3FA3]  }
0x29: {  	s4 =	sld [smem:$0x3FA5]  }
0x2a: {  	p0 =	seq.s32 s5, $0x0;
	s5 =	sld [smem:$0x3FA6]  }
0x2b: {  	s6 =	sld [smem:$0x3FA7]  }
0x2c: {  	s7 =	sld [smem:$0x3FA8]  }
0x2d: {  	s3 =	simm.s32 $0x108;
	s8 =	sld [smem:$0x3FA9]  }
0x2e: {  	s3 =	simm.s32 @!p0 $0x1082;
	s9 =	sld [smem:$0x3FAA]  }
0x2f: {  	lr =	sadd.s32 s0, s3;
	s0 =	sld [smem:$0x3FA1]  }
0x30: {  	s3 =	sld [smem:$0x3FA4]  }
0x31: {  	[smem:$0x3FAD] =	sst s10  }
0x32: {  	s10 =	sld [smem:$0x3FAB];
	_ =	sdelay $0x3  }
0x33: {  	p0 =	seq.s32 s10, $0x1;
	s10 =	sld [smem:$0x3FAD];
	_ =	sdelay $0x3  }
0x34: {  	[smem:$0x3FAD] =	sst s10  }
0x35: {  	s10 =	sld [smem:$0x3FAC];
	_ =	sdelay $0x3  }
0x36: {  	p1 =	seq.s32 s10, $0x1;
	s10 =	sld [smem:$0x3FAD];
	_ =	sdelay $0x3  }
0x37: {  	[smem:$0x3FAD] =	sst s10  }
0x38: {  	s10 =	sld [smem:$0x3FAE]  }
0x39: {  	_ = 	snop;
	(pc) =	sbr.ind lr, $3  }
0x3a: {  	_ = 	snop  }
0x3b: {  	_ = 	snop  }
0x3c: {  	p2 =	seq.s32 s10, $0x1;
	s10 =	sld [smem:$0x3FAD]  }
0x3d: {  	_ =	shalt  }
0x3e: {  	_ =	shalt  }
0x3f: {  	_ =	shalt  }
0x40: {  	_ =	shalt  }
0x41: {  	_ =	shalt  }
0x42: {  	_ =	shalt  }
0x43: {  	_ =	shalt  }
0x44: {  	_ =	shalt  }
0x45: {  	_ =	shalt  }
0x46: {  	_ =	shalt  }
0x47: {  	_ =	shalt  }
0x48: {  	_ =	shalt  }
0x49: {  	_ =	shalt  }
0x4a: {  	_ =	shalt  }
0x4b: {  	_ =	shalt  }
0x4c: {  	_ =	shalt  }
0x4d: {  	_ =	shalt  }
0x4e: {  	_ =	shalt  }
0x4f: {  	_ =	shalt  }
0x50: {  	_ =	shalt  }
0x51: {  	_ =	shalt  }
0x52: {  	_ =	shalt  }
0x53: {  	_ =	shalt  }
0x54: {  	_ =	shalt  }
0x55: {  	_ =	shalt  }
0x56: {  	_ =	shalt  }
0x57: {  	_ =	shalt  }
0x58: {  	_ =	shalt  }
0x59: {  	_ =	shalt  }
0x5a: {  	_ =	shalt  }
0x5b: {  	_ =	shalt  }
0x5c: {  	_ =	shalt  }
0x5d: {  	_ =	shalt  }
0x5e: {  	_ =	shalt  }
0x5f: {  	_ =	shalt  }
0x60: {  	_ =	shalt  }
0x61: {  	_ =	shalt  }
0x62: {  	_ =	shalt  }
0x63: {  	_ =	shalt  }
0x64: {  	_ =	shalt  }
0x65: {  	_ =	shalt  }
0x66: {  	_ =	shalt  }
0x67: {  	_ =	shalt  }
0x68: {  	_ =	shalt  }
0x69: {  	_ =	shalt  }
0x6a: {  	_ =	shalt  }
0x6b: {  	_ =	shalt  }
0x6c: {  	_ =	shalt  }
0x6d: {  	_ =	shalt  }
0x6e: {  	_ =	shalt  }
0x6f: {  	_ =	shalt  }
0x70: {  	_ =	shalt  }
0x71: {  	_ =	shalt  }
0x72: {  	_ =	shalt  }
0x73: {  	_ =	shalt  }
0x74: {  	_ =	shalt  }
0x75: {  	_ =	shalt  }
0x76: {  	_ =	shalt  }
0x77: {  	_ =	shalt  }
0x78: {  	_ =	shalt  }
0x79: {  	_ =	shalt  }
0x7a: {  	_ =	shalt  }
0x7b: {  	_ =	shalt  }
0x7c: {  	_ =	shalt  }
0x7d: {  	_ =	shalt  }
0x7e: {  	_ =	shalt  }
0x7f: {  	_ =	shalt  }
0x80: {  	_ =	shalt  }
0x81: {  	_ =	shalt  }
0x82: {  	_ =	shalt  }
0x83: {  	_ =	shalt  }
0x84: {  	_ =	shalt  }
0x85: {  	_ =	shalt  }
0x86: {  	_ =	shalt  }
0x87: {  	_ =	shalt  }
.Lfunc_end0:
.L_simem_size_0:
called_computation.9_lowered:
.L_overlay_start_0:
0x88: {  	s2 =	sld [smem:$0x3FD9]  }
0x89: {  	s3 =	sld [smem:$0x3FFE];
	_ =	sdelay $0x1  }
0x8a: {  	s1 =	srdreg.scid  }
0x8b: {  	s0 =	sand.u32 $0x1, s1  }
0x8c: {  	s14 =	sshll.u32 s0, $0xA;
	s2 =	sadd.s32 s3, s2  }
0x8d: {  	s2 =	sadd.s32 s2, s14  }
0x8e: {  	[smem:$0x3FB9] =	sst s2  }
0x8f: {  	_ = 	snop  }
0x90: {  	s2 =	sld [smem:$0x3FD0];
	_ =	sdelay $0x2  }
0x91: {  	s15 =	simm.s32 $0xF;
	s4 =	simm.s32 $0x10  }
0x92: {  	[smem:s4], [sflag:s15] =	dma.local [hbm:s2], $0x1  }
0x93: {  	_ =	swait.eq [sflag:s15], $0x1  }
0x94: {  	[sflag:s15] =	ssyncset.done $0x0  }
0x95: {  	[sflag:s15] =	ssyncadd.s32 $0xFFFFFFFF  }
0x96: {  	s16 =	sld [smem:$0x10];
	(tm) =	ssettm $0x1  }
0x97: {  	s17 =	sld [smem:$0x3FFB];
	_ =	sdelay $0x3  }
0x98: {  	_ =	strace s17  }
0x99: {  	s3 =	sld [smem:$0x3FFC];
	_ =	sdelay $0x3  }
0x9a: {  	_ =	strace s3  }
0x9b: {  	s3 =	sld [smem:$0x3FFD];
	_ =	sdelay $0x3  }
0x9c: {  	_ =	strace s3  }
0x9d: {  	_ =	strace $0x8FFFFFFF  }
0x9e: {  	s18 =	sld [smem:$0x3FDB];
	_ =	sdelay $0x1  }
0x9f: {  	s19 =	simm.s32 $_scs_section_size  }
0xa0: {  	s5 =	simm.s32 $_size__tile_overlayer_lowered;
	s6 =	simm.s32 $_tile_overlayer_lowered  }
0xa1: {  	s22 =	simm.s32 $0x1BFF;
	s21 =	sshll.u32 s6, $0x1;
	s3 =	sadd.s32 s19, s18  }
0xa2: {  	s7 =	simm.s32 $0x0;
	s20 =	sshll.u32 s5, $0x1;
	s5 =	sadd.s32 s21, s3  }
0xa3: {  	[timem:s7], [sflag:s22] =	dma.local [hbm:s5], s20  }
0xa4: {  	_ =	swait.ge [sflag:s22], s20  }
0xa5: {  	s4 =	ssub.s32 $0x0, s20;
	[sflag:s22] =	ssyncset.done $0x0  }
0xa6: {  	[sflag:s22] =	ssyncadd.s32 s4;
	_ =	sdelay $0x1  }
0xa7: {  	s23 =	simm.s32 $0x1B8B  }
0xa8: {  	_ =	swait.ge [sflag:s23], $0x1  }
0xa9: {  	[sflag:s23] =	ssyncset.done $0x0  }
0xaa: {  	s25 =	simm.s32 $0x1B8E;
	s24 =	sld [smem:$0x3FFE];
	[sflag:s23] =	ssyncadd.s32 $0xFFFFFFFF  }
0xab: {  	s26 =	simm.s32 $execute0_lowered;
	[smem:$0x3FD2] =	sst s25  }
0xac: {  	s5 =	sshll.u32 s26, $0x1;
	_ =	strace $0x80000061;
	[dreg:$0x1] =	wrdreg $0xFFFFFFFF  }
0xad: {  	s28 =	simm.s32 $_size_execute0_lowered;
	s3 =	sadd.s32 s3, s5;
	[dreg:$0x0] =	wrdreg $0x0  }
0xae: {  	s5 =	sshll.u32 s28, $0x1;
	[dreg:$0x2] =	wrdreg s3  }
0xaf: {  	[dreg:$0x3] =	wrdreg s5  }
0xb0: {  	[dreg:$0x4] =	wrdreg $0xC0  }
0xb1: {  	_ =	task [dreg:s7], $0x5FFFF  }
0xb2: {  	[dreg:$0x1] =	wrdreg $0xFFFFFFFF  }
0xb3: {  	[dreg:$0x0] =	wrdreg $0x60  }
0xb4: {  	[dreg:$0x2] =	wrdreg s24  }
0xb5: {  	[dreg:$0x3] =	wrdreg s16  }
0xb6: {  	[dreg:$0x4] =	wrdreg $0x9  }
0xb7: {  	_ =	task.clear_ibuf [dreg:s7], $0x5FFFF;
	_ =	strace $0x90000061  }
0xb8: {  	s29 =	simm.s32 $0x9;
	_ =	strace $0x80000063  }
0xb9: {  	_ =	swait.ge [sflag:s29], $0x1  }
0xba: {  	[sflag:s29] =	ssyncadd.s32 $0xFFFFFFFF  }
0xbb: {  	_ =	strace $0x90000063  }
0xbc: {  	_ =	sfence  }
0xbd: {  	s30 =	sld [smem:$0x0];
	_ =	sdelay $0x2  }
0xbe: {  	s31 =	sshll.u32 s1, $0xD;
	s1 =	sshrl.u32 s1, $0x2  }
0xbf: {  	s3 =	sand.u32 $0x4000, s31;
	s1 =	sadd.s32 s1, s30  }
0xc0: {  	s0 =	sor.u32 s3, s0;
	s1 =	sshll.u32 s1, $0x11  }
0xc1: {  	s0 =	sor.u32 s1, s0  }
0xc2: {  	s0 =	sadd.s32 $0x8F2B, s0  }
0xc3: {  	[sflag:s0] =	ssyncadd.remote.s32 $0x1  }
0xc4: {  	_ =	sfence.sel $0xFFFF  }
0xc5: {  	[dreg:$0x0] =	wrdreg $0xFFFFFFFF;
	(pc) =	sbr.abs _section_cstart, $3  }
0xc6: {  	[dreg:$0x1] =	wrdreg $0xFFFFFFFF  }
0xc7: {  	_ =	task.clear_ibuf [dreg:s7], $0x2FFFF;
	_ =	strace $0x9FFFFFFF  }
0xc8: {  	(tm) =	ssettm $0x7FFFFFFF  }
0xc9: {  	_ =	shalt  }
tec
execute0_lowered:
.L_overlay_start_1:
0x0: {  	(tag) =	ssettag $0x1  }
0x1: {  	s1 =	srdreg.scid;
	s0 =	stileid.u32  }
0x2: {  	s12 =	sand.u32 $0x1, s1;
	s28 =	sshll.u32 s0, $0x1  }
0x3: {  	s1 =	sor.u32 s12, s28  }
0x4: {  	s5 =	rddreg [dreg:$0x0];
	s3 =	smul.u32 $0x180, s1  }
0x5: {  	s13 =	rddreg [dreg:$0x1];
	s2 =	simm.s32 $0x0  }
0x6: {  	[smem:$0x7FF] =	sst s2;
	s11 =	smin.u32 s3, $0x2590  }
0x7: {  	s14 =	sadd.s32 $0x35C00, s5;
	s1 =	rddreg [dreg:$0x2];
	s3 =	sshrl.u32 s11, $0x3  }
0x8: {  	_ =	strace $0x80000062;
	s4 =	sadd.s32 s14, s3;
	s3 =	simm.s32 $0x2  }
0x9: {  	[tilespmem:s2], [sflag:$0x2] =	stream.linear.gather [hbm4b:s4+s2], $0x80, $0x38;
	[tilespmem:$0x4080] =	vst v63  }
0xa: {  	_ =	swait.ge [sflag:s3], $0x80  }
0xb: {  	s6 =	simm.s32 $0x80;
	[sflag:s3] =	ssyncset.done $0x0  }
0xc: {  	s7 =	simm.s32 $0x1;
	s5 =	sadd.s32 $0x200, s5;
	[sflag:s3] =	ssyncadd.s32 $0xFFFFFF80  }
0xd: {  	[tilespmem:s6], [sflag:$0x1] =	stream.indirect.gather [hbm4b:s5+s6], $0x80, s2, s6, $0xb8;
	[tilespmem:$0x4080] =	vst v63  }
0xe: {  	_ =	swait.ge [sflag:s7], $0x4000  }
0xf: {  	s8 =	sshll.u32 s11, $0x4;
	[sflag:s7] =	ssyncset.done $0x0  }
0x10: {  	s8 =	sadd.s32 s13, s8;
	[sflag:s7] =	ssyncadd.s32 $0xFFFFC000  }
0x11: {  	[hbm4b:s8+s2] =	stream.linear.scatter [tilespmem:s6], [sflag:$0x2], $0x4000, $0x38;
	[tilespmem:$0x4080] =	vst v63  }
0x12: {  	s10 =	sadd.s32 $0x80, s11;
	_ =	swait.ge [sflag:s3], $0x4000  }
0x13: {  	s9 =	sshrl.u32 s10, $0x3;
	[sflag:s3] =	ssyncset.done $0x0  }
0x14: {  	s9 =	sadd.s32 s14, s9;
	[sflag:s3] =	ssyncadd.s32 $0xFFFFC000  }
0x15: {  	[tilespmem:s2], [sflag:$0x2] =	stream.linear.gather [hbm4b:s9+s2], $0x80, $0x38;
	[tilespmem:$0x4080] =	vst v63  }
0x16: {  	_ =	swait.ge [sflag:s3], $0x80  }
0x17: {  	[sflag:s3] =	ssyncset.done $0x0  }
0x18: {  	[sflag:s3] =	ssyncadd.s32 $0xFFFFFF80  }
0x19: {  	[tilespmem:s6], [sflag:$0x1] =	stream.indirect.gather [hbm4b:s5+s6], $0x80, s2, s6, $0xb8;
	[tilespmem:$0x4080] =	vst v63  }
0x1a: {  	_ =	swait.ge [sflag:s7], $0x4000  }
0x1b: {  	s10 =	sshll.u32 s10, $0x4;
	[sflag:s7] =	ssyncset.done $0x0  }
0x1c: {  	s10 =	sadd.s32 s13, s10;
	[sflag:s7] =	ssyncadd.s32 $0xFFFFC000  }
0x1d: {  	[hbm4b:s10+s2] =	stream.linear.scatter [tilespmem:s6], [sflag:$0x2], $0x4000, $0x38;
	[tilespmem:$0x4080] =	vst v63  }
0x1e: {  	s15 =	sadd.s32 $0x100, s11;
	_ =	swait.ge [sflag:s3], $0x4000  }
0x1f: {  	s11 =	sshrl.u32 s15, $0x3;
	[sflag:s3] =	ssyncset.done $0x0  }
0x20: {  	s12 =	ssub.s32 $0x2, s12;
	s11 =	sadd.s32 s14, s11;
	[sflag:s3] =	ssyncadd.s32 $0xFFFFC000  }
0x21: {  	[tilespmem:s2], [sflag:$0x2] =	stream.linear.gather [hbm4b:s11+s2], $0x80, $0x38;
	[tilespmem:$0x4080] =	vst v63  }
0x22: {  	s29 =	sshrl.u32 s12, $0x1;
	_ =	swait.ge [sflag:s3], $0x80  }
0x23: {  	s14 =	ssub.s32 s12, s29;
	[sflag:s3] =	ssyncset.done $0x0  }
0x24: {  	s31 =	smax.u32 s14, $0x1;
	[sflag:s3] =	ssyncadd.s32 $0xFFFFFF80  }
0x25: {  	[tilespmem:s6], [sflag:$0x1] =	stream.indirect.gather [hbm4b:s5+s6], $0x80, s2, s6, $0xb8;
	[tilespmem:$0x4080] =	vst v63  }
0x26: {  	p0 =	sne.s32 s31, $0x1;
	_ =	swait.ge [sflag:s7], $0x4000  }
.Ltmp0:
0x27: {  	s30 =	sshll.u32 s15, $0x4;
	[sflag:s7] =	ssyncset.done $0x0;
	(pc) =	sbr.rel @!p0 .LBB2_2-.Ltmp0, $4  }
0x28: {  	s12 =	sadd.s32 s13, s30;
	[sflag:s7] =	ssyncadd.s32 $0xFFFFC000  }
0x29: {  	[hbm4b:s12+s2] =	stream.linear.scatter [tilespmem:s6], [sflag:$0x2], $0x4000, $0x38;
	[tilespmem:$0x4080] =	vst v63  }
0x2a: {  	_ =	swait.ge [sflag:s3], $0x4000  }
0x2b: {  	s13 =	sadd.s32 $0xFFFFFFFF, s31;
	[sflag:s3] =	ssyncset.done $0x0  }
.LBB2_1:
0x2c: {  	p0 =	sne.s32 s13, $0x1;
	s13 =	sadd.s32 $0xFFFFFFFF, s13;
	[sflag:s3] =	ssyncadd.s32 $0xFFFFC000  }
0x2d: {  	[tilespmem:s2], [sflag:$0x2] =	stream.linear.gather [hbm4b:s4+s2], $0x80, $0x38;
	[tilespmem:$0x4080] =	vst v63  }
0x2e: {  	_ =	swait.ge [sflag:s3], $0x80  }
0x2f: {  	[sflag:s3] =	ssyncset.done $0x0  }
0x30: {  	[sflag:s3] =	ssyncadd.s32 $0xFFFFFF80  }
0x31: {  	[tilespmem:s6], [sflag:$0x1] =	stream.indirect.gather [hbm4b:s5+s6], $0x80, s2, s6, $0xb8;
	[tilespmem:$0x4080] =	vst v63  }
0x32: {  	_ =	swait.ge [sflag:s7], $0x4000  }
0x33: {  	[sflag:s7] =	ssyncset.done $0x0  }
0x34: {  	[sflag:s7] =	ssyncadd.s32 $0xFFFFC000  }
0x35: {  	[hbm4b:s8+s2] =	stream.linear.scatter [tilespmem:s6], [sflag:$0x2], $0x4000, $0x38;
	[tilespmem:$0x4080] =	vst v63  }
0x36: {  	_ =	swait.ge [sflag:s3], $0x4000  }
0x37: {  	[sflag:s3] =	ssyncset.done $0x0  }
0x38: {  	[sflag:s3] =	ssyncadd.s32 $0xFFFFC000  }
0x39: {  	[tilespmem:s2], [sflag:$0x2] =	stream.linear.gather [hbm4b:s9+s2], $0x80, $0x38;
	[tilespmem:$0x4080] =	vst v63  }
0x3a: {  	_ =	swait.ge [sflag:s3], $0x80  }
0x3b: {  	[sflag:s3] =	ssyncset.done $0x0  }
0x3c: {  	[sflag:s3] =	ssyncadd.s32 $0xFFFFFF80  }
0x3d: {  	[tilespmem:s6], [sflag:$0x1] =	stream.indirect.gather [hbm4b:s5+s6], $0x80, s2, s6, $0xb8;
	[tilespmem:$0x4080] =	vst v63  }
0x3e: {  	_ =	swait.ge [sflag:s7], $0x4000  }
0x3f: {  	[sflag:s7] =	ssyncset.done $0x0  }
0x40: {  	[sflag:s7] =	ssyncadd.s32 $0xFFFFC000  }
0x41: {  	[hbm4b:s10+s2] =	stream.linear.scatter [tilespmem:s6], [sflag:$0x2], $0x4000, $0x38;
	[tilespmem:$0x4080] =	vst v63  }
0x42: {  	_ =	swait.ge [sflag:s3], $0x4000  }
0x43: {  	[sflag:s3] =	ssyncset.done $0x0  }
0x44: {  	[sflag:s3] =	ssyncadd.s32 $0xFFFFC000  }
0x45: {  	[tilespmem:s2], [sflag:$0x2] =	stream.linear.gather [hbm4b:s11+s2], $0x80, $0x38;
	[tilespmem:$0x4080] =	vst v63  }
0x46: {  	_ =	swait.ge [sflag:s3], $0x80  }
0x47: {  	[sflag:s3] =	ssyncset.done $0x0  }
0x48: {  	[sflag:s3] =	ssyncadd.s32 $0xFFFFFF80  }
0x49: {  	[tilespmem:s6], [sflag:$0x1] =	stream.indirect.gather [hbm4b:s5+s6], $0x80, s2, s6, $0xb8;
	[tilespmem:$0x4080] =	vst v63  }
0x4a: {  	_ =	swait.ge [sflag:s7], $0x4000  }
.Ltmp1:
0x4b: {  	[sflag:s7] =	ssyncset.done $0x0;
	(pc) =	sbr.rel @p0 .LBB2_1-.Ltmp1, $4  }
0x4c: {  	[sflag:s7] =	ssyncadd.s32 $0xFFFFC000  }
0x4d: {  	[hbm4b:s12+s2] =	stream.linear.scatter [tilespmem:s6], [sflag:$0x2], $0x4000, $0x38;
	[tilespmem:$0x4080] =	vst v63  }
0x4e: {  	_ =	swait.ge [sflag:s3], $0x4000  }
0x4f: {  	[sflag:s3] =	ssyncset.done $0x0  }
.LBB2_2:
0x50: {  	[sflag:s3] =	ssyncadd.s32 $0xFFFFC000  }
0x51: {  	_ =	sfence.sel $0x180000  }
0x52: {  	[bflag:$0x0] =	sbarrier.arrive $0xFFFF  }
0x53: {  	p0 =	sne.s32 s0, $0x0;
	_ =	strace $0x90000062  }
0x54: {  	s0 =	sadd.s32 @!p0 $0x100000, s1;
	[bflag:$0x2] =	sbarrier.arrive $0xFFFF  }
0x55: {  	[sflag:s0] =	ssyncadd.tile.s32 @!p0 $0x1;
	_ =	shalt  }
.Lfunc_end2:
_tile_overlayer_lowered:
.L_overlay_start_2:
0x56: {  	(tag) =	ssettag $0x2  }
0x57: {  	s0 =	rddreg [dreg:$0x0];
	s2 =	stileid.u32  }
0x58: {  	s1 =	rddreg [dreg:$0x1];
	p0 =	sne.s32 s2, $0x0  }
0x59: {  	s3 =	rddreg [dreg:$0x2];
	[bflag:$0x3] =	sbarrier.arrive $0xFFFF;
	s2 =	simm.s32 @!p0 $0x1C02  }
0x5a: {  	[timem:s3], [sflag:s2] =	dma.local @!p0 [hbm:s0], s1  }
0x5b: {  	s0 =	simm.s32 @!p0 $0x2  }
0x5c: {  	_ =	swait.ge @!p0 [sflag:s0], s1  }
0x5d: {  	s1 =	ssub.s32 @!p0 $0x0, s1;
	[sflag:s0] =	ssyncset.done @!p0 $0x0  }
0x5e: {  	[sflag:s0] =	ssyncadd.s32 @!p0 s1  }
0x5f: {  	[bflag:$0x3] =	sbarrier.arrive $0xFFFF  }
0x60: {  	_ =	shalt  }

// kernel: scatter_offload_async_start.1
scs
__scs_entry_jumppad:
0x0: {  	(pc) =	sbr.rel $0x88, $3  }
0x1: {  	(tag) =	ssettag $0x0;
	lr =	simm.s32 $0x1  }
0x2: {  	[smem:$0x3F92] =	sst lr;
	_ =	strace $0xD0000000  }
0x3: {  	_ = 	snop  }
0x4: {  	_ = 	snop  }
0x5: {  	_ = 	snop  }
0x6: {  	_ = 	snop  }
0x7: {  	_ = 	snop  }
__scs_overlays_trampoline_lowered:
0x8: {  	[smem:$0x3FA1] =	sst s0  }
0x9: {  	[smem:$0x3FA2] =	sst s1  }
0xa: {  	[smem:$0x3FA3] =	sst s2  }
0xb: {  	[smem:$0x3FA4] =	sst s3  }
0xc: {  	[smem:$0x3FA5] =	sst s4  }
0xd: {  	[smem:$0x3FA6] =	sst s5  }
0xe: {  	[smem:$0x3FA7] =	sst s6  }
0xf: {  	[smem:$0x3FA8] =	sst s7  }
0x10: {  	[smem:$0x3FA9] =	sst s8  }
0x11: {  	[smem:$0x3FAA] =	sst s9;
	s0 =	simm.s32 @!p0 $0x0  }
0x12: {  	s1 =	sld [smem:$0x3F90];
	s0 =	simm.s32 @p0 $0x1  }
0x13: {  	[smem:$0x3FAB] =	sst s0;
	s0 =	simm.s32 @!p1 $0x0  }
0x14: {  	s2 =	sld [smem:$0x3F8F];
	s0 =	simm.s32 @p1 $0x1  }
0x15: {  	[smem:$0x3FAC] =	sst s0;
	s0 =	simm.s32 @!p2 $0x0  }
0x16: {  	s3 =	sld [smem:$0x3FDB];
	s0 =	simm.s32 @p2 $0x1  }
0x17: {  	s4 =	simm.s32 $0x1BF5;
	[smem:$0x3FAE] =	sst s0  }
0x18: {  	s0 =	sld [smem:$0x3F91];
	_ =	swait.ge [sflag:s4], $0x0  }
0x19: {  	s7 =	sld [smem:$0x3F92]  }
0x1a: {  	s8 =	sadd.s32 $0xFFFFE003, lr  }
0x1b: {  	s9 =	sadd.s32 $0xFFFFFEF7, lr;
	s5 =	simm.s32 $0xFFFFFFFF;
	p2 =	slt.u32 s8, $0xFFFFF086  }
0x1c: {  	p1 =	slt.u32 s9, $0xF7A;
	s5 =	simm.s32 @!p2 $0x0  }
0x1d: {  	s5 =	simm.s32 @p1 $0x1;
	p0 =	seq.s32 s7, s2  }
0x1e: {  	s7 =	smul.u32 @!p0 $0xF7A, s2;
	p2 =	seq.s32 @!p0 s5, $0x0  }
0x1f: {  	s9 =	smul.u32 $0xF7A, s1;
	s8 =	simm.s32 @!p0 $0x1BF5;
	p2 =	por !p2, p0  }
0x20: {  	[sflag:s8] =	ssyncset.s32 @!p0 $0xFFFFF086;
	s6 =	sadd.s32 @!p0 s3, s7;
	s7 =	simm.s32 @!p0 $0x108  }
0x21: {  	s3 =	sadd.s32 s3, s9;
	s6 =	sadd.s32 @!p0 $0x88, s6;
	s7 =	simm.s32 @p2 $0x1082  }
0x22: {  	[simem:s7], [sflag:s8] =	dma.local @!p0 [hbm:s6], $0xF7A  }
0x23: {  	s9 =	sor.u32 $0xD0000000, s2;
	s6 =	simm.s32 $0x108;
	_ =	swait.ge @!p0 [sflag:s8], $0x0  }
0x24: {  	s3 =	sadd.s32 $0x88, s3;
	s6 =	simm.s32 @!p1 $0x1082;
	[sflag:s4] =	ssyncset.s32 $0xFFFFF086  }
0x25: {  	[simem:s6], [sflag:s4] =	dma.local [hbm:s3], $0xF7A  }
0x26: {  	[smem:$0x3F92] =	sst s1;
	(tag) =	ssettag s2;
	_ =	strace s9  }
0x27: {  	s1 =	sld [smem:$0x3FA2]  }
0x28: {  	s2 =	sld [smem:$0x3FA3]  }
0x29: {  	s4 =	sld [smem:$0x3FA5]  }
0x2a: {  	p0 =	seq.s32 s5, $0x0;
	s5 =	sld [smem:$0x3FA6]  }
0x2b: {  	s6 =	sld [smem:$0x3FA7]  }
0x2c: {  	s7 =	sld [smem:$0x3FA8]  }
0x2d: {  	s3 =	simm.s32 $0x108;
	s8 =	sld [smem:$0x3FA9]  }
0x2e: {  	s3 =	simm.s32 @!p0 $0x1082;
	s9 =	sld [smem:$0x3FAA]  }
0x2f: {  	lr =	sadd.s32 s0, s3;
	s0 =	sld [smem:$0x3FA1]  }
0x30: {  	s3 =	sld [smem:$0x3FA4]  }
0x31: {  	[smem:$0x3FAD] =	sst s10  }
0x32: {  	s10 =	sld [smem:$0x3FAB];
	_ =	sdelay $0x3  }
0x33: {  	p0 =	seq.s32 s10, $0x1;
	s10 =	sld [smem:$0x3FAD];
	_ =	sdelay $0x3  }
0x34: {  	[smem:$0x3FAD] =	sst s10  }
0x35: {  	s10 =	sld [smem:$0x3FAC];
	_ =	sdelay $0x3  }
0x36: {  	p1 =	seq.s32 s10, $0x1;
	s10 =	sld [smem:$0x3FAD];
	_ =	sdelay $0x3  }
0x37: {  	[smem:$0x3FAD] =	sst s10  }
0x38: {  	s10 =	sld [smem:$0x3FAE]  }
0x39: {  	_ = 	snop;
	(pc) =	sbr.ind lr, $3  }
0x3a: {  	_ = 	snop  }
0x3b: {  	_ = 	snop  }
0x3c: {  	p2 =	seq.s32 s10, $0x1;
	s10 =	sld [smem:$0x3FAD]  }
0x3d: {  	_ =	shalt  }
0x3e: {  	_ =	shalt  }
0x3f: {  	_ =	shalt  }
0x40: {  	_ =	shalt  }
0x41: {  	_ =	shalt  }
0x42: {  	_ =	shalt  }
0x43: {  	_ =	shalt  }
0x44: {  	_ =	shalt  }
0x45: {  	_ =	shalt  }
0x46: {  	_ =	shalt  }
0x47: {  	_ =	shalt  }
0x48: {  	_ =	shalt  }
0x49: {  	_ =	shalt  }
0x4a: {  	_ =	shalt  }
0x4b: {  	_ =	shalt  }
0x4c: {  	_ =	shalt  }
0x4d: {  	_ =	shalt  }
0x4e: {  	_ =	shalt  }
0x4f: {  	_ =	shalt  }
0x50: {  	_ =	shalt  }
0x51: {  	_ =	shalt  }
0x52: {  	_ =	shalt  }
0x53: {  	_ =	shalt  }
0x54: {  	_ =	shalt  }
0x55: {  	_ =	shalt  }
0x56: {  	_ =	shalt  }
0x57: {  	_ =	shalt  }
0x58: {  	_ =	shalt  }
0x59: {  	_ =	shalt  }
0x5a: {  	_ =	shalt  }
0x5b: {  	_ =	shalt  }
0x5c: {  	_ =	shalt  }
0x5d: {  	_ =	shalt  }
0x5e: {  	_ =	shalt  }
0x5f: {  	_ =	shalt  }
0x60: {  	_ =	shalt  }
0x61: {  	_ =	shalt  }
0x62: {  	_ =	shalt  }
0x63: {  	_ =	shalt  }
0x64: {  	_ =	shalt  }
0x65: {  	_ =	shalt  }
0x66: {  	_ =	shalt  }
0x67: {  	_ =	shalt  }
0x68: {  	_ =	shalt  }
0x69: {  	_ =	shalt  }
0x6a: {  	_ =	shalt  }
0x6b: {  	_ =	shalt  }
0x6c: {  	_ =	shalt  }
0x6d: {  	_ =	shalt  }
0x6e: {  	_ =	shalt  }
0x6f: {  	_ =	shalt  }
0x70: {  	_ =	shalt  }
0x71: {  	_ =	shalt  }
0x72: {  	_ =	shalt  }
0x73: {  	_ =	shalt  }
0x74: {  	_ =	shalt  }
0x75: {  	_ =	shalt  }
0x76: {  	_ =	shalt  }
0x77: {  	_ =	shalt  }
0x78: {  	_ =	shalt  }
0x79: {  	_ =	shalt  }
0x7a: {  	_ =	shalt  }
0x7b: {  	_ =	shalt  }
0x7c: {  	_ =	shalt  }
0x7d: {  	_ =	shalt  }
0x7e: {  	_ =	shalt  }
0x7f: {  	_ =	shalt  }
0x80: {  	_ =	shalt  }
0x81: {  	_ =	shalt  }
0x82: {  	_ =	shalt  }
0x83: {  	_ =	shalt  }
0x84: {  	_ =	shalt  }
0x85: {  	_ =	shalt  }
0x86: {  	_ =	shalt  }
0x87: {  	_ =	shalt  }
.Lfunc_end0:
.L_simem_size_0:
called_computation.1_lowered:
.L_overlay_start_0:
0x88: {  	s0 =	sld [smem:$0x3FD9]  }
0x89: {  	s1 =	sld [smem:$0x3FFE];
	_ =	sdelay $0x3  }
0x8a: {  	s0 =	sadd.s32 s1, s0  }
0x8b: {  	[smem:$0x3FB9] =	sst s0  }
0x8c: {  	_ = 	snop  }
0x8d: {  	(tm) =	ssettm $0x1  }
0x8e: {  	s15 =	sld [smem:$0x3FFB];
	_ =	sdelay $0x3  }
0x8f: {  	_ =	strace s15  }
0x90: {  	s0 =	sld [smem:$0x3FFC];
	_ =	sdelay $0x3  }
0x91: {  	_ =	strace s0  }
0x92: {  	s0 =	sld [smem:$0x3FFD];
	_ =	sdelay $0x3  }
0x93: {  	_ =	strace s0  }
0x94: {  	_ =	strace $0x8FFFFFFF  }
0x95: {  	s16 =	sld [smem:$0x3FDB];
	_ =	sdelay $0x1  }
0x96: {  	s17 =	simm.s32 $_scs_section_size  }
0x97: {  	s2 =	simm.s32 $_size__tile_overlayer_lowered;
	s3 =	simm.s32 $_tile_overlayer_lowered  }
0x98: {  	s20 =	simm.s32 $0x1BFF;
	s19 =	sshll.u32 s3, $0x1;
	s0 =	sadd.s32 s17, s16  }
0x99: {  	s4 =	simm.s32 $0x0;
	s18 =	sshll.u32 s2, $0x1;
	s2 =	sadd.s32 s19, s0  }
0x9a: {  	[timem:s4], [sflag:s20] =	dma.local [hbm:s2], s18  }
0x9b: {  	_ =	swait.ge [sflag:s20], s18  }
0x9c: {  	s1 =	ssub.s32 $0x0, s18;
	[sflag:s20] =	ssyncset.done $0x0  }
0x9d: {  	[sflag:s20] =	ssyncadd.s32 s1;
	_ =	sdelay $0x1  }
0x9e: {  	s21 =	simm.s32 $0x1B8B  }
0x9f: {  	_ =	swait.ge [sflag:s21], $0x1  }
0xa0: {  	[sflag:s21] =	ssyncset.done $0x0  }
0xa1: {  	s23 =	simm.s32 $0x1B8E;
	s22 =	sld [smem:$0x3FFE];
	[sflag:s21] =	ssyncadd.s32 $0xFFFFFFFF  }
0xa2: {  	s24 =	simm.s32 $execute0_lowered;
	[smem:$0x3FD2] =	sst s23  }
0xa3: {  	s2 =	sshll.u32 s24, $0x1;
	_ =	strace $0x8000004C;
	[dreg:$0x1] =	wrdreg $0xFFFFFFFF  }
0xa4: {  	s25 =	simm.s32 $_size_execute0_lowered;
	s0 =	sadd.s32 s0, s2;
	[dreg:$0x0] =	wrdreg $0x0  }
0xa5: {  	s2 =	sshll.u32 s25, $0x1;
	[dreg:$0x2] =	wrdreg s0  }
0xa6: {  	[dreg:$0x3] =	wrdreg s2  }
0xa7: {  	[dreg:$0x4] =	wrdreg $0xC0  }
0xa8: {  	_ =	task [dreg:s4], $0x5FFFF  }
0xa9: {  	[dreg:$0x1] =	wrdreg $0xFFFFFFFF  }
0xaa: {  	[dreg:$0x0] =	wrdreg $0x60  }
0xab: {  	[dreg:$0x2] =	wrdreg s22  }
0xac: {  	[dreg:$0x3] =	wrdreg $0x9  }
0xad: {  	_ =	task.clear_ibuf [dreg:s4], $0x4FFFF;
	_ =	strace $0x9000004C  }
0xae: {  	s26 =	simm.s32 $0x9;
	_ =	strace $0x8000004E  }
0xaf: {  	_ =	swait.ge [sflag:s26], $0x1  }
0xb0: {  	[sflag:s26] =	ssyncadd.s32 $0xFFFFFFFF  }
0xb1: {  	_ =	strace $0x9000004E  }
0xb2: {  	_ =	sfence  }
0xb3: {  	s28 =	sld [smem:$0x0];
	_ =	sdelay $0x1  }
0xb4: {  	s29 =	srdreg.scid  }
0xb5: {  	s30 =	sshll.u32 s29, $0xD;
	s31 =	sshrl.u32 s29, $0x2  }
0xb6: {  	s1 =	sand.u32 $0x1, s29;
	s2 =	sand.u32 $0x4000, s30;
	s0 =	sadd.s32 s31, s28  }
0xb7: {  	s1 =	sor.u32 s2, s1;
	s0 =	sshll.u32 s0, $0x11  }
0xb8: {  	s0 =	sor.u32 s0, s1  }
0xb9: {  	s0 =	sadd.s32 $0x8F2B, s0  }
0xba: {  	[sflag:s0] =	ssyncadd.remote.s32 $0x1  }
0xbb: {  	_ =	sfence.sel $0xFFFF  }
0xbc: {  	[dreg:$0x0] =	wrdreg $0xFFFFFFFF;
	(pc) =	sbr.abs _section_cstart, $3  }
0xbd: {  	[dreg:$0x1] =	wrdreg $0xFFFFFFFF  }
0xbe: {  	_ =	task.clear_ibuf [dreg:s4], $0x2FFFF;
	_ =	strace $0x9FFFFFFF  }
0xbf: {  	(tm) =	ssettm $0x7FFFFFFF  }
tec
execute0_lowered:
.L_overlay_start_1:
0x0: {  	(tag) =	ssettag $0x1  }
0x1: {  	s7 =	rddreg [dreg:$0x0]  }
0x2: {  	s0 =	rddreg [dreg:$0x1]  }
0x3: {  	_ =	strace $0x8000004D;
	s3 =	stileid.u32;
	s4 =	simm.s32 $0x3E  }
0x4: {  	s1 =	sadd.s32 $0x33400, s7;
	p0 =	sne.s32 s3, $0x0;
	[sflag:s4] =	ssyncpa.u1 $0x0  }
0x5: {  	s30 =	smin.u32 s3, $0x4;
	s2 =	simm.s32 @!p0 $0x1C3E;
	s5 =	simm.s32 @!p0 $0x0  }
0x6: {  	[spmem:s5], [sflag:s2] =	dma.local @!p0 [hbm:s1], $0x500  }
0x7: {  	s2 =	sadd.s32 s3, s30  }
0x8: {  	p1 =	slt.u32 s3, $0x4;
	s3 =	simm.s32 $0x3E80;
	s2 =	smul.u32 $0x1F40, s2  }
0x9: {  	s3 =	simm.s32 @!p1 $0x1F40  }
0xa: {  	s3 =	sadd.s32 s3, s2  }
0xb: {  	s3 =	smin.u32 s3, $0x27100  }
0xc: {  	s8 =	ssub.s32 s3, s2  }
0xd: {  	p1 =	sgt.s32 s8, $0x0  }
0xe: {  	s8 =	simm.s32 @!p1 $0x0  }
0xf: {  	s5 =	simm.s32 @!p0 $0x3E;
	s31 =	smulhi.u32 $0x10624DD3, s8  }
0x10: {  	_ =	swait.ge @!p0 [sflag:s5], $0x500  }
0x11: {  	s6 =	simm.s32 $0x2;
	[sflag:s5] =	ssyncset.done @!p0 $0x0;
	s9 =	sshrl.u32 s31, $0x9  }
0x12: {  	s11 =	simm.s32 $0x0;
	[sflag:s5] =	ssyncadd.s32 @!p0 $0xFFFFFB00;
	s10 =	smul.u32 $0x1F40, s9  }
.Ltmp0:
0x13: {  	s5 =	sadd.s32 $0x6400, s7;
	[bflag:$0x0] =	sbarrier.arrive $0xFFFF;
	(pc) =	sbr.rel .LBB2_1-.Ltmp0, $4  }
0x14: {  	s7 =	sadd.s32 $0x33A00, s7;
	[sflag:s4] =	ssyncpa.u1 $0x1;
	s4 =	simm.s32 $0x1  }
0x15: {  	[sflag:s4] =	ssyncpa.u1 $0x0;
	p1 =	sne.s32 s8, s10;
	s8 =	simm.s32 $0x1  }
0x16: {  	(ifvalue) =	ssetifvalue $0x2800;
	[sflag:s6] =	ssyncpa.u1 $0x0;
	s8 =	simm.s32 @!p1 $0x0  }
0x17: {  	vm0 =	vmmov $0xffff;
	s10 =	smov.u32 s2;
	s8 =	sadd.s32 s8, s9;
	s9 =	simm.s32 $0x0  }
.LBB2_5:
0x18: {  	p2 =	sne.s32 s11, s8  }
.Ltmp1:
0x19: {  	_ = 	snop;
	(pc) =	sbr.rel @!p2 .LBB2_6-.Ltmp1, $4  }
0x1a: {  	_ = 	snop  }
0x1b: {  	s12 =	sadd.s32 $0x1F40, s10  }
0x1c: {  	s10 =	smov.u32 s2;
	s13 =	sadd.s32 $0x1, s11;
	p1 =	slt.s32 s12, s3  }
0x1d: {  	s11 =	smov.u32 s13;
	s10 =	smov.u32 @p1 s12  }
.LBB2_1:
0x1e: {  	p1 =	sge.u32 s11, s8  }
0x1f: {  	s12 =	sxor.u32 @!p1 $0xFFFFFFFF, s11  }
0x20: {  	s12 =	sand.u32 @!p1 $0x1, s12  }
0x21: {  	s12 =	smul.u32 @!p1 $0x1F40, s12  }
0x22: {  	s13 =	sshrl.u32 @!p1 s10, $0x3  }
0x23: {  	s16 =	sand.u32 @!p1 $0x7, s10;
	s14 =	sadd.s32 @!p1 s5, s13;
	s15 =	sadd.s32 @!p1 $0x280, s12  }
0x24: {  	[tilespmem:s15], [sflag:$0x2] =	stream.linear.gather @!p1 [hbm4b:s14+s16], $0x1F40, $0x38;
	[tilespmem:$0x7F80] =	vst v63  }
0x25: {  	s13 =	sadd.s32 @!p1 s7, s13;
	s12 =	sadd.s32 @!p1 $0x4100, s12  }
0x26: {  	[tilespmem:s12], [sflag:$0x2] =	stream.linear.gather @!p1 [hbm4b:s13+s16], $0x1F40, $0x38;
	[tilespmem:$0x7F80] =	vst v63  }
0x27: {  	p1 =	seq.s32 s11, $0x0  }
.Ltmp2:
0x28: {  	_ = 	snop;
	(pc) =	sbr.rel @p1 .LBB2_5-.Ltmp2, $1  }
0x29: {  	_ =	sdelay $0x3  }
0x2a: {  	s12 =	sand.u32 $0x1, s11  }
0x2b: {  	_ =	swait.ge [sflag:s6], $0x3E80;
	p1 =	seq.s32 s12, $0x1;
	s12 =	simm.s32 $0x1F40  }
0x2c: {  	[sflag:s6] =	ssyncset.done $0x0;
	s12 =	simm.s32 @!p1 $0x0  }
0x2d: {  	[sflag:s6] =	ssyncadd.s32 $0xFFFFC180;
	s14 =	sadd.s32 $0x280, s12  }
0x2e: {  	v0 =	vld.msk [tilespmem:s14+$0x0 ss:$0x1], $0xffff;
	_ =	sdelay $0x4  }
0x2f: {  	v0 =	vmin.u32 v0, $0x2800;
	_ =	sdelay $0x3  }
0x30: {  	s13 =	simm.s32 $0x0;
	s12 =	sadd.s32 $0x4100, s12;
	s14 =	sadd.s32 $0x10, s14  }
0x31: {  	[spmem:s9] =	stream.indirect_vreg.scatter.add.s32 [tilespmem:s12], [sflag:$0x1], $0x1, v0, vm0, $0x4038;
	[tilespmem:$0x7F80] =	vst v63  }
.LBB2_3:
0x32: {  	v0 =	vld.msk [tilespmem:s14+$0x0 ss:$0x1], $0xffff;
	s13 =	sadd.s32 $0x10, s13  }
0x33: {  	p1 =	slt.u32 s13, $0x1F30;
	_ =	sdelay $0x4  }
0x34: {  	v0 =	vmin.u32 v0, $0x2800  }
.Ltmp3:
0x35: {  	(pc) =	sbr.rel @p1 .LBB2_3-.Ltmp3, $3  }
0x36: {  	_ =	sdelay $0x1  }
0x37: {  	s14 =	sadd.s32 $0x10, s14;
	s12 =	sadd.s32 $0x10, s12  }
0x38: {  	[spmem:s9] =	stream.indirect_vreg.scatter.add.s32 [tilespmem:s12], [sflag:$0x1], $0x1, v0, vm0, $0x4038;
	[tilespmem:$0x7F80] =	vst v63  }
.Ltmp4:
0x39: {  	(pc) =	sbr.rel .LBB2_5-.Ltmp4, $4  }
0x3a: {  	_ = 	snop  }
0x3b: {  	_ =	swait.ge [sflag:s4], $0x1F40  }
0x3c: {  	[sflag:s4] =	ssyncset.done $0x0  }
0x3d: {  	[sflag:s4] =	ssyncadd.s32 $0xFFFFE0C0  }
.LBB2_6:
0x3e: {  	_ =	sfence.sel $0x180000  }
0x3f: {  	s2 =	simm.s32 $0x2;
	[bflag:$0x0] =	sbarrier.arrive $0xFFFF  }
0x40: {  	s30 =	simm.s32 $0x1;
	[sflag:s2] =	ssyncpa.u1 $0x1  }
0x41: {  	[sflag:s30] =	ssyncpa.u1 $0x1  }
0x42: {  	_ =	sfence.stream.spmem  }
0x43: {  	s31 =	simm.s32 $0x3D;
	[bflag:$0x0] =	sbarrier.arrive $0xFFFF  }
0x44: {  	s2 =	simm.s32 @p0 $0x3D;
	[sflag:s31] =	ssyncpa.u1 $0x0  }
0x45: {  	[sflag:s2] =	ssyncpa.u1 @p0 $0x1  }
0x46: {  	[bflag:$0x0] =	sbarrier.arrive @p0 $0xFFFF  }
0x47: {  	_ =	strace @p0 $0x9000004D  }
0x48: {  	s3 =	simm.s32 @!p0 $0x1C3D;
	s2 =	simm.s32 @!p0 $0x0;
	[bflag:$0x2] =	sbarrier.arrive @p0 $0xFFFF  }
0x49: {  	[hbm:s1], [sflag:s3] =	dma.local @!p0 [spmem:s2], $0x500  }
0x4a: {  	s1 =	simm.s32 @!p0 $0x3D  }
0x4b: {  	_ =	swait.ge @!p0 [sflag:s1], $0x500  }
0x4c: {  	[sflag:s1] =	ssyncset.done @!p0 $0x0  }
0x4d: {  	[sflag:s1] =	ssyncadd.s32 @!p0 $0xFFFFFB00  }
0x4e: {  	[sflag:s1] =	ssyncpa.u1 @!p0 $0x1  }
0x4f: {  	[bflag:$0x0] =	sbarrier.arrive @!p0 $0xFFFF  }
0x50: {  	_ =	strace @!p0 $0x9000004D  }
0x51: {  	s0 =	sadd.s32 @!p0 $0x100000, s0;
	[bflag:$0x2] =	sbarrier.arrive @!p0 $0xFFFF  }
0x52: {  	[sflag:s0] =	ssyncadd.tile.s32 @!p0 $0x1;
	_ =	shalt  }
.Lfunc_end2:
_tile_overlayer_lowered:
.L_overlay_start_2:
0x53: {  	(tag) =	ssettag $0x2  }
0x54: {  	s0 =	rddreg [dreg:$0x0];
	s2 =	stileid.u32  }
0x55: {  	s1 =	rddreg [dreg:$0x1];
	p0 =	sne.s32 s2, $0x0  }
0x56: {  	s3 =	rddreg [dreg:$0x2];
	[bflag:$0x3] =	sbarrier.arrive $0xFFFF;
	s2 =	simm.s32 @!p0 $0x1C01  }
0x57: {  	[timem:s3], [sflag:s2] =	dma.local @!p0 [hbm:s0], s1  }
0x58: {  	s0 =	simm.s32 @!p0 $0x1  }
0x59: {  	_ =	swait.ge @!p0 [sflag:s0], s1  }
0x5a: {  	s1 =	ssub.s32 @!p0 $0x0, s1;
	[sflag:s0] =	ssyncset.done @!p0 $0x0  }
0x5b: {  	[sflag:s0] =	ssyncadd.s32 @!p0 s1  }
0x5c: {  	[bflag:$0x3] =	sbarrier.arrive $0xFFFF  }
0x5d: {  	_ =	shalt  }

// kernel: scatter_offload_async_start
scs
__scs_entry_jumppad:
0x0: {  	(pc) =	sbr.rel $0x88, $3  }
0x1: {  	(tag) =	ssettag $0x0;
	lr =	simm.s32 $0x1  }
0x2: {  	[smem:$0x3F92] =	sst lr;
	_ =	strace $0xD0000000  }
0x3: {  	_ = 	snop  }
0x4: {  	_ = 	snop  }
0x5: {  	_ = 	snop  }
0x6: {  	_ = 	snop  }
0x7: {  	_ = 	snop  }
__scs_overlays_trampoline_lowered:
0x8: {  	[smem:$0x3FA1] =	sst s0  }
0x9: {  	[smem:$0x3FA2] =	sst s1  }
0xa: {  	[smem:$0x3FA3] =	sst s2  }
0xb: {  	[smem:$0x3FA4] =	sst s3  }
0xc: {  	[smem:$0x3FA5] =	sst s4  }
0xd: {  	[smem:$0x3FA6] =	sst s5  }
0xe: {  	[smem:$0x3FA7] =	sst s6  }
0xf: {  	[smem:$0x3FA8] =	sst s7  }
0x10: {  	[smem:$0x3FA9] =	sst s8  }
0x11: {  	[smem:$0x3FAA] =	sst s9;
	s0 =	simm.s32 @!p0 $0x0  }
0x12: {  	s1 =	sld [smem:$0x3F90];
	s0 =	simm.s32 @p0 $0x1  }
0x13: {  	[smem:$0x3FAB] =	sst s0;
	s0 =	simm.s32 @!p1 $0x0  }
0x14: {  	s2 =	sld [smem:$0x3F8F];
	s0 =	simm.s32 @p1 $0x1  }
0x15: {  	[smem:$0x3FAC] =	sst s0;
	s0 =	simm.s32 @!p2 $0x0  }
0x16: {  	s3 =	sld [smem:$0x3FDB];
	s0 =	simm.s32 @p2 $0x1  }
0x17: {  	s4 =	simm.s32 $0x1BF5;
	[smem:$0x3FAE] =	sst s0  }
0x18: {  	s0 =	sld [smem:$0x3F91];
	_ =	swait.ge [sflag:s4], $0x0  }
0x19: {  	s7 =	sld [smem:$0x3F92]  }
0x1a: {  	s8 =	sadd.s32 $0xFFFFE003, lr  }
0x1b: {  	s9 =	sadd.s32 $0xFFFFFEF7, lr;
	s5 =	simm.s32 $0xFFFFFFFF;
	p2 =	slt.u32 s8, $0xFFFFF086  }
0x1c: {  	p1 =	slt.u32 s9, $0xF7A;
	s5 =	simm.s32 @!p2 $0x0  }
0x1d: {  	s5 =	simm.s32 @p1 $0x1;
	p0 =	seq.s32 s7, s2  }
0x1e: {  	s7 =	smul.u32 @!p0 $0xF7A, s2;
	p2 =	seq.s32 @!p0 s5, $0x0  }
0x1f: {  	s9 =	smul.u32 $0xF7A, s1;
	s8 =	simm.s32 @!p0 $0x1BF5;
	p2 =	por !p2, p0  }
0x20: {  	[sflag:s8] =	ssyncset.s32 @!p0 $0xFFFFF086;
	s6 =	sadd.s32 @!p0 s3, s7;
	s7 =	simm.s32 @!p0 $0x108  }
0x21: {  	s3 =	sadd.s32 s3, s9;
	s6 =	sadd.s32 @!p0 $0x88, s6;
	s7 =	simm.s32 @p2 $0x1082  }
0x22: {  	[simem:s7], [sflag:s8] =	dma.local @!p0 [hbm:s6], $0xF7A  }
0x23: {  	s9 =	sor.u32 $0xD0000000, s2;
	s6 =	simm.s32 $0x108;
	_ =	swait.ge @!p0 [sflag:s8], $0x0  }
0x24: {  	s3 =	sadd.s32 $0x88, s3;
	s6 =	simm.s32 @!p1 $0x1082;
	[sflag:s4] =	ssyncset.s32 $0xFFFFF086  }
0x25: {  	[simem:s6], [sflag:s4] =	dma.local [hbm:s3], $0xF7A  }
0x26: {  	[smem:$0x3F92] =	sst s1;
	(tag) =	ssettag s2;
	_ =	strace s9  }
0x27: {  	s1 =	sld [smem:$0x3FA2]  }
0x28: {  	s2 =	sld [smem:$0x3FA3]  }
0x29: {  	s4 =	sld [smem:$0x3FA5]  }
0x2a: {  	p0 =	seq.s32 s5, $0x0;
	s5 =	sld [smem:$0x3FA6]  }
0x2b: {  	s6 =	sld [smem:$0x3FA7]  }
0x2c: {  	s7 =	sld [smem:$0x3FA8]  }
0x2d: {  	s3 =	simm.s32 $0x108;
	s8 =	sld [smem:$0x3FA9]  }
0x2e: {  	s3 =	simm.s32 @!p0 $0x1082;
	s9 =	sld [smem:$0x3FAA]  }
0x2f: {  	lr =	sadd.s32 s0, s3;
	s0 =	sld [smem:$0x3FA1]  }
0x30: {  	s3 =	sld [smem:$0x3FA4]  }
0x31: {  	[smem:$0x3FAD] =	sst s10  }
0x32: {  	s10 =	sld [smem:$0x3FAB];
	_ =	sdelay $0x3  }
0x33: {  	p0 =	seq.s32 s10, $0x1;
	s10 =	sld [smem:$0x3FAD];
	_ =	sdelay $0x3  }
0x34: {  	[smem:$0x3FAD] =	sst s10  }
0x35: {  	s10 =	sld [smem:$0x3FAC];
	_ =	sdelay $0x3  }
0x36: {  	p1 =	seq.s32 s10, $0x1;
	s10 =	sld [smem:$0x3FAD];
	_ =	sdelay $0x3  }
0x37: {  	[smem:$0x3FAD] =	sst s10  }
0x38: {  	s10 =	sld [smem:$0x3FAE]  }
0x39: {  	_ = 	snop;
	(pc) =	sbr.ind lr, $3  }
0x3a: {  	_ = 	snop  }
0x3b: {  	_ = 	snop  }
0x3c: {  	p2 =	seq.s32 s10, $0x1;
	s10 =	sld [smem:$0x3FAD]  }
0x3d: {  	_ =	shalt  }
0x3e: {  	_ =	shalt  }
0x3f: {  	_ =	shalt  }
0x40: {  	_ =	shalt  }
0x41: {  	_ =	shalt  }
0x42: {  	_ =	shalt  }
0x43: {  	_ =	shalt  }
0x44: {  	_ =	shalt  }
0x45: {  	_ =	shalt  }
0x46: {  	_ =	shalt  }
0x47: {  	_ =	shalt  }
0x48: {  	_ =	shalt  }
0x49: {  	_ =	shalt  }
0x4a: {  	_ =	shalt  }
0x4b: {  	_ =	shalt  }
0x4c: {  	_ =	shalt  }
0x4d: {  	_ =	shalt  }
0x4e: {  	_ =	shalt  }
0x4f: {  	_ =	shalt  }
0x50: {  	_ =	shalt  }
0x51: {  	_ =	shalt  }
0x52: {  	_ =	shalt  }
0x53: {  	_ =	shalt  }
0x54: {  	_ =	shalt  }
0x55: {  	_ =	shalt  }
0x56: {  	_ =	shalt  }
0x57: {  	_ =	shalt  }
0x58: {  	_ =	shalt  }
0x59: {  	_ =	shalt  }
0x5a: {  	_ =	shalt  }
0x5b: {  	_ =	shalt  }
0x5c: {  	_ =	shalt  }
0x5d: {  	_ =	shalt  }
0x5e: {  	_ =	shalt  }
0x5f: {  	_ =	shalt  }
0x60: {  	_ =	shalt  }
0x61: {  	_ =	shalt  }
0x62: {  	_ =	shalt  }
0x63: {  	_ =	shalt  }
0x64: {  	_ =	shalt  }
0x65: {  	_ =	shalt  }
0x66: {  	_ =	shalt  }
0x67: {  	_ =	shalt  }
0x68: {  	_ =	shalt  }
0x69: {  	_ =	shalt  }
0x6a: {  	_ =	shalt  }
0x6b: {  	_ =	shalt  }
0x6c: {  	_ =	shalt  }
0x6d: {  	_ =	shalt  }
0x6e: {  	_ =	shalt  }
0x6f: {  	_ =	shalt  }
0x70: {  	_ =	shalt  }
0x71: {  	_ =	shalt  }
0x72: {  	_ =	shalt  }
0x73: {  	_ =	shalt  }
0x74: {  	_ =	shalt  }
0x75: {  	_ =	shalt  }
0x76: {  	_ =	shalt  }
0x77: {  	_ =	shalt  }
0x78: {  	_ =	shalt  }
0x79: {  	_ =	shalt  }
0x7a: {  	_ =	shalt  }
0x7b: {  	_ =	shalt  }
0x7c: {  	_ =	shalt  }
0x7d: {  	_ =	shalt  }
0x7e: {  	_ =	shalt  }
0x7f: {  	_ =	shalt  }
0x80: {  	_ =	shalt  }
0x81: {  	_ =	shalt  }
0x82: {  	_ =	shalt  }
0x83: {  	_ =	shalt  }
0x84: {  	_ =	shalt  }
0x85: {  	_ =	shalt  }
0x86: {  	_ =	shalt  }
0x87: {  	_ =	shalt  }
.Lfunc_end0:
.L_simem_size_0:
called_computation_lowered:
.L_overlay_start_0:
0x88: {  	s0 =	sld [smem:$0x3FD9]  }
0x89: {  	s1 =	sld [smem:$0x3FFE];
	_ =	sdelay $0x3  }
0x8a: {  	s0 =	sadd.s32 s1, s0  }
0x8b: {  	[smem:$0x3FB9] =	sst s0  }
0x8c: {  	_ = 	snop  }
0x8d: {  	(tm) =	ssettm $0x1  }
0x8e: {  	s14 =	sld [smem:$0x3FFB];
	_ =	sdelay $0x3  }
0x8f: {  	_ =	strace s14  }
0x90: {  	s0 =	sld [smem:$0x3FFC];
	_ =	sdelay $0x3  }
0x91: {  	_ =	strace s0  }
0x92: {  	s0 =	sld [smem:$0x3FFD];
	_ =	sdelay $0x3  }
0x93: {  	_ =	strace s0  }
0x94: {  	_ =	strace $0x8FFFFFFF  }
0x95: {  	s15 =	sld [smem:$0x3FDB];
	_ =	sdelay $0x1  }
0x96: {  	s16 =	simm.s32 $_scs_section_size  }
0x97: {  	s2 =	simm.s32 $_size__tile_overlayer_lowered;
	s3 =	simm.s32 $_tile_overlayer_lowered  }
0x98: {  	s4 =	simm.s32 $0x1BFF;
	s17 =	sshll.u32 s3, $0x1;
	s1 =	sadd.s32 s16, s15  }
0x99: {  	s18 =	simm.s32 $0x0;
	s2 =	sshll.u32 s2, $0x1;
	s3 =	sadd.s32 s17, s1  }
0x9a: {  	[timem:s18], [sflag:s4] =	dma.local [hbm:s3], s2  }
0x9b: {  	_ =	swait.ge [sflag:s4], s2  }
0x9c: {  	s2 =	ssub.s32 $0x0, s2;
	[sflag:s4] =	ssyncset.done $0x0  }
0x9d: {  	[sflag:s4] =	ssyncadd.s32 s2;
	_ =	sdelay $0x1  }
0x9e: {  	s19 =	simm.s32 $0x1B8B  }
0x9f: {  	_ =	swait.ge [sflag:s19], $0x1  }
0xa0: {  	[sflag:s19] =	ssyncset.done $0x0  }
0xa1: {  	s21 =	simm.s32 $0x1B8E;
	s20 =	sld [smem:$0x3FFE];
	[sflag:s19] =	ssyncadd.s32 $0xFFFFFFFF  }
0xa2: {  	s22 =	simm.s32 $execute0_lowered;
	[smem:$0x3FD2] =	sst s21  }
0xa3: {  	s3 =	sshll.u32 s22, $0x1;
	_ =	strace $0x80000046;
	[dreg:$0x1] =	wrdreg $0xFFFFFFFF  }
0xa4: {  	s23 =	simm.s32 $_size_execute0_lowered;
	s3 =	sadd.s32 s1, s3;
	[dreg:$0x0] =	wrdreg $0x0  }
0xa5: {  	s4 =	sshll.u32 s23, $0x1;
	[dreg:$0x2] =	wrdreg s3  }
0xa6: {  	[dreg:$0x3] =	wrdreg s4  }
0xa7: {  	[dreg:$0x4] =	wrdreg $0xC0  }
0xa8: {  	s24 =	simm.s32 $execute1_lowered;
	_ =	task [dreg:s18], $0x5FFFF  }
0xa9: {  	s3 =	sshll.u32 s24, $0x1;
	[dreg:$0x1] =	wrdreg $0xFFFFFFFF  }
0xaa: {  	s1 =	sadd.s32 s1, s3;
	[dreg:$0x0] =	wrdreg $0x60  }
0xab: {  	[dreg:$0x2] =	wrdreg s1  }
0xac: {  	[dreg:$0x3] =	wrdreg s20  }
0xad: {  	[dreg:$0x4] =	wrdreg $0x9  }
0xae: {  	_ =	task.clear_ibuf [dreg:s18], $0x5FFFF;
	_ =	strace $0x90000046  }
0xaf: {  	s25 =	simm.s32 $0x9;
	_ =	strace $0x80000048  }
0xb0: {  	_ =	swait.ge [sflag:s25], $0x1  }
0xb1: {  	[sflag:s25] =	ssyncadd.s32 $0xFFFFFFFF  }
0xb2: {  	_ =	strace $0x90000048  }
0xb3: {  	_ =	strace $0x80000049;
	[dreg:$0x1] =	wrdreg $0xFFFFFFFF  }
0xb4: {  	[dreg:$0x0] =	wrdreg $0x2030  }
0xb5: {  	[dreg:$0x2] =	wrdreg s20  }
0xb6: {  	[dreg:$0x3] =	wrdreg $0xA  }
0xb7: {  	_ =	task.clear_ibuf [dreg:s18], $0x4FFFF;
	_ =	strace $0x90000049  }
0xb8: {  	s26 =	simm.s32 $0xA;
	_ =	strace $0x8000004B  }
0xb9: {  	_ =	swait.ge [sflag:s26], $0x1  }
0xba: {  	[sflag:s26] =	ssyncadd.s32 $0xFFFFFFFF  }
0xbb: {  	_ =	strace $0x9000004B  }
0xbc: {  	_ =	sfence  }
0xbd: {  	s28 =	sld [smem:$0x0];
	_ =	sdelay $0x1  }
0xbe: {  	s29 =	srdreg.scid  }
0xbf: {  	s30 =	sshll.u32 s29, $0xD;
	s31 =	sshrl.u32 s29, $0x2  }
0xc0: {  	s2 =	sand.u32 $0x1, s29;
	s3 =	sand.u32 $0x4000, s30;
	s1 =	sadd.s32 s31, s28  }
0xc1: {  	s2 =	sor.u32 s3, s2;
	s1 =	sshll.u32 s1, $0x11  }
0xc2: {  	s1 =	sor.u32 s1, s2  }
0xc3: {  	s1 =	sadd.s32 $0x8F2B, s1  }
0xc4: {  	[sflag:s1] =	ssyncadd.remote.s32 $0x1  }
0xc5: {  	_ =	sfence.sel $0xFFFF  }
0xc6: {  	[dreg:$0x0] =	wrdreg $0xFFFFFFFF;
	(pc) =	sbr.abs _section_cstart, $3  }
0xc7: {  	[dreg:$0x1] =	wrdreg $0xFFFFFFFF  }
0xc8: {  	_ =	task.clear_ibuf [dreg:s18], $0x2FFFF;
	_ =	strace $0x9FFFFFFF  }
0xc9: {  	(tm) =	ssettm $0x7FFFFFFF  }
tec
execute0_lowered:
.L_overlay_start_1:
0x0: {  	(tag) =	ssettag $0x1  }
0x1: {  	s2 =	rddreg [dreg:$0x0]  }
0x2: {  	s4 =	rddreg [dreg:$0x1]  }
0x3: {  	s0 =	rddreg [dreg:$0x2];
	s3 =	stileid.u32  }
0x4: {  	[bflag:$0x3] =	sbarrier.arrive $0xFFFF;
	s1 =	simm.s32 $_size_execute1_lowered;
	p0 =	sne.s32 s3, $0x0  }
0x5: {  	s1 =	sshll.u32 s1, $0x1;
	s5 =	simm.s32 @!p0 $0x1C3F;
	s6 =	simm.s32 @!p0 $0x4060  }
0x6: {  	[timem:s6], [sflag:s5] =	dma.local @!p0 [hbm:s2], s1  }
0x7: {  	s2 =	smul.u32 $0x280, s3  }
.Ltmp0:
0x8: {  	s31 =	simm.s32 $0x2;
	s7 =	simm.s32 $0x280;
	(pc) =	sbr.rel .LBB2_1-.Ltmp0, $4  }
0x9: {  	s8 =	simm.s32 $0x780;
	s10 =	simm.s32 $0x0;
	s9 =	simm.s32 $0x0  }
0xa: {  	s3 =	simm.s32 $0x1;
	_ =	strace $0x80000047;
	s30 =	sshrl.u32 s2, $0x3  }
0xb: {  	s6 =	simm.s32 $0x0;
	[sflag:s3] =	ssyncpa.u1 $0x0;
	s5 =	sadd.s32 s30, s4  }
0xc: {  	s4 =	sadd.s32 $0x38A00, s4;
	[sflag:s31] =	ssyncpa.u1 $0x0;
	s5 =	sadd.s32 $0x33400, s5  }
.LBB2_8:
0xd: {  	p1 =	seq.s32 s9, $0x2  }
.Ltmp1:
0xe: {  	_ = 	snop;
	(pc) =	sbr.rel @p1 .LBB2_10-.Ltmp1, $1  }
0xf: {  	_ =	sdelay $0x3  }
.LBB2_9:
0x10: {  	s9 =	sadd.s32 $0x1, s9;
	s10 =	smov.u32 s2  }
.LBB2_1:
0x11: {  	p1 =	sne.s32 s9, $0x0  }
.Ltmp2:
0x12: {  	_ = 	snop;
	(pc) =	sbr.rel @!p1 .LBB2_2-.Ltmp2, $1  }
0x13: {  	_ =	sdelay $0x3  }
0x14: {  	s11 =	sand.u32 $0x1, s9  }
0x15: {  	p1 =	seq.s32 s11, $0x0  }
.Ltmp3:
0x16: {  	_ = 	snop;
	(pc) =	sbr.rel @p1 .LBB2_8-.Ltmp3, $1  }
0x17: {  	_ =	sdelay $0x3  }
0x18: {  	_ =	swait.ge [sflag:s3], $0x280  }
0x19: {  	[sflag:s3] =	ssyncset.done $0x0  }
0x1a: {  	s11 =	simm.s32 $0x0;
	p1 =	por $0x1, $0x1;
	[sflag:s3] =	ssyncadd.s32 $0xFFFFFD80  }
.LBB2_5:
0x1b: {  	v0 =	vld [tilespmem:s11+$0x280]  }
0x1c: {  	v1 =	vld [tilespmem:s11+$0x290]  }
0x1d: {  	v2 =	vld [tilespmem:s11+$0x2A0]  }
0x1e: {  	v3 =	vld [tilespmem:s11+$0x2B0]  }
0x1f: {  	v4 =	vld [tilespmem:s11+$0x2C0]  }
0x20: {  	v53 =	vld [tilespmem:s11+$0x2D0];
	[tilespmem:s11+$0x780] =	vst v0  }
0x21: {  	v54 =	vld [tilespmem:s11+$0x2E0];
	[tilespmem:s11+$0x790] =	vst v1  }
0x22: {  	v55 =	vld [tilespmem:s11+$0x2F0];
	[tilespmem:s11+$0x7A0] =	vst v2  }
0x23: {  	v56 =	vld [tilespmem:s11+$0x300];
	[tilespmem:s11+$0x7B0] =	vst v3  }
0x24: {  	v57 =	vld [tilespmem:s11+$0x310];
	[tilespmem:s11+$0x7C0] =	vst v4  }
0x25: {  	v58 =	vld [tilespmem:s11+$0x320];
	[tilespmem:s11+$0x7D0] =	vst v53  }
0x26: {  	v59 =	vld [tilespmem:s11+$0x330];
	[tilespmem:s11+$0x7E0] =	vst v54  }
0x27: {  	v60 =	vld [tilespmem:s11+$0x340];
	[tilespmem:s11+$0x7F0] =	vst v55  }
0x28: {  	v61 =	vld [tilespmem:s11+$0x350];
	[tilespmem:s11+$0x800] =	vst v56  }
0x29: {  	v62 =	vld [tilespmem:s11+$0x360];
	[tilespmem:s11+$0x810] =	vst v57  }
0x2a: {  	v63 =	vld [tilespmem:s11+$0x370];
	p2 =	por p1, p1;
	[tilespmem:s11+$0x820] =	vst v58  }
.Ltmp4:
0x2b: {  	[tilespmem:s11+$0x830] =	vst v59;
	(pc) =	sbr.rel @p2 .LBB2_5-.Ltmp4, $4  }
0x2c: {  	[tilespmem:s11+$0x840] =	vst v60  }
0x2d: {  	[tilespmem:s11+$0x850] =	vst v61  }
0x2e: {  	s12 =	simm.s32 $0x1F0;
	s13 =	simm.s32 $0x980;
	[tilespmem:s11+$0x860] =	vst v62  }
0x2f: {  	s14 =	simm.s32 $0x480;
	p1 =	por $0x0, $0x0;
	[tilespmem:s11+$0x870] =	vst v63;
	s11 =	simm.s32 $0x100  }
.LBB2_6:
0x30: {  	s12 =	sadd.s32 $0x10, s12  }
0x31: {  	v0 =	vld [tilespmem:s14+$0x0];
	p1 =	slt.u32 s12, $0x270  }
.Ltmp5:
0x32: {  	_ = 	snop;
	(pc) =	sbr.rel @p1 .LBB2_6-.Ltmp5, $2  }
0x33: {  	_ =	sdelay $0x2  }
0x34: {  	s14 =	sadd.s32 $0x10, s14;
	[tilespmem:s13+$0x0] =	vst v0;
	s13 =	sadd.s32 $0x10, s13  }
.Ltmp6:
0x35: {  	(pc) =	sbr.rel .LBB2_8-.Ltmp6, $4  }
0x36: {  	_ = 	snop  }
0x37: {  	s10 =	sshrl.u32 s10, $0x3  }
0x38: {  	s10 =	sadd.s32 s4, s10  }
0x39: {  	[hbm4b:s10+s6] =	stream.linear.scatter [tilespmem:s8], [sflag:$0x2], $0x280, $0x38;
	[tilespmem:$0xA00] =	vst v63  }
.LBB2_2:
.Ltmp7:
0x3a: {  	(pc) =	sbr.rel .LBB2_9-.Ltmp7, $2  }
0x3b: {  	_ =	sdelay $0x2  }
0x3c: {  	[tilespmem:s7], [sflag:$0x1] =	stream.linear.gather [hbm4b:s5+s6], $0x280, $0x38;
	[tilespmem:$0xA00] =	vst v63  }
.LBB2_10:
0x3d: {  	s2 =	simm.s32 $0x2  }
0x3e: {  	_ =	swait.ge [sflag:s2], $0x280  }
0x3f: {  	[sflag:s2] =	ssyncset.done $0x0  }
0x40: {  	[sflag:s2] =	ssyncadd.s32 $0xFFFFFD80  }
0x41: {  	_ =	sfence.sel $0x180000  }
0x42: {  	s3 =	simm.s32 $0x1;
	[bflag:$0x0] =	sbarrier.arrive $0xFFFF  }
0x43: {  	[sflag:s3] =	ssyncpa.u1 $0x1  }
0x44: {  	[sflag:s2] =	ssyncpa.u1 $0x1  }
0x45: {  	_ =	strace $0x90000047  }
0x46: {  	s0 =	sadd.s32 @!p0 $0x100000, s0;
	[bflag:$0x2] =	sbarrier.arrive $0xFFFF  }
0x47: {  	[sflag:s0] =	ssyncadd.tile.s32 @!p0 $0x1;
	s0 =	simm.s32 @!p0 $0x3F  }
0x48: {  	_ =	swait.ge @!p0 [sflag:s0], s1  }
0x49: {  	s1 =	ssub.s32 @!p0 $0x0, s1;
	[sflag:s0] =	ssyncset.done @!p0 $0x0  }
0x4a: {  	[sflag:s0] =	ssyncadd.s32 @!p0 s1  }
0x4b: {  	[bflag:$0x3] =	sbarrier.arrive $0xFFFF  }
0x4c: {  	_ =	shalt  }
.Lfunc_end2:
execute1_lowered:
.L_overlay_start_2:
0x4d: {  	(tag) =	ssettag $0x2  }
0x4e: {  	s7 =	rddreg [dreg:$0x0]  }
0x4f: {  	s0 =	rddreg [dreg:$0x1]  }
0x50: {  	_ =	strace $0x8000004A;
	s3 =	stileid.u32;
	s4 =	simm.s32 $0x3E  }
0x51: {  	s1 =	sadd.s32 $0x38A00, s7;
	p0 =	sne.s32 s3, $0x0;
	[sflag:s4] =	ssyncpa.u1 $0x0  }
0x52: {  	s30 =	smin.u32 s3, $0x4;
	s2 =	simm.s32 @!p0 $0x1C3E;
	s5 =	simm.s32 @!p0 $0x0  }
0x53: {  	[spmem:s5], [sflag:s2] =	dma.local @!p0 [hbm:s1], $0x500  }
0x54: {  	s2 =	sadd.s32 s3, s30  }
0x55: {  	p1 =	slt.u32 s3, $0x4;
	s3 =	simm.s32 $0x3E80;
	s2 =	smul.u32 $0x1F40, s2  }
0x56: {  	s3 =	simm.s32 @!p1 $0x1F40  }
0x57: {  	s3 =	sadd.s32 s3, s2  }
0x58: {  	s3 =	smin.u32 s3, $0x27100  }
0x59: {  	s8 =	ssub.s32 s3, s2  }
0x5a: {  	p1 =	sgt.s32 s8, $0x0  }
0x5b: {  	s8 =	simm.s32 @!p1 $0x0  }
0x5c: {  	s5 =	simm.s32 @!p0 $0x3E;
	s31 =	smulhi.u32 $0x10624DD3, s8  }
0x5d: {  	_ =	swait.ge @!p0 [sflag:s5], $0x500  }
0x5e: {  	s6 =	simm.s32 $0x2;
	[sflag:s5] =	ssyncset.done @!p0 $0x0;
	s9 =	sshrl.u32 s31, $0x9  }
0x5f: {  	s11 =	simm.s32 $0x0;
	[sflag:s5] =	ssyncadd.s32 @!p0 $0xFFFFFB00;
	s10 =	smul.u32 $0x1F40, s9  }
.Ltmp8:
0x60: {  	s5 =	sadd.s32 $0x1400, s7;
	[bflag:$0x0] =	sbarrier.arrive $0xFFFF;
	(pc) =	sbr.rel .LBB3_1-.Ltmp8, $4  }
0x61: {  	s7 =	sadd.s32 $0x33A00, s7;
	[sflag:s4] =	ssyncpa.u1 $0x1;
	s4 =	simm.s32 $0x1  }
0x62: {  	[sflag:s4] =	ssyncpa.u1 $0x0;
	p1 =	sne.s32 s8, s10;
	s8 =	simm.s32 $0x1  }
0x63: {  	(ifvalue) =	ssetifvalue $0x2800;
	[sflag:s6] =	ssyncpa.u1 $0x0;
	s8 =	simm.s32 @!p1 $0x0  }
0x64: {  	vm0 =	vmmov $0xffff;
	s10 =	smov.u32 s2;
	s8 =	sadd.s32 s8, s9;
	s9 =	simm.s32 $0x0  }
.LBB3_5:
0x65: {  	p2 =	sne.s32 s11, s8  }
.Ltmp9:
0x66: {  	_ = 	snop;
	(pc) =	sbr.rel @!p2 .LBB3_6-.Ltmp9, $4  }
0x67: {  	_ = 	snop  }
0x68: {  	s12 =	sadd.s32 $0x1F40, s10  }
0x69: {  	s10 =	smov.u32 s2;
	s13 =	sadd.s32 $0x1, s11;
	p1 =	slt.s32 s12, s3  }
0x6a: {  	s11 =	smov.u32 s13;
	s10 =	smov.u32 @p1 s12  }
.LBB3_1:
0x6b: {  	p1 =	sge.u32 s11, s8  }
0x6c: {  	s12 =	sxor.u32 @!p1 $0xFFFFFFFF, s11  }
0x6d: {  	s12 =	sand.u32 @!p1 $0x1, s12  }
0x6e: {  	s12 =	smul.u32 @!p1 $0x1F40, s12  }
0x6f: {  	s13 =	sshrl.u32 @!p1 s10, $0x3  }
0x70: {  	s16 =	sand.u32 @!p1 $0x7, s10;
	s14 =	sadd.s32 @!p1 s5, s13;
	s15 =	sadd.s32 @!p1 $0x280, s12  }
0x71: {  	[tilespmem:s15], [sflag:$0x2] =	stream.linear.gather @!p1 [hbm4b:s14+s16], $0x1F40, $0x38;
	[tilespmem:$0x7F80] =	vst v63  }
0x72: {  	s13 =	sadd.s32 @!p1 s7, s13;
	s12 =	sadd.s32 @!p1 $0x4100, s12  }
0x73: {  	[tilespmem:s12], [sflag:$0x2] =	stream.linear.gather @!p1 [hbm4b:s13+s16], $0x1F40, $0x38;
	[tilespmem:$0x7F80] =	vst v63  }
0x74: {  	p1 =	seq.s32 s11, $0x0  }
.Ltmp10:
0x75: {  	_ = 	snop;
	(pc) =	sbr.rel @p1 .LBB3_5-.Ltmp10, $1  }
0x76: {  	_ =	sdelay $0x3  }
0x77: {  	s12 =	sand.u32 $0x1, s11  }
0x78: {  	_ =	swait.ge [sflag:s6], $0x3E80;
	p1 =	seq.s32 s12, $0x1;
	s12 =	simm.s32 $0x1F40  }
0x79: {  	[sflag:s6] =	ssyncset.done $0x0;
	s12 =	simm.s32 @!p1 $0x0  }
0x7a: {  	[sflag:s6] =	ssyncadd.s32 $0xFFFFC180;
	s14 =	sadd.s32 $0x280, s12  }
0x7b: {  	v0 =	vld.msk [tilespmem:s14+$0x0 ss:$0x1], $0xffff;
	_ =	sdelay $0x4  }
0x7c: {  	v0 =	vmin.u32 v0, $0x2800;
	_ =	sdelay $0x3  }
0x7d: {  	s13 =	simm.s32 $0x0;
	s12 =	sadd.s32 $0x4100, s12;
	s14 =	sadd.s32 $0x10, s14  }
0x7e: {  	[spmem:s9] =	stream.indirect_vreg.scatter.add.s32 [tilespmem:s12], [sflag:$0x1], $0x1, v0, vm0, $0x4038;
	[tilespmem:$0x7F80] =	vst v63  }
.LBB3_3:
0x7f: {  	v0 =	vld.msk [tilespmem:s14+$0x0 ss:$0x1], $0xffff;
	s13 =	sadd.s32 $0x10, s13  }
0x80: {  	p1 =	slt.u32 s13, $0x1F30;
	_ =	sdelay $0x4  }
0x81: {  	v0 =	vmin.u32 v0, $0x2800  }
.Ltmp11:
0x82: {  	(pc) =	sbr.rel @p1 .LBB3_3-.Ltmp11, $3  }
0x83: {  	_ =	sdelay $0x1  }
0x84: {  	s14 =	sadd.s32 $0x10, s14;
	s12 =	sadd.s32 $0x10, s12  }
0x85: {  	[spmem:s9] =	stream.indirect_vreg.scatter.add.s32 [tilespmem:s12], [sflag:$0x1], $0x1, v0, vm0, $0x4038;
	[tilespmem:$0x7F80] =	vst v63  }
.Ltmp12:
0x86: {  	(pc) =	sbr.rel .LBB3_5-.Ltmp12, $4  }
0x87: {  	_ = 	snop  }
0x88: {  	_ =	swait.ge [sflag:s4], $0x1F40  }
0x89: {  	[sflag:s4] =	ssyncset.done $0x0  }
0x8a: {  	[sflag:s4] =	ssyncadd.s32 $0xFFFFE0C0  }
.LBB3_6:
0x8b: {  	_ =	sfence.sel $0x180000  }
0x8c: {  	s2 =	simm.s32 $0x2;
	[bflag:$0x0] =	sbarrier.arrive $0xFFFF  }
0x8d: {  	s30 =	simm.s32 $0x1;
	[sflag:s2] =	ssyncpa.u1 $0x1  }
0x8e: {  	[sflag:s30] =	ssyncpa.u1 $0x1  }
0x8f: {  	_ =	sfence.stream.spmem  }
0x90: {  	s31 =	simm.s32 $0x3D;
	[bflag:$0x0] =	sbarrier.arrive $0xFFFF  }
0x91: {  	s2 =	simm.s32 @p0 $0x3D;
	[sflag:s31] =	ssyncpa.u1 $0x0  }
0x92: {  	[sflag:s2] =	ssyncpa.u1 @p0 $0x1  }
0x93: {  	[bflag:$0x0] =	sbarrier.arrive @p0 $0xFFFF  }
0x94: {  	_ =	strace @p0 $0x9000004A  }
0x95: {  	s3 =	simm.s32 @!p0 $0x1C3D;
	s2 =	simm.s32 @!p0 $0x0;
	[bflag:$0x2] =	sbarrier.arrive @p0 $0xFFFF  }
0x96: {  	[hbm:s1], [sflag:s3] =	dma.local @!p0 [spmem:s2], $0x500  }
0x97: {  	s1 =	simm.s32 @!p0 $0x3D  }
0x98: {  	_ =	swait.ge @!p0 [sflag:s1], $0x500  }
0x99: {  	[sflag:s1] =	ssyncset.done @!p0 $0x0  }
0x9a: {  	[sflag:s1] =	ssyncadd.s32 @!p0 $0xFFFFFB00  }
0x9b: {  	[sflag:s1] =	ssyncpa.u1 @!p0 $0x1  }
0x9c: {  	[bflag:$0x0] =	sbarrier.arrive @!p0 $0xFFFF  }
0x9d: {  	_ =	strace @!p0 $0x9000004A  }
0x9e: {  	s0 =	sadd.s32 @!p0 $0x100000, s0;
	[bflag:$0x2] =	sbarrier.arrive @!p0 $0xFFFF  }
0x9f: {  	[sflag:s0] =	ssyncadd.tile.s32 @!p0 $0x1;
	_ =	shalt  }
.Lfunc_end3:
_tile_overlayer_lowered:
.L_overlay_start_3:
0xa0: {  	(tag) =	ssettag $0x3  }
0xa1: {  	s0 =	rddreg [dreg:$0x0];
	s2 =	stileid.u32  }
0xa2: {  	s1 =	rddreg [dreg:$0x1];
	p0 =	sne.s32 s2, $0x0  }
0xa3: {  	s3 =	rddreg [dreg:$0x2];
	[bflag:$0x3] =	sbarrier.arrive $0xFFFF;
	s2 =	simm.s32 @!p0 $0x1C01  }
0xa4: {  	[timem:s3], [sflag:s2] =	dma.local @!p0 [hbm:s0], s1  }
0xa5: {  	s0 =	simm.s32 @!p0 $0x1  }
0xa6: {  	_ =	swait.ge @!p0 [sflag:s0], s1  }
0xa7: {  	s1 =	ssub.s32 @!p0 $0x0, s1;
	[sflag:s0] =	ssyncset.done @!p0 $0x0  }
0xa8: {  	[sflag:s0] =	ssyncadd.s32 @!p0 s1  }
0xa9: {  	[bflag:$0x3] =	sbarrier.arrive $0xFFFF  }
0xaa: {  	_ =	shalt  }

</sc_bundles>
